<compile_context>
chip_gen: v7x
topology: tpu7x:2x2x1
jax: 0.10.2.dev20260603
libtpu: 0.0.44.dev20260713+nightly
codegen_flags: <defaults>
</compile_context>

<pallas_src>
import functools

import jax
import jax.numpy as jnp
from jax import lax
from jax.experimental import pallas as pl
from jax.experimental.pallas import tpu as pltpu
from jax.experimental.pallas import tpu_sc as plsc

_N = 10000
_IN = 128
_HID = 16
_E = 320000

_CHUNK = 1000
_NMACRO = 20
_NPAD = 10240
_ZR = _NPAD // 16
_PR = _N // 16

_BLK = 2000

_sc_mesh = plsc.VectorSubcoreMesh(core_axis_name="c", subcore_axis_name="s")

_f32 = jnp.float32


@functools.partial(
    pl.kernel,
    out_type=jax.ShapeDtypeStruct((_NPAD, 4 * _HID), _f32),
    mesh=_sc_mesh,
    scratch_types=[
        pltpu.VMEM((_NMACRO * _CHUNK,), jnp.int32),
        pltpu.VMEM((_NMACRO * _CHUNK,), jnp.int32),
        pltpu.VMEM((_CHUNK, _HID), _f32),
        pltpu.VMEM((_CHUNK, _HID), _f32),
        pltpu.VMEM_SHARED((_NPAD, _HID), _f32),
        pltpu.VMEM_SHARED((_NPAD, _HID), _f32),
        pltpu.VMEM_SHARED((_N, _HID), _f32),
        pltpu.SemaphoreType.DMA,
        pltpu.SemaphoreType.DMA,
    ],
    compiler_params=pltpu.CompilerParams(use_tc_tiling_on_sc=False),
)
def _gnn_sc(xrp_hbm, xrl_hbm, xsp_hbm, xsl_hbm, ep_hbm, el_hbm, out_hbm,
            sidx, didx, rows_a, rows_b, acc1, acc2, table, gsem, ssem):
    cid = lax.axis_index("c")
    sid = lax.axis_index("s")

    hbuf = rows_a
    xsbuf = rows_b

    zero = jnp.zeros((_HID,), _f32)

    @pl.loop(0, _ZR)
    def _(i):
        hbuf[i, :] = zero

    pltpu.sync_copy(hbuf.at[pl.ds(0, _ZR)], acc1.at[pl.ds(sid * _ZR, _ZR)])
    pltpu.sync_copy(hbuf.at[pl.ds(0, _ZR)], acc2.at[pl.ds(sid * _ZR, _ZR)])
    plsc.subcore_barrier()

    def seg(x_src_ref, acc):
        def g(m, buf):
            return pltpu.async_copy(
                x_src_ref.at[sidx.at[pl.ds(m * _CHUNK, _CHUNK)]], buf, gsem)

        def s(m, buf):
            return pltpu.async_copy(
                buf, acc.at[didx.at[pl.ds(m * _CHUNK, _CHUNK)]], ssem, add=True)

        K = 5

        @pl.loop(0, _NMACRO // K)
        def _(mm):
            m0 = K * mm
            bufs = [rows_a, rows_b]
            inflight = {0: g(m0, bufs[0]), 1: g(m0 + 1, bufs[1])}
            for j in range(K):
                buf = bufs[j % 2]
                inflight[j].wait()
                s_h = s(m0 + j, buf)
                s_h.wait()
                if j + 2 < K:
                    inflight[j + 2] = g(m0 + j + 2, buf)

    def branch(xr, xs, edges, col0):
        base = sid * _NMACRO * _CHUNK
        pltpu.sync_copy(edges.at[0].at[pl.ds(base, _NMACRO * _CHUNK)], sidx)
        pltpu.sync_copy(edges.at[1].at[pl.ds(base, _NMACRO * _CHUNK)], didx)

        t0 = sid * _PR
        pltpu.sync_copy(xr.at[pl.ds(t0, _PR)], rows_b.at[pl.ds(0, _PR)])
        pltpu.sync_copy(rows_b.at[pl.ds(0, _PR)], table.at[pl.ds(t0, _PR)])
        plsc.subcore_barrier()

        seg(table, acc1)
        plsc.subcore_barrier()

        p0 = sid * _PR
        pltpu.sync_copy(acc1.at[pl.ds(p0, _PR)], hbuf.at[pl.ds(0, _PR)])
        pltpu.sync_copy(xs.at[pl.ds(p0, _PR)], xsbuf.at[pl.ds(0, _PR)])

        @pl.loop(0, _PR)
        def _(i):
            hbuf[i, :] = jnp.maximum(hbuf[i, :] + xsbuf[i, :], 0.0)

        pltpu.sync_copy(hbuf.at[pl.ds(0, _PR)],
                        out_hbm.at[pl.ds(p0, _PR), pl.ds(col0 + _HID, _HID)])
        pltpu.sync_copy(hbuf.at[pl.ds(0, _PR)], table.at[pl.ds(p0, _PR)])
        plsc.subcore_barrier()

        seg(table, acc2)
        plsc.subcore_barrier()
        pltpu.sync_copy(acc2.at[pl.ds(sid * _ZR, _ZR)],
                        out_hbm.at[pl.ds(sid * _ZR, _ZR), pl.ds(col0, _HID)])

    @pl.when(cid == 0)
    def _():
        branch(xrp_hbm, xsp_hbm, ep_hbm, 0)

    @pl.when(cid == 1)
    def _():
        branch(xrl_hbm, xsl_hbm, el_hbm, 2 * _HID)


def _mlp1_body(xp_ref, xl_ref, wrp, wsp, wrl, wsl, bp, bl,
               xrp_ref, xsp_ref, xrl_ref, xsl_ref):
    xp = xp_ref[...]
    xl = xl_ref[...]
    xrp_ref[...] = jnp.dot(xp, wrp[...], preferred_element_type=_f32)
    xsp_ref[...] = jnp.dot(xp, wsp[...], preferred_element_type=_f32) + bp[...]
    xrl_ref[...] = jnp.dot(xl, wrl[...], preferred_element_type=_f32)
    xsl_ref[...] = jnp.dot(xl, wsl[...], preferred_element_type=_f32) + bl[...]


def _head_body(m64, wrp2, wsp2, wrl2, wsl2, b2p, b2l,
               winp, winl, bin_, wout, bout, out_ref):
    w64 = jnp.concatenate([
        jnp.dot(wrp2[...], winp[...], preferred_element_type=_f32),
        jnp.dot(wsp2[...], winp[...], preferred_element_type=_f32),
        jnp.dot(wrl2[...], winl[...], preferred_element_type=_f32),
        jnp.dot(wsl2[...], winl[...], preferred_element_type=_f32),
    ], axis=0)
    c = (jnp.dot(b2p[...], winp[...], preferred_element_type=_f32)
         + jnp.dot(b2l[...], winl[...], preferred_element_type=_f32)
         + bin_[...])
    a = jnp.dot(m64[...], w64, preferred_element_type=_f32) + c
    a = jnp.maximum(a, 0.0)
    out_ref[...] = jnp.tanh(
        jnp.dot(a, wout[...], preferred_element_type=_f32) + bout[...])


def _full(shape):
    return pl.BlockSpec(shape, lambda i: (0, 0))


def _rows(w):
    return pl.BlockSpec((_BLK, w), lambda i: (i, 0))


def kernel(protein_data, protein_edge_index, ligand_data, ligand_edge_index,
           p_Wr1, p_Ws1, p_b1, p_Wr2, p_Ws2, p_b2,
           l_Wr1, l_Ws1, l_b1, l_Wr2, l_Ws2, l_b2,
           W_in, b_in, W_out, b_out):
    ep = protein_edge_index.astype(jnp.int32)
    el = ligand_edge_index.astype(jnp.int32)

    nblk = _N // _BLK
    o16 = jax.ShapeDtypeStruct((_N, _HID), _f32)

    xrp, xsp, xrl, xsl = pl.pallas_call(
        _mlp1_body,
        grid=(nblk,),
        in_specs=[_rows(_IN), _rows(_IN),
                  _full((_IN, _HID)), _full((_IN, _HID)),
                  _full((_IN, _HID)), _full((_IN, _HID)),
                  _full((1, _HID)), _full((1, _HID))],
        out_specs=[_rows(_HID)] * 4,
        out_shape=[o16] * 4,
    )(protein_data, ligand_data, p_Wr1, p_Ws1, l_Wr1, l_Ws1,
      p_b1.reshape(1, _HID), l_b1.reshape(1, _HID))

    m64 = _gnn_sc(xrp, xrl, xsp, xsl, ep, el)

    ogcn = W_in.shape[0] // 2
    ahid = W_in.shape[1]
    act = W_out.shape[1]
    out = pl.pallas_call(
        _head_body,
        grid=(nblk,),
        in_specs=[_rows(4 * _HID)] + [
            _full((_HID, ogcn)), _full((_HID, ogcn)),
            _full((_HID, ogcn)), _full((_HID, ogcn)),
            _full((1, ogcn)), _full((1, ogcn)),
            _full((ogcn, ahid)), _full((ogcn, ahid)),
            _full((1, ahid)), _full((ahid, act)), _full((1, act))],
        out_specs=_rows(act),
        out_shape=jax.ShapeDtypeStruct((_N, act), _f32),
    )(m64, p_Wr2, p_Ws2, l_Wr2, l_Ws2,
      p_b2.reshape(1, ogcn), l_b2.reshape(1, ogcn),
      W_in[:ogcn], W_in[ogcn:], b_in.reshape(1, ahid), W_out,
      b_out.reshape(1, act))
    return out

# --- scband reference (transcript-rebuilt; emitter-appended) ---
"""Pipeline reference for scband-actor-gnn-59047210385712 (READ-ONLY COPY).

The authoritative reference and input builder live on the scoring server;
editing this copy changes nothing except your own understanding.
"""

import jax, jax.numpy as jnp
import numpy as np

IN_DIM = 128
HID = 16
OUT_GCN = 50
ACT_HID = 60
ACTION = 64
N = 10000
E = 320000


def _uniform(key, shape, scale):
    return jax.random.uniform(key, shape, jnp.float32, -scale, scale)


def setup_inputs(seed: int = 0) -> dict:
    key = jax.random.key(seed)
    ks = jax.random.split(key, 24)
    inp = {}
    inp["protein_data"] = jax.random.normal(ks[0], (N, IN_DIM), jnp.float32)
    inp["ligand_data"] = jax.random.normal(ks[1], (N, IN_DIM), jnp.float32)
    inp["protein_edge_index"] = jax.random.randint(ks[2], (2, E), 0, N, jnp.int64 if jax.config.jax_enable_x64 else jnp.int32)
    inp["ligand_edge_index"] = jax.random.randint(ks[3], (2, E), 0, N, jnp.int64 if jax.config.jax_enable_x64 else jnp.int32)
    # GraphConv params: W_rel (neighbor transform), W_root (self transform), bias
    s1 = 1.0 / np.sqrt(IN_DIM)
    s2 = 1.0 / np.sqrt(HID)
    inp["p_Wr1"] = _uniform(ks[4], (IN_DIM, HID), s1)
    inp["p_Ws1"] = _uniform(ks[5], (IN_DIM, HID), s1)
    inp["p_b1"] = jnp.zeros((HID,), jnp.float32)
    inp["p_Wr2"] = _uniform(ks[6], (HID, OUT_GCN), s2)
    inp["p_Ws2"] = _uniform(ks[7], (HID, OUT_GCN), s2)
    inp["p_b2"] = jnp.zeros((OUT_GCN,), jnp.float32)
    inp["l_Wr1"] = _uniform(ks[8], (IN_DIM, HID), s1)
    inp["l_Ws1"] = _uniform(ks[9], (IN_DIM, HID), s1)
    inp["l_b1"] = jnp.zeros((HID,), jnp.float32)
    inp["l_Wr2"] = _uniform(ks[10], (HID, OUT_GCN), s2)
    inp["l_Ws2"] = _uniform(ks[11], (HID, OUT_GCN), s2)
    inp["l_b2"] = jnp.zeros((OUT_GCN,), jnp.float32)
    s3 = 1.0 / np.sqrt(2 * OUT_GCN)
    inp["W_in"] = _uniform(ks[12], (2 * OUT_GCN, ACT_HID), s3)
    inp["b_in"] = jnp.zeros((ACT_HID,), jnp.float32)
    inp["W_out"] = _uniform(ks[13], (ACT_HID, ACTION), 0.003)
    inp["b_out"] = jnp.zeros((ACTION,), jnp.float32)
    return inp


def _graph_conv(x, edge_index, W_rel, W_root, b):
    # PyG GraphConv with add aggregation: out_i = W_root x_i + W_rel * sum_{j->i} x_j + b
    src = edge_index[0]
    dst = edge_index[1]
    agg = jax.ops.segment_sum(jnp.take(x, src, axis=0), dst, num_segments=x.shape[0])
    return agg @ W_rel + x @ W_root + b


def reference(protein_data, protein_edge_index, ligand_data, ligand_edge_index,
              p_Wr1, p_Ws1, p_b1, p_Wr2, p_Ws2, p_b2,
              l_Wr1, l_Ws1, l_b1, l_Wr2, l_Ws2, l_b2,
              W_in, b_in, W_out, b_out):
    # protein branch (dropout is identity in eval mode)
    p = _graph_conv(protein_data, protein_edge_index, p_Wr1, p_Ws1, p_b1)
    p = jax.nn.relu(p)
    p = _graph_conv(p, protein_edge_index, p_Wr2, p_Ws2, p_b2)
    # ligand branch
    l = _graph_conv(ligand_data, ligand_edge_index, l_Wr1, l_Ws1, l_b1)
    l = jax.nn.relu(l)
    l = _graph_conv(l, ligand_edge_index, l_Wr2, l_Ws2, l_b2)
    m = jnp.concatenate((p, l), axis=1)
    a = jax.nn.relu(m @ W_in + b_in)
    a = a @ W_out + b_out
    return jnp.tanh(a)

if __name__ == "__main__":
    import jax
    _d = setup_inputs()
    print(jax.jit(kernel)(*tuple(_d.values())))

</pallas_src>

<mosaic_0001>
#map = affine_map<(d0, d1) -> (0, 0)>
module attributes {stable_mosaic.version = 14 : i64} {
  func.func @_gnn_sc(%arg0: i32, %arg1: i32, %arg2: memref<10000x16xf32, #tpu.memory_space<hbm>>, %arg3: memref<10000x16xf32, #tpu.memory_space<hbm>>, %arg4: memref<10000x16xf32, #tpu.memory_space<hbm>>, %arg5: memref<10000x16xf32, #tpu.memory_space<hbm>>, %arg6: memref<10000x128xi32, #tpu.memory_space<hbm>>, %arg7: memref<2x320000xi32, #tpu.memory_space<hbm>>, %arg8: memref<10240x64xf32, #tpu.memory_space<hbm>>, %arg9: memref<20000xi32, #tpu.memory_space<vmem>>, %arg10: memref<20000xi32, #tpu.memory_space<vmem>>, %arg11: memref<1000x16xf32, #tpu.memory_space<vmem>>, %arg12: memref<1000x16xf32, #tpu.memory_space<vmem>>, %arg13: memref<10240x16xf32, #tpu.memory_space<vmem_shared>>, %arg14: memref<10240x16xf32, #tpu.memory_space<vmem_shared>>, %arg15: memref<10000x16xf32, #tpu.memory_space<vmem_shared>>, %arg16: memref<!tpu.dma_semaphore, #tpu.memory_space<semaphore_mem>>, %arg17: memref<!tpu.dma_semaphore, #tpu.memory_space<semaphore_mem>>) attributes {dimension_semantics = [#tpu.dimension_semantics<core_parallel>, #tpu.dimension_semantics<subcore_parallel>], iteration_bounds = array<i64: 2, 16>, scalar_prefetch = 0 : i64, scratch_operands = 9 : i64, tpu.core_type = #tpu.core_type<sc_vector_subcore>, window_params = [{transform_indices = #map}, {transform_indices = #map}, {transform_indices = #map}, {transform_indices = #map}, {transform_indices = #map}, {transform_indices = #map}, {transform_indices = #map}]} {
    %broadcast_in_dim3A = arith.constant 0.000000e+00 : f32
    %broadcast_in_dim3A_0 = vector.broadcast %broadcast_in_dim3A : f32 to vector<16xf32>
    %scan3A = arith.constant 0 : i32
    %scan3A_1 = arith.constant 640 : i32
    %scan3A_2 = arith.addi %scan3A, %scan3A_1 : i32
    %scan3A_3 = arith.constant 1 : i32
    scf.for %scan3A_15 = %scan3A to %scan3A_2 step %scan3A_3  : i32 {
      %mul3A_16 = arith.constant 1 : i32
      %mul3A_17 = arith.muli %scan3A_15, %mul3A_16 : i32
      %add3A = arith.constant 0 : i32
      %add3A_18 = arith.addi %add3A, %mul3A_17 : i32
      %swap3A = arith.index_cast %add3A_18 : i32 to index
      %swap3A_19 = arith.constant 0 : index
      %swap3A_20 = tpu.vector_load %arg11[%swap3A, %swap3A_19] {strides = array<i32>} : memref<1000x16xf32, #tpu.memory_space<vmem>>, vector<1x16xf32>,
      %swap3A_21 = vector.shape_cast %swap3A_20 : vector<1x16xf32> to vector<16xf32>
      %swap3A_22 = vector.shape_cast %broadcast_in_dim3A_0 : vector<16xf32> to vector<1x16xf32>
      tpu.vector_store %arg11[%swap3A, %swap3A_19], %swap3A_22 {strides = array<i32>} : memref<1000x16xf32, #tpu.memory_space<vmem>>, vector<1x16xf32>,
    }
    %scan3A_4 = arith.constant 640 : i32
    %mul3A = arith.constant 640 : i32
    %mul3A_5 = arith.muli %arg1, %mul3A : i32
    "tpu.region"() ({
      %run_scoped3A = tpu.sem_alloc : memref<!tpu.dma_semaphore, #tpu.memory_space<semaphore_mem>>
      %dma_start3A = arith.constant 0 : i32
      %dma_start3A_15 = arith.constant 0 : i32
      %dma_start3A_16 = tpu.memref_slice %arg11[%dma_start3A, %dma_start3A_15] : memref<1000x16xf32, #tpu.memory_space<vmem>> -> memref<640x16xf32, #tpu.memory_space<vmem>>
      %dma_start3A_17 = arith.constant 0 : i32
      %dma_start3A_18 = tpu.memref_slice %arg13[%mul3A_5, %dma_start3A_17] : memref<10240x16xf32, #tpu.memory_space<vmem_shared>> -> memref<640x16xf32, #tpu.memory_space<vmem_shared>>
      %dma_start3A_19 = arith.constant 0 : i32
      %dma_start3A_20 = tpu.memref_slice %arg13[%mul3A_5, %dma_start3A_19] : memref<10240x16xf32, #tpu.memory_space<vmem_shared>> -> memref<640x16xf32, #tpu.memory_space<vmem_shared>>
      %dma_start3A_21 = arith.constant 0 : i32
      %dma_start3A_22 = arith.constant 0 : i32
      %dma_start3A_23 = tpu.memref_slice %arg11[%dma_start3A_21, %dma_start3A_22] : memref<1000x16xf32, #tpu.memory_space<vmem>> -> memref<640x16xf32, #tpu.memory_space<vmem>>
      tpu.enqueue_dma source(%dma_start3A_23 : memref<640x16xf32, #tpu.memory_space<vmem>>) target(%dma_start3A_20 : memref<640x16xf32, #tpu.memory_space<vmem_shared>>) target_semaphore(%run_scoped3A : memref<!tpu.dma_semaphore, #tpu.memory_space<semaphore_mem>>)
      %dma_wait3A = arith.constant 0 : i32
      %dma_wait3A_24 = arith.constant 0 : i32
      %dma_wait3A_25 = tpu.memref_slice %arg11[%dma_wait3A, %dma_wait3A_24] : memref<1000x16xf32, #tpu.memory_space<vmem>> -> memref<640x16xf32, #tpu.memory_space<vmem>>
      %dma_wait3A_26 = arith.constant 0 : i32
      %dma_wait3A_27 = tpu.memref_slice %arg13[%mul3A_5, %dma_wait3A_26] : memref<10240x16xf32, #tpu.memory_space<vmem_shared>> -> memref<640x16xf32, #tpu.memory_space<vmem_shared>>
      %dma_wait3A_28 = arith.constant 0 : i32
      %dma_wait3A_29 = tpu.memref_slice %arg13[%mul3A_5, %dma_wait3A_28] : memref<10240x16xf32, #tpu.memory_space<vmem_shared>> -> memref<640x16xf32, #tpu.memory_space<vmem_shared>>
      %dma_wait3A_30 = arith.constant 0 : i32
      %dma_wait3A_31 = arith.constant 0 : i32
      %dma_wait3A_32 = tpu.memref_slice %arg11[%dma_wait3A_30, %dma_wait3A_31] : memref<1000x16xf32, #tpu.memory_space<vmem>> -> memref<640x16xf32, #tpu.memory_space<vmem>>
      tpu.wait_dma2 semaphore(%run_scoped3A : memref<!tpu.dma_semaphore, #tpu.memory_space<semaphore_mem>>) src(%dma_wait3A_32 : memref<640x16xf32, #tpu.memory_space<vmem>>) dst(%dma_wait3A_29 : memref<640x16xf32, #tpu.memory_space<vmem_shared>>)
      tpu.yield
    }) : () -> ()
    %mul3A_6 = arith.constant 640 : i32
    %mul3A_7 = arith.muli %arg1, %mul3A_6 : i32
    "tpu.region"() ({
      %run_scoped3A = tpu.sem_alloc : memref<!tpu.dma_semaphore, #tpu.memory_space<semaphore_mem>>
      %dma_start3A = arith.constant 0 : i32
      %dma_start3A_15 = arith.constant 0 : i32
      %dma_start3A_16 = tpu.memref_slice %arg11[%dma_start3A, %dma_start3A_15] : memref<1000x16xf32, #tpu.memory_space<vmem>> -> memref<640x16xf32, #tpu.memory_space<vmem>>
      %dma_start3A_17 = arith.constant 0 : i32
      %dma_start3A_18 = tpu.memref_slice %arg14[%mul3A_7, %dma_start3A_17] : memref<10240x16xf32, #tpu.memory_space<vmem_shared>> -> memref<640x16xf32, #tpu.memory_space<vmem_shared>>
      %dma_start3A_19 = arith.constant 0 : i32
      %dma_start3A_20 = tpu.memref_slice %arg14[%mul3A_7, %dma_start3A_19] : memref<10240x16xf32, #tpu.memory_space<vmem_shared>> -> memref<640x16xf32, #tpu.memory_space<vmem_shared>>
      %dma_start3A_21 = arith.constant 0 : i32
      %dma_start3A_22 = arith.constant 0 : i32
      %dma_start3A_23 = tpu.memref_slice %arg11[%dma_start3A_21, %dma_start3A_22] : memref<1000x16xf32, #tpu.memory_space<vmem>> -> memref<640x16xf32, #tpu.memory_space<vmem>>
      tpu.enqueue_dma source(%dma_start3A_23 : memref<640x16xf32, #tpu.memory_space<vmem>>) target(%dma_start3A_20 : memref<640x16xf32, #tpu.memory_space<vmem_shared>>) target_semaphore(%run_scoped3A : memref<!tpu.dma_semaphore, #tpu.memory_space<semaphore_mem>>)
      %dma_wait3A = arith.constant 0 : i32
      %dma_wait3A_24 = arith.constant 0 : i32
      %dma_wait3A_25 = tpu.memref_slice %arg11[%dma_wait3A, %dma_wait3A_24] : memref<1000x16xf32, #tpu.memory_space<vmem>> -> memref<640x16xf32, #tpu.memory_space<vmem>>
      %dma_wait3A_26 = arith.constant 0 : i32
      %dma_wait3A_27 = tpu.memref_slice %arg14[%mul3A_7, %dma_wait3A_26] : memref<10240x16xf32, #tpu.memory_space<vmem_shared>> -> memref<640x16xf32, #tpu.memory_space<vmem_shared>>
      %dma_wait3A_28 = arith.constant 0 : i32
      %dma_wait3A_29 = tpu.memref_slice %arg14[%mul3A_7, %dma_wait3A_28] : memref<10240x16xf32, #tpu.memory_space<vmem_shared>> -> memref<640x16xf32, #tpu.memory_space<vmem_shared>>
      %dma_wait3A_30 = arith.constant 0 : i32
      %dma_wait3A_31 = arith.constant 0 : i32
      %dma_wait3A_32 = tpu.memref_slice %arg11[%dma_wait3A_30, %dma_wait3A_31] : memref<1000x16xf32, #tpu.memory_space<vmem>> -> memref<640x16xf32, #tpu.memory_space<vmem>>
      tpu.wait_dma2 semaphore(%run_scoped3A : memref<!tpu.dma_semaphore, #tpu.memory_space<semaphore_mem>>) src(%dma_wait3A_32 : memref<640x16xf32, #tpu.memory_space<vmem>>) dst(%dma_wait3A_29 : memref<640x16xf32, #tpu.memory_space<vmem_shared>>)
      tpu.yield
    }) : () -> ()
    %barrier3A = arith.constant 0 : index
    tpu.barrier barrier_id(%barrier3A)
    %eq3A = arith.constant 0 : i32
    %eq3A_8 = arith.cmpi eq, %arg0, %eq3A : i32
    %convert_element_type3A = arith.extui %eq3A_8 : i1 to i32
    %cond3A = arith.constant 0 : i32
    %cond3A_9 = arith.cmpi ne, %convert_element_type3A, %cond3A : i32
    scf.if %cond3A_9 {
      %mul3A_15 = arith.constant 20 : i32
      %mul3A_16 = arith.muli %arg1, %mul3A_15 : i32
      %mul3A_17 = arith.constant 1000 : i32
      %mul3A_18 = arith.muli %mul3A_16, %mul3A_17 : i32
      %run_scoped3A = arith.constant 0 : i32
      "tpu.region"() ({
        %run_scoped3A_47 = tpu.sem_alloc : memref<!tpu.dma_semaphore, #tpu.memory_space<semaphore_mem>>
        %dma_start3A = arith.constant 0 : i32
        %dma_start3A_48 = tpu.memref_slice %arg6[%run_scoped3A, %dma_start3A] : memref<10000x128xi32, #tpu.memory_space<hbm>> -> memref<1x128xi32, #tpu.memory_space<hbm>>
        %dma_start3A_49 = tpu.memref_squeeze %dma_start3A_48 : memref<1x128xi32, #tpu.memory_space<hbm>> -> memref<128xi32, #tpu.memory_space<hbm>>
        %dma_start3A_50 = tpu.memref_slice %dma_start3A_49[%mul3A_18] : memref<128xi32, #tpu.memory_space<hbm>> -> memref<20000xi32, #tpu.memory_space<hbm>>
        %dma_start3A_51 = arith.constant 0 : i32
        %dma_start3A_52 = tpu.memref_slice %arg6[%run_scoped3A, %dma_start3A_51] : memref<10000x128xi32, #tpu.memory_space<hbm>> -> memref<1x128xi32, #tpu.memory_space<hbm>>
        %dma_start3A_53 = tpu.memref_squeeze %dma_start3A_52 : memref<1x128xi32, #tpu.memory_space<hbm>> -> memref<128xi32, #tpu.memory_space<hbm>>
        %dma_start3A_54 = tpu.memref_slice %dma_start3A_53[%mul3A_18] : memref<128xi32, #tpu.memory_space<hbm>> -> memref<20000xi32, #tpu.memory_space<hbm>>
        tpu.enqueue_dma source(%dma_start3A_54 : memref<20000xi32, #tpu.memory_space<hbm>>) target(%arg9 : memref<20000xi32, #tpu.memory_space<vmem>>) target_semaphore(%run_scoped3A_47 : memref<!tpu.dma_semaphore, #tpu.memory_space<semaphore_mem>>)
        %dma_wait3A = arith.constant 0 : i32
        %dma_wait3A_55 = tpu.memref_slice %arg6[%run_scoped3A, %dma_wait3A] : memref<10000x128xi32, #tpu.memory_space<hbm>> -> memref<1x128xi32, #tpu.memory_space<hbm>>
        %dma_wait3A_56 = tpu.memref_squeeze %dma_wait3A_55 : memref<1x128xi32, #tpu.memory_space<hbm>> -> memref<128xi32, #tpu.memory_space<hbm>>
        %dma_wait3A_57 = tpu.memref_slice %dma_wait3A_56[%mul3A_18] : memref<128xi32, #tpu.memory_space<hbm>> -> memref<20000xi32, #tpu.memory_space<hbm>>
        %dma_wait3A_58 = arith.constant 0 : i32
        %dma_wait3A_59 = tpu.memref_slice %arg6[%run_scoped3A, %dma_wait3A_58] : memref<10000x128xi32, #tpu.memory_space<hbm>> -> memref<1x128xi32, #tpu.memory_space<hbm>>
        %dma_wait3A_60 = tpu.memref_squeeze %dma_wait3A_59 : memref<1x128xi32, #tpu.memory_space<hbm>> -> memref<128xi32, #tpu.memory_space<hbm>>
        %dma_wait3A_61 = tpu.memref_slice %dma_wait3A_60[%mul3A_18] : memref<128xi32, #tpu.memory_space<hbm>> -> memref<20000xi32, #tpu.memory_space<hbm>>
        tpu.wait_dma2 semaphore(%run_scoped3A_47 : memref<!tpu.dma_semaphore, #tpu.memory_space<semaphore_mem>>) src(%dma_wait3A_61 : memref<20000xi32, #tpu.memory_space<hbm>>) dst(%arg9 : memref<20000xi32, #tpu.memory_space<vmem>>)
        tpu.yield
      }) : () -> ()
      %run_scoped3A_19 = arith.constant 1 : i32
      "tpu.region"() ({
        %run_scoped3A_47 = tpu.sem_alloc : memref<!tpu.dma_semaphore, #tpu.memory_space<semaphore_mem>>
        %dma_start3A = arith.constant 0 : i32
        %dma_start3A_48 = tpu.memref_slice %arg6[%run_scoped3A_19, %dma_start3A] : memref<10000x128xi32, #tpu.memory_space<hbm>> -> memref<1x128xi32, #tpu.memory_space<hbm>>
        %dma_start3A_49 = tpu.memref_squeeze %dma_start3A_48 : memref<1x128xi32, #tpu.memory_space<hbm>> -> memref<128xi32, #tpu.memory_space<hbm>>
        %dma_start3A_50 = tpu.memref_slice %dma_start3A_49[%mul3A_18] : memref<128xi32, #tpu.memory_space<hbm>> -> memref<20000xi32, #tpu.memory_space<hbm>>
        %dma_start3A_51 = arith.constant 0 : i32
        %dma_start3A_52 = tpu.memref_slice %arg6[%run_scoped3A_19, %dma_start3A_51] : memref<10000x128xi32, #tpu.memory_space<hbm>> -> memref<1x128xi32, #tpu.memory_space<hbm>>
        %dma_start3A_53 = tpu.memref_squeeze %dma_start3A_52 : memref<1x128xi32, #tpu.memory_space<hbm>> -> memref<128xi32, #tpu.memory_space<hbm>>
        %dma_start3A_54 = tpu.memref_slice %dma_start3A_53[%mul3A_18] : memref<128xi32, #tpu.memory_space<hbm>> -> memref<20000xi32, #tpu.memory_space<hbm>>
        tpu.enqueue_dma source(%dma_start3A_54 : memref<20000xi32, #tpu.memory_space<hbm>>) target(%arg10 : memref<20000xi32, #tpu.memory_space<vmem>>) target_semaphore(%run_scoped3A_47 : memref<!tpu.dma_semaphore, #tpu.memory_space<semaphore_mem>>)
        %dma_wait3A = arith.constant 0 : i32
        %dma_wait3A_55 = tpu.memref_slice %arg6[%run_scoped3A_19, %dma_wait3A] : memref<10000x128xi32, #tpu.memory_space<hbm>> -> memref<1x128xi32, #tpu.memory_space<hbm>>
        %dma_wait3A_56 = tpu.memref_squeeze %dma_wait3A_55 : memref<1x128xi32, #tpu.memory_space<hbm>> -> memref<128xi32, #tpu.memory_space<hbm>>
        %dma_wait3A_57 = tpu.memref_slice %dma_wait3A_56[%mul3A_18] : memref<128xi32, #tpu.memory_space<hbm>> -> memref<20000xi32, #tpu.memory_space<hbm>>
        %dma_wait3A_58 = arith.constant 0 : i32
        %dma_wait3A_59 = tpu.memref_slice %arg6[%run_scoped3A_19, %dma_wait3A_58] : memref<10000x128xi32, #tpu.memory_space<hbm>> -> memref<1x128xi32, #tpu.memory_space<hbm>>
        %dma_wait3A_60 = tpu.memref_squeeze %dma_wait3A_59 : memref<1x128xi32, #tpu.memory_space<hbm>> -> memref<128xi32, #tpu.memory_space<hbm>>
        %dma_wait3A_61 = tpu.memref_slice %dma_wait3A_60[%mul3A_18] : memref<128xi32, #tpu.memory_space<hbm>> -> memref<20000xi32, #tpu.memory_space<hbm>>
        tpu.wait_dma2 semaphore(%run_scoped3A_47 : memref<!tpu.dma_semaphore, #tpu.memory_space<semaphore_mem>>) src(%dma_wait3A_61 : memref<20000xi32, #tpu.memory_space<hbm>>) dst(%arg10 : memref<20000xi32, #tpu.memory_space<vmem>>)
        tpu.yield
      }) : () -> ()
      %mul3A_20 = arith.constant 625 : i32
      %mul3A_21 = arith.muli %arg1, %mul3A_20 : i32
      "tpu.region"() ({
        %run_scoped3A_47 = tpu.sem_alloc : memref<!tpu.dma_semaphore, #tpu.memory_space<semaphore_mem>>
        %dma_start3A = arith.constant 0 : i32
        %dma_start3A_48 = arith.constant 0 : i32
        %dma_start3A_49 = tpu.memref_slice %arg12[%dma_start3A, %dma_start3A_48] : memref<1000x16xf32, #tpu.memory_space<vmem>> -> memref<625x16xf32, #tpu.memory_space<vmem>>
        %dma_start3A_50 = arith.constant 0 : i32
        %dma_start3A_51 = tpu.memref_slice %arg2[%mul3A_21, %dma_start3A_50] : memref<10000x16xf32, #tpu.memory_space<hbm>> -> memref<625x16xf32, #tpu.memory_space<hbm>>
        %dma_start3A_52 = arith.constant 0 : i32
        %dma_start3A_53 = arith.constant 0 : i32
        %dma_start3A_54 = tpu.memref_slice %arg12[%dma_start3A_52, %dma_start3A_53] : memref<1000x16xf32, #tpu.memory_space<vmem>> -> memref<625x16xf32, #tpu.memory_space<vmem>>
        %dma_start3A_55 = arith.constant 0 : i32
        %dma_start3A_56 = tpu.memref_slice %arg2[%mul3A_21, %dma_start3A_55] : memref<10000x16xf32, #tpu.memory_space<hbm>> -> memref<625x16xf32, #tpu.memory_space<hbm>>
        tpu.enqueue_dma source(%dma_start3A_56 : memref<625x16xf32, #tpu.memory_space<hbm>>) target(%dma_start3A_54 : memref<625x16xf32, #tpu.memory_space<vmem>>) target_semaphore(%run_scoped3A_47 : memref<!tpu.dma_semaphore, #tpu.memory_space<semaphore_mem>>)
        %dma_wait3A = arith.constant 0 : i32
        %dma_wait3A_57 = arith.constant 0 : i32
        %dma_wait3A_58 = tpu.memref_slice %arg12[%dma_wait3A, %dma_wait3A_57] : memref<1000x16xf32, #tpu.memory_space<vmem>> -> memref<625x16xf32, #tpu.memory_space<vmem>>
        %dma_wait3A_59 = arith.constant 0 : i32
        %dma_wait3A_60 = tpu.memref_slice %arg2[%mul3A_21, %dma_wait3A_59] : memref<10000x16xf32, #tpu.memory_space<hbm>> -> memref<625x16xf32, #tpu.memory_space<hbm>>
        %dma_wait3A_61 = arith.constant 0 : i32
        %dma_wait3A_62 = arith.constant 0 : i32
        %dma_wait3A_63 = tpu.memref_slice %arg12[%dma_wait3A_61, %dma_wait3A_62] : memref<1000x16xf32, #tpu.memory_space<vmem>> -> memref<625x16xf32, #tpu.memory_space<vmem>>
        %dma_wait3A_64 = arith.constant 0 : i32
        %dma_wait3A_65 = tpu.memref_slice %arg2[%mul3A_21, %dma_wait3A_64] : memref<10000x16xf32, #tpu.memory_space<hbm>> -> memref<625x16xf32, #tpu.memory_space<hbm>>
        tpu.wait_dma2 semaphore(%run_scoped3A_47 : memref<!tpu.dma_semaphore, #tpu.memory_space<semaphore_mem>>) src(%dma_wait3A_65 : memref<625x16xf32, #tpu.memory_space<hbm>>) dst(%dma_wait3A_63 : memref<625x16xf32, #tpu.memory_space<vmem>>)
        tpu.yield
      }) : () -> ()
      "tpu.region"() ({
        %run_scoped3A_47 = tpu.sem_alloc : memref<!tpu.dma_semaphore, #tpu.memory_space<semaphore_mem>>
        %dma_start3A = arith.constant 0 : i32
        %dma_start3A_48 = arith.constant 0 : i32
        %dma_start3A_49 = tpu.memref_slice %arg12[%dma_start3A, %dma_start3A_48] : memref<1000x16xf32, #tpu.memory_space<vmem>> -> memref<625x16xf32, #tpu.memory_space<vmem>>
        %dma_start3A_50 = arith.constant 0 : i32
        %dma_start3A_51 = tpu.memref_slice %arg15[%mul3A_21, %dma_start3A_50] : memref<10000x16xf32, #tpu.memory_space<vmem_shared>> -> memref<625x16xf32, #tpu.memory_space<vmem_shared>>
        %dma_start3A_52 = arith.constant 0 : i32
        %dma_start3A_53 = tpu.memref_slice %arg15[%mul3A_21, %dma_start3A_52] : memref<10000x16xf32, #tpu.memory_space<vmem_shared>> -> memref<625x16xf32, #tpu.memory_space<vmem_shared>>
        %dma_start3A_54 = arith.constant 0 : i32
        %dma_start3A_55 = arith.constant 0 : i32
        %dma_start3A_56 = tpu.memref_slice %arg12[%dma_start3A_54, %dma_start3A_55] : memref<1000x16xf32, #tpu.memory_space<vmem>> -> memref<625x16xf32, #tpu.memory_space<vmem>>
        tpu.enqueue_dma source(%dma_start3A_56 : memref<625x16xf32, #tpu.memory_space<vmem>>) target(%dma_start3A_53 : memref<625x16xf32, #tpu.memory_space<vmem_shared>>) target_semaphore(%run_scoped3A_47 : memref<!tpu.dma_semaphore, #tpu.memory_space<semaphore_mem>>)
        %dma_wait3A = arith.constant 0 : i32
        %dma_wait3A_57 = arith.constant 0 : i32
        %dma_wait3A_58 = tpu.memref_slice %arg12[%dma_wait3A, %dma_wait3A_57] : memref<1000x16xf32, #tpu.memory_space<vmem>> -> memref<625x16xf32, #tpu.memory_space<vmem>>
        %dma_wait3A_59 = arith.constant 0 : i32
        %dma_wait3A_60 = tpu.memref_slice %arg15[%mul3A_21, %dma_wait3A_59] : memref<10000x16xf32, #tpu.memory_space<vmem_shared>> -> memref<625x16xf32, #tpu.memory_space<vmem_shared>>
        %dma_wait3A_61 = arith.constant 0 : i32
        %dma_wait3A_62 = tpu.memref_slice %arg15[%mul3A_21, %dma_wait3A_61] : memref<10000x16xf32, #tpu.memory_space<vmem_shared>> -> memref<625x16xf32, #tpu.memory_space<vmem_shared>>
        %dma_wait3A_63 = arith.constant 0 : i32
        %dma_wait3A_64 = arith.constant 0 : i32
        %dma_wait3A_65 = tpu.memref_slice %arg12[%dma_wait3A_63, %dma_wait3A_64] : memref<1000x16xf32, #tpu.memory_space<vmem>> -> memref<625x16xf32, #tpu.memory_space<vmem>>
        tpu.wait_dma2 semaphore(%run_scoped3A_47 : memref<!tpu.dma_semaphore, #tpu.memory_space<semaphore_mem>>) src(%dma_wait3A_65 : memref<625x16xf32, #tpu.memory_space<vmem>>) dst(%dma_wait3A_62 : memref<625x16xf32, #tpu.memory_space<vmem_shared>>)
        tpu.yield
      }) : () -> ()
      %barrier3A_22 = arith.constant 0 : index
      tpu.barrier barrier_id(%barrier3A_22)
      %scan3A_23 = arith.constant 0 : i32
      %scan3A_24 = arith.constant 4 : i32
      %scan3A_25 = arith.addi %scan3A_23, %scan3A_24 : i32
      %scan3A_26 = arith.constant 1 : i32
      scf.for %scan3A_47 = %scan3A_23 to %scan3A_25 step %scan3A_26  : i32 {
        %mul3A_48 = arith.constant 1 : i32
        %mul3A_49 = arith.muli %scan3A_47, %mul3A_48 : i32
        %add3A = arith.constant 0 : i32
        %add3A_50 = arith.addi %add3A, %mul3A_49 : i32
        %mul3A_51 = arith.constant 5 : i32
        %mul3A_52 = arith.muli %mul3A_51, %add3A_50 : i32
        %mul3A_53 = arith.constant 1000 : i32
        %mul3A_54 = arith.muli %mul3A_52, %mul3A_53 : i32
        %dma_start3A = tpu.memref_slice %arg9[%mul3A_54] : memref<20000xi32, #tpu.memory_space<vmem>> -> memref<1000xi32, #tpu.memory_space<vmem>>
        %dma_start3A_55 = arith.constant 0 : i32
        %dma_start3A_56 = arith.constant 0 : i32
        %dma_start3A_57 = tpu.memref_slice %arg15[%dma_start3A_55, %dma_start3A_56] : memref<10000x16xf32, #tpu.memory_space<vmem_shared>> -> memref<10000x16xf32, #tpu.memory_space<vmem_shared>>
        tpu.enqueue_indirect_dma source(%dma_start3A_57 : memref<10000x16xf32, #tpu.memory_space<vmem_shared>>) target(%arg11 : memref<1000x16xf32, #tpu.memory_space<vmem>>) offsets(%dma_start3A : memref<1000xi32, #tpu.memory_space<vmem>>) semaphore(%arg16 : memref<!tpu.dma_semaphore, #tpu.memory_space<semaphore_mem>>)
        %add3A_58 = arith.constant 1 : i32
        %add3A_59 = arith.addi %mul3A_52, %add3A_58 : i32
        %mul3A_60 = arith.constant 1000 : i32
        %mul3A_61 = arith.muli %add3A_59, %mul3A_60 : i32
        %dma_start3A_62 = tpu.memref_slice %arg9[%mul3A_61] : memref<20000xi32, #tpu.memory_space<vmem>> -> memref<1000xi32, #tpu.memory_space<vmem>>
        %dma_start3A_63 = arith.constant 0 : i32
        %dma_start3A_64 = arith.constant 0 : i32
        %dma_start3A_65 = tpu.memref_slice %arg15[%dma_start3A_63, %dma_start3A_64] : memref<10000x16xf32, #tpu.memory_space<vmem_shared>> -> memref<10000x16xf32, #tpu.memory_space<vmem_shared>>
        tpu.enqueue_indirect_dma source(%dma_start3A_65 : memref<10000x16xf32, #tpu.memory_space<vmem_shared>>) target(%arg12 : memref<1000x16xf32, #tpu.memory_space<vmem>>) offsets(%dma_start3A_62 : memref<1000xi32, #tpu.memory_space<vmem>>) semaphore(%arg16 : memref<!tpu.dma_semaphore, #tpu.memory_space<semaphore_mem>>)
        %dma_wait3A = tpu.memref_slice %arg9[%mul3A_54] : memref<20000xi32, #tpu.memory_space<vmem>> -> memref<1000xi32, #tpu.memory_space<vmem>>
        %dma_wait3A_66 = arith.constant 0 : i32
        %dma_wait3A_67 = arith.constant 0 : i32
        %dma_wait3A_68 = tpu.memref_slice %arg15[%dma_wait3A_66, %dma_wait3A_67] : memref<10000x16xf32, #tpu.memory_space<vmem_shared>> -> memref<10000x16xf32, #tpu.memory_space<vmem_shared>>
        tpu.wait_indirect_dma semaphore(%arg16 : memref<!tpu.dma_semaphore, #tpu.memory_space<semaphore_mem>>) src(%dma_wait3A_68 : memref<10000x16xf32, #tpu.memory_space<vmem_shared>>) dst(%arg11 : memref<1000x16xf32, #tpu.memory_space<vmem>>)
        %add3A_69 = arith.constant 0 : i32
        %add3A_70 = arith.addi %mul3A_52, %add3A_69 : i32
        %mul3A_71 = arith.constant 1000 : i32
        %mul3A_72 = arith.muli %add3A_70, %mul3A_71 : i32
        %dma_start3A_73 = tpu.memref_slice %arg10[%mul3A_72] : memref<20000xi32, #tpu.memory_space<vmem>> -> memref<1000xi32, #tpu.memory_space<vmem>>
        %dma_start3A_74 = arith.constant 0 : i32
        %dma_start3A_75 = arith.constant 0 : i32
        %dma_start3A_76 = tpu.memref_slice %arg13[%dma_start3A_74, %dma_start3A_75] : memref<10240x16xf32, #tpu.memory_space<vmem_shared>> -> memref<10240x16xf32, #tpu.memory_space<vmem_shared>>
        tpu.enqueue_indirect_dma source(%arg11 : memref<1000x16xf32, #tpu.memory_space<vmem>>) target(%dma_start3A_76 : memref<10240x16xf32, #tpu.memory_space<vmem_shared>>) offsets(%dma_start3A_73 : memref<1000xi32, #tpu.memory_space<vmem>>) semaphore(%arg17 : memref<!tpu.dma_semaphore, #tpu.memory_space<semaphore_mem>>) {add = true}
        %dma_wait3A_77 = tpu.memref_slice %arg10[%mul3A_72] : memref<20000xi32, #tpu.memory_space<vmem>> -> memref<1000xi32, #tpu.memory_space<vmem>>
        %dma_wait3A_78 = arith.constant 0 : i32
        %dma_wait3A_79 = arith.constant 0 : i32
        %dma_wait3A_80 = tpu.memref_slice %arg13[%dma_wait3A_78, %dma_wait3A_79] : memref<10240x16xf32, #tpu.memory_space<vmem_shared>> -> memref<10240x16xf32, #tpu.memory_space<vmem_shared>>
        tpu.wait_indirect_dma semaphore(%arg17 : memref<!tpu.dma_semaphore, #tpu.memory_space<semaphore_mem>>) src(%arg11 : memref<1000x16xf32, #tpu.memory_space<vmem>>) dst(%dma_wait3A_80 : memref<10240x16xf32, #tpu.memory_space<vmem_shared>>)
        %add3A_81 = arith.constant 0 : i32
        %add3A_82 = arith.addi %mul3A_52, %add3A_81 : i32
        %add3A_83 = arith.constant 2 : i32
        %add3A_84 = arith.addi %add3A_82, %add3A_83 : i32
        %mul3A_85 = arith.constant 1000 : i32
        %mul3A_86 = arith.muli %add3A_84, %mul3A_85 : i32
        %dma_start3A_87 = tpu.memref_slice %arg9[%mul3A_86] : memref<20000xi32, #tpu.memory_space<vmem>> -> memref<1000xi32, #tpu.memory_space<vmem>>
        %dma_start3A_88 = arith.constant 0 : i32
        %dma_start3A_89 = arith.constant 0 : i32
        %dma_start3A_90 = tpu.memref_slice %arg15[%dma_start3A_88, %dma_start3A_89] : memref<10000x16xf32, #tpu.memory_space<vmem_shared>> -> memref<10000x16xf32, #tpu.memory_space<vmem_shared>>
        tpu.enqueue_indirect_dma source(%dma_start3A_90 : memref<10000x16xf32, #tpu.memory_space<vmem_shared>>) target(%arg11 : memref<1000x16xf32, #tpu.memory_space<vmem>>) offsets(%dma_start3A_87 : memref<1000xi32, #tpu.memory_space<vmem>>) semaphore(%arg16 : memref<!tpu.dma_semaphore, #tpu.memory_space<semaphore_mem>>)
        %dma_wait3A_91 = tpu.memref_slice %arg9[%mul3A_61] : memref<20000xi32, #tpu.memory_space<vmem>> -> memref<1000xi32, #tpu.memory_space<vmem>>
        %dma_wait3A_92 = arith.constant 0 : i32
        %dma_wait3A_93 = arith.constant 0 : i32
        %dma_wait3A_94 = tpu.memref_slice %arg15[%dma_wait3A_92, %dma_wait3A_93] : memref<10000x16xf32, #tpu.memory_space<vmem_shared>> -> memref<10000x16xf32, #tpu.memory_space<vmem_shared>>
        tpu.wait_indirect_dma semaphore(%arg16 : memref<!tpu.dma_semaphore, #tpu.memory_space<semaphore_mem>>) src(%dma_wait3A_94 : memref<10000x16xf32, #tpu.memory_space<vmem_shared>>) dst(%arg12 : memref<1000x16xf32, #tpu.memory_space<vmem>>)
        %add3A_95 = arith.constant 1 : i32
        %add3A_96 = arith.addi %mul3A_52, %add3A_95 : i32
        %mul3A_97 = arith.constant 1000 : i32
        %mul3A_98 = arith.muli %add3A_96, %mul3A_97 : i32
        %dma_start3A_99 = tpu.memref_slice %arg10[%mul3A_98] : memref<20000xi32, #tpu.memory_space<vmem>> -> memref<1000xi32, #tpu.memory_space<vmem>>
        %dma_start3A_100 = arith.constant 0 : i32
        %dma_start3A_101 = arith.constant 0 : i32
        %dma_start3A_102 = tpu.memref_slice %arg13[%dma_start3A_100, %dma_start3A_101] : memref<10240x16xf32, #tpu.memory_space<vmem_shared>> -> memref<10240x16xf32, #tpu.memory_space<vmem_shared>>
        tpu.enqueue_indirect_dma source(%arg12 : memref<1000x16xf32, #tpu.memory_space<vmem>>) target(%dma_start3A_102 : memref<10240x16xf32, #tpu.memory_space<vmem_shared>>) offsets(%dma_start3A_99 : memref<1000xi32, #tpu.memory_space<vmem>>) semaphore(%arg17 : memref<!tpu.dma_semaphore, #tpu.memory_space<semaphore_mem>>) {add = true}
        %dma_wait3A_103 = tpu.memref_slice %arg10[%mul3A_98] : memref<20000xi32, #tpu.memory_space<vmem>> -> memref<1000xi32, #tpu.memory_space<vmem>>
        %dma_wait3A_104 = arith.constant 0 : i32
        %dma_wait3A_105 = arith.constant 0 : i32
        %dma_wait3A_106 = tpu.memref_slice %arg13[%dma_wait3A_104, %dma_wait3A_105] : memref<10240x16xf32, #tpu.memory_space<vmem_shared>> -> memref<10240x16xf32, #tpu.memory_space<vmem_shared>>
        tpu.wait_indirect_dma semaphore(%arg17 : memref<!tpu.dma_semaphore, #tpu.memory_space<semaphore_mem>>) src(%arg12 : memref<1000x16xf32, #tpu.memory_space<vmem>>) dst(%dma_wait3A_106 : memref<10240x16xf32, #tpu.memory_space<vmem_shared>>)
        %add3A_107 = arith.constant 1 : i32
        %add3A_108 = arith.addi %mul3A_52, %add3A_107 : i32
        %add3A_109 = arith.constant 2 : i32
        %add3A_110 = arith.addi %add3A_108, %add3A_109 : i32
        %mul3A_111 = arith.constant 1000 : i32
        %mul3A_112 = arith.muli %add3A_110, %mul3A_111 : i32
        %dma_start3A_113 = tpu.memref_slice %arg9[%mul3A_112] : memref<20000xi32, #tpu.memory_space<vmem>> -> memref<1000xi32, #tpu.memory_space<vmem>>
        %dma_start3A_114 = arith.constant 0 : i32
        %dma_start3A_115 = arith.constant 0 : i32
        %dma_start3A_116 = tpu.memref_slice %arg15[%dma_start3A_114, %dma_start3A_115] : memref<10000x16xf32, #tpu.memory_space<vmem_shared>> -> memref<10000x16xf32, #tpu.memory_space<vmem_shared>>
        tpu.enqueue_indirect_dma source(%dma_start3A_116 : memref<10000x16xf32, #tpu.memory_space<vmem_shared>>) target(%arg12 : memref<1000x16xf32, #tpu.memory_space<vmem>>) offsets(%dma_start3A_113 : memref<1000xi32, #tpu.memory_space<vmem>>) semaphore(%arg16 : memref<!tpu.dma_semaphore, #tpu.memory_space<semaphore_mem>>)
        %dma_wait3A_117 = tpu.memref_slice %arg9[%mul3A_86] : memref<20000xi32, #tpu.memory_space<vmem>> -> memref<1000xi32, #tpu.memory_space<vmem>>
        %dma_wait3A_118 = arith.constant 0 : i32
        %dma_wait3A_119 = arith.constant 0 : i32
        %dma_wait3A_120 = tpu.memref_slice %arg15[%dma_wait3A_118, %dma_wait3A_119] : memref<10000x16xf32, #tpu.memory_space<vmem_shared>> -> memref<10000x16xf32, #tpu.memory_space<vmem_shared>>
        tpu.wait_indirect_dma semaphore(%arg16 : memref<!tpu.dma_semaphore, #tpu.memory_space<semaphore_mem>>) src(%dma_wait3A_120 : memref<10000x16xf32, #tpu.memory_space<vmem_shared>>) dst(%arg11 : memref<1000x16xf32, #tpu.memory_space<vmem>>)
        %add3A_121 = arith.constant 2 : i32
        %add3A_122 = arith.addi %mul3A_52, %add3A_121 : i32
        %mul3A_123 = arith.constant 1000 : i32
        %mul3A_124 = arith.muli %add3A_122, %mul3A_123 : i32
        %dma_start3A_125 = tpu.memref_slice %arg10[%mul3A_124] : memref<20000xi32, #tpu.memory_space<vmem>> -> memref<1000xi32, #tpu.memory_space<vmem>>
        %dma_start3A_126 = arith.constant 0 : i32
        %dma_start3A_127 = arith.constant 0 : i32
        %dma_start3A_128 = tpu.memref_slice %arg13[%dma_start3A_126, %dma_start3A_127] : memref<10240x16xf32, #tpu.memory_space<vmem_shared>> -> memref<10240x16xf32, #tpu.memory_space<vmem_shared>>
        tpu.enqueue_indirect_dma source(%arg11 : memref<1000x16xf32, #tpu.memory_space<vmem>>) target(%dma_start3A_128 : memref<10240x16xf32, #tpu.memory_space<vmem_shared>>) offsets(%dma_start3A_125 : memref<1000xi32, #tpu.memory_space<vmem>>) semaphore(%arg17 : memref<!tpu.dma_semaphore, #tpu.memory_space<semaphore_mem>>) {add = true}
        %dma_wait3A_129 = tpu.memref_slice %arg10[%mul3A_124] : memref<20000xi32, #tpu.memory_space<vmem>> -> memref<1000xi32, #tpu.memory_space<vmem>>
        %dma_wait3A_130 = arith.constant 0 : i32
        %dma_wait3A_131 = arith.constant 0 : i32
        %dma_wait3A_132 = tpu.memref_slice %arg13[%dma_wait3A_130, %dma_wait3A_131] : memref<10240x16xf32, #tpu.memory_space<vmem_shared>> -> memref<10240x16xf32, #tpu.memory_space<vmem_shared>>
        tpu.wait_indirect_dma semaphore(%arg17 : memref<!tpu.dma_semaphore, #tpu.memory_space<semaphore_mem>>) src(%arg11 : memref<1000x16xf32, #tpu.memory_space<vmem>>) dst(%dma_wait3A_132 : memref<10240x16xf32, #tpu.memory_space<vmem_shared>>)
        %add3A_133 = arith.constant 2 : i32
        %add3A_134 = arith.addi %mul3A_52, %add3A_133 : i32
        %add3A_135 = arith.constant 2 : i32
        %add3A_136 = arith.addi %add3A_134, %add3A_135 : i32
        %mul3A_137 = arith.constant 1000 : i32
        %mul3A_138 = arith.muli %add3A_136, %mul3A_137 : i32
        %dma_start3A_139 = tpu.memref_slice %arg9[%mul3A_138] : memref<20000xi32, #tpu.memory_space<vmem>> -> memref<1000xi32, #tpu.memory_space<vmem>>
        %dma_start3A_140 = arith.constant 0 : i32
        %dma_start3A_141 = arith.constant 0 : i32
        %dma_start3A_142 = tpu.memref_slice %arg15[%dma_start3A_140, %dma_start3A_141] : memref<10000x16xf32, #tpu.memory_space<vmem_shared>> -> memref<10000x16xf32, #tpu.memory_space<vmem_shared>>
        tpu.enqueue_indirect_dma source(%dma_start3A_142 : memref<10000x16xf32, #tpu.memory_space<vmem_shared>>) target(%arg11 : memref<1000x16xf32, #tpu.memory_space<vmem>>) offsets(%dma_start3A_139 : memref<1000xi32, #tpu.memory_space<vmem>>) semaphore(%arg16 : memref<!tpu.dma_semaphore, #tpu.memory_space<semaphore_mem>>)
        %dma_wait3A_143 = tpu.memref_slice %arg9[%mul3A_112] : memref<20000xi32, #tpu.memory_space<vmem>> -> memref<1000xi32, #tpu.memory_space<vmem>>
        %dma_wait3A_144 = arith.constant 0 : i32
        %dma_wait3A_145 = arith.constant 0 : i32
        %dma_wait3A_146 = tpu.memref_slice %arg15[%dma_wait3A_144, %dma_wait3A_145] : memref<10000x16xf32, #tpu.memory_space<vmem_shared>> -> memref<10000x16xf32, #tpu.memory_space<vmem_shared>>
        tpu.wait_indirect_dma semaphore(%arg16 : memref<!tpu.dma_semaphore, #tpu.memory_space<semaphore_mem>>) src(%dma_wait3A_146 : memref<10000x16xf32, #tpu.memory_space<vmem_shared>>) dst(%arg12 : memref<1000x16xf32, #tpu.memory_space<vmem>>)
        %add3A_147 = arith.constant 3 : i32
        %add3A_148 = arith.addi %mul3A_52, %add3A_147 : i32
        %mul3A_149 = arith.constant 1000 : i32
        %mul3A_150 = arith.muli %add3A_148, %mul3A_149 : i32
        %dma_start3A_151 = tpu.memref_slice %arg10[%mul3A_150] : memref<20000xi32, #tpu.memory_space<vmem>> -> memref<1000xi32, #tpu.memory_space<vmem>>
        %dma_start3A_152 = arith.constant 0 : i32
        %dma_start3A_153 = arith.constant 0 : i32
        %dma_start3A_154 = tpu.memref_slice %arg13[%dma_start3A_152, %dma_start3A_153] : memref<10240x16xf32, #tpu.memory_space<vmem_shared>> -> memref<10240x16xf32, #tpu.memory_space<vmem_shared>>
        tpu.enqueue_indirect_dma source(%arg12 : memref<1000x16xf32, #tpu.memory_space<vmem>>) target(%dma_start3A_154 : memref<10240x16xf32, #tpu.memory_space<vmem_shared>>) offsets(%dma_start3A_151 : memref<1000xi32, #tpu.memory_space<vmem>>) semaphore(%arg17 : memref<!tpu.dma_semaphore, #tpu.memory_space<semaphore_mem>>) {add = true}
        %dma_wait3A_155 = tpu.memref_slice %arg10[%mul3A_150] : memref<20000xi32, #tpu.memory_space<vmem>> -> memref<1000xi32, #tpu.memory_space<vmem>>
        %dma_wait3A_156 = arith.constant 0 : i32
        %dma_wait3A_157 = arith.constant 0 : i32
        %dma_wait3A_158 = tpu.memref_slice %arg13[%dma_wait3A_156, %dma_wait3A_157] : memref<10240x16xf32, #tpu.memory_space<vmem_shared>> -> memref<10240x16xf32, #tpu.memory_space<vmem_shared>>
        tpu.wait_indirect_dma semaphore(%arg17 : memref<!tpu.dma_semaphore, #tpu.memory_space<semaphore_mem>>) src(%arg12 : memref<1000x16xf32, #tpu.memory_space<vmem>>) dst(%dma_wait3A_158 : memref<10240x16xf32, #tpu.memory_space<vmem_shared>>)
        %dma_wait3A_159 = tpu.memref_slice %arg9[%mul3A_138] : memref<20000xi32, #tpu.memory_space<vmem>> -> memref<1000xi32, #tpu.memory_space<vmem>>
        %dma_wait3A_160 = arith.constant 0 : i32
        %dma_wait3A_161 = arith.constant 0 : i32
        %dma_wait3A_162 = tpu.memref_slice %arg15[%dma_wait3A_160, %dma_wait3A_161] : memref<10000x16xf32, #tpu.memory_space<vmem_shared>> -> memref<10000x16xf32, #tpu.memory_space<vmem_shared>>
        tpu.wait_indirect_dma semaphore(%arg16 : memref<!tpu.dma_semaphore, #tpu.memory_space<semaphore_mem>>) src(%dma_wait3A_162 : memref<10000x16xf32, #tpu.memory_space<vmem_shared>>) dst(%arg11 : memref<1000x16xf32, #tpu.memory_space<vmem>>)
        %add3A_163 = arith.constant 4 : i32
        %add3A_164 = arith.addi %mul3A_52, %add3A_163 : i32
        %mul3A_165 = arith.constant 1000 : i32
        %mul3A_166 = arith.muli %add3A_164, %mul3A_165 : i32
        %dma_start3A_167 = tpu.memref_slice %arg10[%mul3A_166] : memref<20000xi32, #tpu.memory_space<vmem>> -> memref<1000xi32, #tpu.memory_space<vmem>>
        %dma_start3A_168 = arith.constant 0 : i32
        %dma_start3A_169 = arith.constant 0 : i32
        %dma_start3A_170 = tpu.memref_slice %arg13[%dma_start3A_168, %dma_start3A_169] : memref<10240x16xf32, #tpu.memory_space<vmem_shared>> -> memref<10240x16xf32, #tpu.memory_space<vmem_shared>>
        tpu.enqueue_indirect_dma source(%arg11 : memref<1000x16xf32, #tpu.memory_space<vmem>>) target(%dma_start3A_170 : memref<10240x16xf32, #tpu.memory_space<vmem_shared>>) offsets(%dma_start3A_167 : memref<1000xi32, #tpu.memory_space<vmem>>) semaphore(%arg17 : memref<!tpu.dma_semaphore, #tpu.memory_space<semaphore_mem>>) {add = true}
        %dma_wait3A_171 = tpu.memref_slice %arg10[%mul3A_166] : memref<20000xi32, #tpu.memory_space<vmem>> -> memref<1000xi32, #tpu.memory_space<vmem>>
        %dma_wait3A_172 = arith.constant 0 : i32
        %dma_wait3A_173 = arith.constant 0 : i32
        %dma_wait3A_174 = tpu.memref_slice %arg13[%dma_wait3A_172, %dma_wait3A_173] : memref<10240x16xf32, #tpu.memory_space<vmem_shared>> -> memref<10240x16xf32, #tpu.memory_space<vmem_shared>>
        tpu.wait_indirect_dma semaphore(%arg17 : memref<!tpu.dma_semaphore, #tpu.memory_space<semaphore_mem>>) src(%arg11 : memref<1000x16xf32, #tpu.memory_space<vmem>>) dst(%dma_wait3A_174 : memref<10240x16xf32, #tpu.memory_space<vmem_shared>>)
      }
      %scan3A_27 = arith.constant 4 : i32
      %barrier3A_28 = arith.constant 0 : index
      tpu.barrier barrier_id(%barrier3A_28)
      %mul3A_29 = arith.constant 625 : i32
      %mul3A_30 = arith.muli %arg1, %mul3A_29 : i32
      "tpu.region"() ({
        %run_scoped3A_47 = tpu.sem_alloc : memref<!tpu.dma_semaphore, #tpu.memory_space<semaphore_mem>>
        %dma_start3A = arith.constant 0 : i32
        %dma_start3A_48 = arith.constant 0 : i32
        %dma_start3A_49 = tpu.memref_slice %arg11[%dma_start3A, %dma_start3A_48] : memref<1000x16xf32, #tpu.memory_space<vmem>> -> memref<625x16xf32, #tpu.memory_space<vmem>>
        %dma_start3A_50 = arith.constant 0 : i32
        %dma_start3A_51 = tpu.memref_slice %arg13[%mul3A_30, %dma_start3A_50] : memref<10240x16xf32, #tpu.memory_space<vmem_shared>> -> memref<625x16xf32, #tpu.memory_space<vmem_shared>>
        %dma_start3A_52 = arith.constant 0 : i32
        %dma_start3A_53 = arith.constant 0 : i32
        %dma_start3A_54 = tpu.memref_slice %arg11[%dma_start3A_52, %dma_start3A_53] : memref<1000x16xf32, #tpu.memory_space<vmem>> -> memref<625x16xf32, #tpu.memory_space<vmem>>
        %dma_start3A_55 = arith.constant 0 : i32
        %dma_start3A_56 = tpu.memref_slice %arg13[%mul3A_30, %dma_start3A_55] : memref<10240x16xf32, #tpu.memory_space<vmem_shared>> -> memref<625x16xf32, #tpu.memory_space<vmem_shared>>
        tpu.enqueue_dma source(%dma_start3A_56 : memref<625x16xf32, #tpu.memory_space<vmem_shared>>) target(%dma_start3A_54 : memref<625x16xf32, #tpu.memory_space<vmem>>) target_semaphore(%run_scoped3A_47 : memref<!tpu.dma_semaphore, #tpu.memory_space<semaphore_mem>>)
        %dma_wait3A = arith.constant 0 : i32
        %dma_wait3A_57 = arith.constant 0 : i32
        %dma_wait3A_58 = tpu.memref_slice %arg11[%dma_wait3A, %dma_wait3A_57] : memref<1000x16xf32, #tpu.memory_space<vmem>> -> memref<625x16xf32, #tpu.memory_space<vmem>>
        %dma_wait3A_59 = arith.constant 0 : i32
        %dma_wait3A_60 = tpu.memref_slice %arg13[%mul3A_30, %dma_wait3A_59] : memref<10240x16xf32, #tpu.memory_space<vmem_shared>> -> memref<625x16xf32, #tpu.memory_space<vmem_shared>>
        %dma_wait3A_61 = arith.constant 0 : i32
        %dma_wait3A_62 = arith.constant 0 : i32
        %dma_wait3A_63 = tpu.memref_slice %arg11[%dma_wait3A_61, %dma_wait3A_62] : memref<1000x16xf32, #tpu.memory_space<vmem>> -> memref<625x16xf32, #tpu.memory_space<vmem>>
        %dma_wait3A_64 = arith.constant 0 : i32
        %dma_wait3A_65 = tpu.memref_slice %arg13[%mul3A_30, %dma_wait3A_64] : memref<10240x16xf32, #tpu.memory_space<vmem_shared>> -> memref<625x16xf32, #tpu.memory_space<vmem_shared>>
        tpu.wait_dma2 semaphore(%run_scoped3A_47 : memref<!tpu.dma_semaphore, #tpu.memory_space<semaphore_mem>>) src(%dma_wait3A_65 : memref<625x16xf32, #tpu.memory_space<vmem_shared>>) dst(%dma_wait3A_63 : memref<625x16xf32, #tpu.memory_space<vmem>>)
        tpu.yield
      }) : () -> ()
      "tpu.region"() ({
        %run_scoped3A_47 = tpu.sem_alloc : memref<!tpu.dma_semaphore, #tpu.memory_space<semaphore_mem>>
        %dma_start3A = arith.constant 0 : i32
        %dma_start3A_48 = arith.constant 0 : i32
        %dma_start3A_49 = tpu.memref_slice %arg12[%dma_start3A, %dma_start3A_48] : memref<1000x16xf32, #tpu.memory_space<vmem>> -> memref<625x16xf32, #tpu.memory_space<vmem>>
        %dma_start3A_50 = arith.constant 0 : i32
        %dma_start3A_51 = tpu.memref_slice %arg4[%mul3A_30, %dma_start3A_50] : memref<10000x16xf32, #tpu.memory_space<hbm>> -> memref<625x16xf32, #tpu.memory_space<hbm>>
        %dma_start3A_52 = arith.constant 0 : i32
        %dma_start3A_53 = arith.constant 0 : i32
        %dma_start3A_54 = tpu.memref_slice %arg12[%dma_start3A_52, %dma_start3A_53] : memref<1000x16xf32, #tpu.memory_space<vmem>> -> memref<625x16xf32, #tpu.memory_space<vmem>>
        %dma_start3A_55 = arith.constant 0 : i32
        %dma_start3A_56 = tpu.memref_slice %arg4[%mul3A_30, %dma_start3A_55] : memref<10000x16xf32, #tpu.memory_space<hbm>> -> memref<625x16xf32, #tpu.memory_space<hbm>>
        tpu.enqueue_dma source(%dma_start3A_56 : memref<625x16xf32, #tpu.memory_space<hbm>>) target(%dma_start3A_54 : memref<625x16xf32, #tpu.memory_space<vmem>>) target_semaphore(%run_scoped3A_47 : memref<!tpu.dma_semaphore, #tpu.memory_space<semaphore_mem>>)
        %dma_wait3A = arith.constant 0 : i32
        %dma_wait3A_57 = arith.constant 0 : i32
        %dma_wait3A_58 = tpu.memref_slice %arg12[%dma_wait3A, %dma_wait3A_57] : memref<1000x16xf32, #tpu.memory_space<vmem>> -> memref<625x16xf32, #tpu.memory_space<vmem>>
        %dma_wait3A_59 = arith.constant 0 : i32
        %dma_wait3A_60 = tpu.memref_slice %arg4[%mul3A_30, %dma_wait3A_59] : memref<10000x16xf32, #tpu.memory_space<hbm>> -> memref<625x16xf32, #tpu.memory_space<hbm>>
        %dma_wait3A_61 = arith.constant 0 : i32
        %dma_wait3A_62 = arith.constant 0 : i32
        %dma_wait3A_63 = tpu.memref_slice %arg12[%dma_wait3A_61, %dma_wait3A_62] : memref<1000x16xf32, #tpu.memory_space<vmem>> -> memref<625x16xf32, #tpu.memory_space<vmem>>
        %dma_wait3A_64 = arith.constant 0 : i32
        %dma_wait3A_65 = tpu.memref_slice %arg4[%mul3A_30, %dma_wait3A_64] : memref<10000x16xf32, #tpu.memory_space<hbm>> -> memref<625x16xf32, #tpu.memory_space<hbm>>
        tpu.wait_dma2 semaphore(%run_scoped3A_47 : memref<!tpu.dma_semaphore, #tpu.memory_space<semaphore_mem>>) src(%dma_wait3A_65 : memref<625x16xf32, #tpu.memory_space<hbm>>) dst(%dma_wait3A_63 : memref<625x16xf32, #tpu.memory_space<vmem>>)
        tpu.yield
      }) : () -> ()
      %scan3A_31 = arith.constant 0 : i32
      %scan3A_32 = arith.constant 625 : i32
      %scan3A_33 = arith.addi %scan3A_31, %scan3A_32 : i32
      %scan3A_34 = arith.constant 1 : i32
      scf.for %scan3A_47 = %scan3A_31 to %scan3A_33 step %scan3A_34  : i32 {
        %mul3A_48 = arith.constant 1 : i32
        %mul3A_49 = arith.muli %scan3A_47, %mul3A_48 : i32
        %add3A = arith.constant 0 : i32
        %add3A_50 = arith.addi %add3A, %mul3A_49 : i32
        %get3A = arith.index_cast %add3A_50 : i32 to index
        %get3A_51 = arith.constant 0 : index
        %get3A_52 = tpu.vector_load %arg11[%get3A, %get3A_51] {strides = array<i32>} : memref<1000x16xf32, #tpu.memory_space<vmem>>, vector<1x16xf32>,
        %get3A_53 = vector.shape_cast %get3A_52 : vector<1x16xf32> to vector<16xf32>
        %get3A_54 = arith.index_cast %add3A_50 : i32 to index
        %get3A_55 = arith.constant 0 : index
        %get3A_56 = tpu.vector_load %arg12[%get3A_54, %get3A_55] {strides = array<i32>} : memref<1000x16xf32, #tpu.memory_space<vmem>>, vector<1x16xf32>,
        %get3A_57 = vector.shape_cast %get3A_56 : vector<1x16xf32> to vector<16xf32>
        %add3A_58 = arith.addf %get3A_53, %get3A_57 : vector<16xf32>
        %max3A = arith.constant 0.000000e+00 : f32
        %max3A_59 = vector.broadcast %max3A : f32 to vector<16xf32>
        %max3A_60 = arith.maximumf %add3A_58, %max3A_59 : vector<16xf32>
        %swap3A = arith.index_cast %add3A_50 : i32 to index
        %swap3A_61 = arith.constant 0 : index
        %swap3A_62 = tpu.vector_load %arg11[%swap3A, %swap3A_61] {strides = array<i32>} : memref<1000x16xf32, #tpu.memory_space<vmem>>, vector<1x16xf32>,
        %swap3A_63 = vector.shape_cast %swap3A_62 : vector<1x16xf32> to vector<16xf32>
        %swap3A_64 = vector.shape_cast %max3A_60 : vector<16xf32> to vector<1x16xf32>
        tpu.vector_store %arg11[%swap3A, %swap3A_61], %swap3A_64 {strides = array<i32>} : memref<1000x16xf32, #tpu.memory_space<vmem>>, vector<1x16xf32>,
      }
      %scan3A_35 = arith.constant 625 : i32
      "tpu.region"() ({
        %run_scoped3A_47 = tpu.sem_alloc : memref<!tpu.dma_semaphore, #tpu.memory_space<semaphore_mem>>
        %dma_start3A = arith.constant 0 : i32
        %dma_start3A_48 = arith.constant 0 : i32
        %dma_start3A_49 = tpu.memref_slice %arg11[%dma_start3A, %dma_start3A_48] : memref<1000x16xf32, #tpu.memory_space<vmem>> -> memref<625x16xf32, #tpu.memory_space<vmem>>
        %dma_start3A_50 = arith.constant 16 : i32
        %dma_start3A_51 = tpu.memref_slice %arg8[%mul3A_30, %dma_start3A_50] : memref<10240x64xf32, #tpu.memory_space<hbm>> -> memref<625x16xf32, #tpu.memory_space<hbm>>
        %dma_start3A_52 = arith.constant 16 : i32
        %dma_start3A_53 = tpu.memref_slice %arg8[%mul3A_30, %dma_start3A_52] : memref<10240x64xf32, #tpu.memory_space<hbm>> -> memref<625x16xf32, #tpu.memory_space<hbm>>
        %dma_start3A_54 = arith.constant 0 : i32
        %dma_start3A_55 = arith.constant 0 : i32
        %dma_start3A_56 = tpu.memref_slice %arg11[%dma_start3A_54, %dma_start3A_55] : memref<1000x16xf32, #tpu.memory_space<vmem>> -> memref<625x16xf32, #tpu.memory_space<vmem>>
        tpu.enqueue_dma source(%dma_start3A_56 : memref<625x16xf32, #tpu.memory_space<vmem>>) target(%dma_start3A_53 : memref<625x16xf32, #tpu.memory_space<hbm>>) target_semaphore(%run_scoped3A_47 : memref<!tpu.dma_semaphore, #tpu.memory_space<semaphore_mem>>)
        %dma_wait3A = arith.constant 0 : i32
        %dma_wait3A_57 = arith.constant 0 : i32
        %dma_wait3A_58 = tpu.memref_slice %arg11[%dma_wait3A, %dma_wait3A_57] : memref<1000x16xf32, #tpu.memory_space<vmem>> -> memref<625x16xf32, #tpu.memory_space<vmem>>
        %dma_wait3A_59 = arith.constant 16 : i32
        %dma_wait3A_60 = tpu.memref_slice %arg8[%mul3A_30, %dma_wait3A_59] : memref<10240x64xf32, #tpu.memory_space<hbm>> -> memref<625x16xf32, #tpu.memory_space<hbm>>
        %dma_wait3A_61 = arith.constant 16 : i32
        %dma_wait3A_62 = tpu.memref_slice %arg8[%mul3A_30, %dma_wait3A_61] : memref<10240x64xf32, #tpu.memory_space<hbm>> -> memref<625x16xf32, #tpu.memory_space<hbm>>
        %dma_wait3A_63 = arith.constant 0 : i32
        %dma_wait3A_64 = arith.constant 0 : i32
        %dma_wait3A_65 = tpu.memref_slice %arg11[%dma_wait3A_63, %dma_wait3A_64] : memref<1000x16xf32, #tpu.memory_space<vmem>> -> memref<625x16xf32, #tpu.memory_space<vmem>>
        tpu.wait_dma2 semaphore(%run_scoped3A_47 : memref<!tpu.dma_semaphore, #tpu.memory_space<semaphore_mem>>) src(%dma_wait3A_65 : memref<625x16xf32, #tpu.memory_space<vmem>>) dst(%dma_wait3A_62 : memref<625x16xf32, #tpu.memory_space<hbm>>)
        tpu.yield
      }) : () -> ()
      "tpu.region"() ({
        %run_scoped3A_47 = tpu.sem_alloc : memref<!tpu.dma_semaphore, #tpu.memory_space<semaphore_mem>>
        %dma_start3A = arith.constant 0 : i32
        %dma_start3A_48 = arith.constant 0 : i32
        %dma_start3A_49 = tpu.memref_slice %arg11[%dma_start3A, %dma_start3A_48] : memref<1000x16xf32, #tpu.memory_space<vmem>> -> memref<625x16xf32, #tpu.memory_space<vmem>>
        %dma_start3A_50 = arith.constant 0 : i32
        %dma_start3A_51 = tpu.memref_slice %arg15[%mul3A_30, %dma_start3A_50] : memref<10000x16xf32, #tpu.memory_space<vmem_shared>> -> memref<625x16xf32, #tpu.memory_space<vmem_shared>>
        %dma_start3A_52 = arith.constant 0 : i32
        %dma_start3A_53 = tpu.memref_slice %arg15[%mul3A_30, %dma_start3A_52] : memref<10000x16xf32, #tpu.memory_space<vmem_shared>> -> memref<625x16xf32, #tpu.memory_space<vmem_shared>>
        %dma_start3A_54 = arith.constant 0 : i32
        %dma_start3A_55 = arith.constant 0 : i32
        %dma_start3A_56 = tpu.memref_slice %arg11[%dma_start3A_54, %dma_start3A_55] : memref<1000x16xf32, #tpu.memory_space<vmem>> -> memref<625x16xf32, #tpu.memory_space<vmem>>
        tpu.enqueue_dma source(%dma_start3A_56 : memref<625x16xf32, #tpu.memory_space<vmem>>) target(%dma_start3A_53 : memref<625x16xf32, #tpu.memory_space<vmem_shared>>) target_semaphore(%run_scoped3A_47 : memref<!tpu.dma_semaphore, #tpu.memory_space<semaphore_mem>>)
        %dma_wait3A = arith.constant 0 : i32
        %dma_wait3A_57 = arith.constant 0 : i32
        %dma_wait3A_58 = tpu.memref_slice %arg11[%dma_wait3A, %dma_wait3A_57] : memref<1000x16xf32, #tpu.memory_space<vmem>> -> memref<625x16xf32, #tpu.memory_space<vmem>>
        %dma_wait3A_59 = arith.constant 0 : i32
        %dma_wait3A_60 = tpu.memref_slice %arg15[%mul3A_30, %dma_wait3A_59] : memref<10000x16xf32, #tpu.memory_space<vmem_shared>> -> memref<625x16xf32, #tpu.memory_space<vmem_shared>>
        %dma_wait3A_61 = arith.constant 0 : i32
        %dma_wait3A_62 = tpu.memref_slice %arg15[%mul3A_30, %dma_wait3A_61] : memref<10000x16xf32, #tpu.memory_space<vmem_shared>> -> memref<625x16xf32, #tpu.memory_space<vmem_shared>>
        %dma_wait3A_63 = arith.constant 0 : i32
        %dma_wait3A_64 = arith.constant 0 : i32
        %dma_wait3A_65 = tpu.memref_slice %arg11[%dma_wait3A_63, %dma_wait3A_64] : memref<1000x16xf32, #tpu.memory_space<vmem>> -> memref<625x16xf32, #tpu.memory_space<vmem>>
        tpu.wait_dma2 semaphore(%run_scoped3A_47 : memref<!tpu.dma_semaphore, #tpu.memory_space<semaphore_mem>>) src(%dma_wait3A_65 : memref<625x16xf32, #tpu.memory_space<vmem>>) dst(%dma_wait3A_62 : memref<625x16xf32, #tpu.memory_space<vmem_shared>>)
        tpu.yield
      }) : () -> ()
      %barrier3A_36 = arith.constant 0 : index
      tpu.barrier barrier_id(%barrier3A_36)
      %scan3A_37 = arith.constant 0 : i32
      %scan3A_38 = arith.constant 4 : i32
      %scan3A_39 = arith.addi %scan3A_37, %scan3A_38 : i32
      %scan3A_40 = arith.constant 1 : i32
      scf.for %scan3A_47 = %scan3A_37 to %scan3A_39 step %scan3A_40  : i32 {
        %mul3A_48 = arith.constant 1 : i32
        %mul3A_49 = arith.muli %scan3A_47, %mul3A_48 : i32
        %add3A = arith.constant 0 : i32
        %add3A_50 = arith.addi %add3A, %mul3A_49 : i32
        %mul3A_51 = arith.constant 5 : i32
        %mul3A_52 = arith.muli %mul3A_51, %add3A_50 : i32
        %mul3A_53 = arith.constant 1000 : i32
        %mul3A_54 = arith.muli %mul3A_52, %mul3A_53 : i32
        %dma_start3A = tpu.memref_slice %arg9[%mul3A_54] : memref<20000xi32, #tpu.memory_space<vmem>> -> memref<1000xi32, #tpu.memory_space<vmem>>
        %dma_start3A_55 = arith.constant 0 : i32
        %dma_start3A_56 = arith.constant 0 : i32
        %dma_start3A_57 = tpu.memref_slice %arg15[%dma_start3A_55, %dma_start3A_56] : memref<10000x16xf32, #tpu.memory_space<vmem_shared>> -> memref<10000x16xf32, #tpu.memory_space<vmem_shared>>
        tpu.enqueue_indirect_dma source(%dma_start3A_57 : memref<10000x16xf32, #tpu.memory_space<vmem_shared>>) target(%arg11 : memref<1000x16xf32, #tpu.memory_space<vmem>>) offsets(%dma_start3A : memref<1000xi32, #tpu.memory_space<vmem>>) semaphore(%arg16 : memref<!tpu.dma_semaphore, #tpu.memory_space<semaphore_mem>>)
        %add3A_58 = arith.constant 1 : i32
        %add3A_59 = arith.addi %mul3A_52, %add3A_58 : i32
        %mul3A_60 = arith.constant 1000 : i32
        %mul3A_61 = arith.muli %add3A_59, %mul3A_60 : i32
        %dma_start3A_62 = tpu.memref_slice %arg9[%mul3A_61] : memref<20000xi32, #tpu.memory_space<vmem>> -> memref<1000xi32, #tpu.memory_space<vmem>>
        %dma_start3A_63 = arith.constant 0 : i32
        %dma_start3A_64 = arith.constant 0 : i32
        %dma_start3A_65 = tpu.memref_slice %arg15[%dma_start3A_63, %dma_start3A_64] : memref<10000x16xf32, #tpu.memory_space<vmem_shared>> -> memref<10000x16xf32, #tpu.memory_space<vmem_shared>>
        tpu.enqueue_indirect_dma source(%dma_start3A_65 : memref<10000x16xf32, #tpu.memory_space<vmem_shared>>) target(%arg12 : memref<1000x16xf32, #tpu.memory_space<vmem>>) offsets(%dma_start3A_62 : memref<1000xi32, #tpu.memory_space<vmem>>) semaphore(%arg16 : memref<!tpu.dma_semaphore, #tpu.memory_space<semaphore_mem>>)
        %dma_wait3A = tpu.memref_slice %arg9[%mul3A_54] : memref<20000xi32, #tpu.memory_space<vmem>> -> memref<1000xi32, #tpu.memory_space<vmem>>
        %dma_wait3A_66 = arith.constant 0 : i32
        %dma_wait3A_67 = arith.constant 0 : i32
        %dma_wait3A_68 = tpu.memref_slice %arg15[%dma_wait3A_66, %dma_wait3A_67] : memref<10000x16xf32, #tpu.memory_space<vmem_shared>> -> memref<10000x16xf32, #tpu.memory_space<vmem_shared>>
        tpu.wait_indirect_dma semaphore(%arg16 : memref<!tpu.dma_semaphore, #tpu.memory_space<semaphore_mem>>) src(%dma_wait3A_68 : memref<10000x16xf32, #tpu.memory_space<vmem_shared>>) dst(%arg11 : memref<1000x16xf32, #tpu.memory_space<vmem>>)
        %add3A_69 = arith.constant 0 : i32
        %add3A_70 = arith.addi %mul3A_52, %add3A_69 : i32
        %mul3A_71 = arith.constant 1000 : i32
        %mul3A_72 = arith.muli %add3A_70, %mul3A_71 : i32
        %dma_start3A_73 = tpu.memref_slice %arg10[%mul3A_72] : memref<20000xi32, #tpu.memory_space<vmem>> -> memref<1000xi32, #tpu.memory_space<vmem>>
        %dma_start3A_74 = arith.constant 0 : i32
        %dma_start3A_75 = arith.constant 0 : i32
        %dma_start3A_76 = tpu.memref_slice %arg14[%dma_start3A_74, %dma_start3A_75] : memref<10240x16xf32, #tpu.memory_space<vmem_shared>> -> memref<10240x16xf32, #tpu.memory_space<vmem_shared>>
        tpu.enqueue_indirect_dma source(%arg11 : memref<1000x16xf32, #tpu.memory_space<vmem>>) target(%dma_start3A_76 : memref<10240x16xf32, #tpu.memory_space<vmem_shared>>) offsets(%dma_start3A_73 : memref<1000xi32, #tpu.memory_space<vmem>>) semaphore(%arg17 : memref<!tpu.dma_semaphore, #tpu.memory_space<semaphore_mem>>) {add = true}
        %dma_wait3A_77 = tpu.memref_slice %arg10[%mul3A_72] : memref<20000xi32, #tpu.memory_space<vmem>> -> memref<1000xi32, #tpu.memory_space<vmem>>
        %dma_wait3A_78 = arith.constant 0 : i32
        %dma_wait3A_79 = arith.constant 0 : i32
        %dma_wait3A_80 = tpu.memref_slice %arg14[%dma_wait3A_78, %dma_wait3A_79] : memref<10240x16xf32, #tpu.memory_space<vmem_shared>> -> memref<10240x16xf32, #tpu.memory_space<vmem_shared>>
        tpu.wait_indirect_dma semaphore(%arg17 : memref<!tpu.dma_semaphore, #tpu.memory_space<semaphore_mem>>) src(%arg11 : memref<1000x16xf32, #tpu.memory_space<vmem>>) dst(%dma_wait3A_80 : memref<10240x16xf32, #tpu.memory_space<vmem_shared>>)
        %add3A_81 = arith.constant 0 : i32
        %add3A_82 = arith.addi %mul3A_52, %add3A_81 : i32
        %add3A_83 = arith.constant 2 : i32
        %add3A_84 = arith.addi %add3A_82, %add3A_83 : i32
        %mul3A_85 = arith.constant 1000 : i32
        %mul3A_86 = arith.muli %add3A_84, %mul3A_85 : i32
        %dma_start3A_87 = tpu.memref_slice %arg9[%mul3A_86] : memref<20000xi32, #tpu.memory_space<vmem>> -> memref<1000xi32, #tpu.memory_space<vmem>>
        %dma_start3A_88 = arith.constant 0 : i32
        %dma_start3A_89 = arith.constant 0 : i32
        %dma_start3A_90 = tpu.memref_slice %arg15[%dma_start3A_88, %dma_start3A_89] : memref<10000x16xf32, #tpu.memory_space<vmem_shared>> -> memref<10000x16xf32, #tpu.memory_space<vmem_shared>>
        tpu.enqueue_indirect_dma source(%dma_start3A_90 : memref<10000x16xf32, #tpu.memory_space<vmem_shared>>) target(%arg11 : memref<1000x16xf32, #tpu.memory_space<vmem>>) offsets(%dma_start3A_87 : memref<1000xi32, #tpu.memory_space<vmem>>) semaphore(%arg16 : memref<!tpu.dma_semaphore, #tpu.memory_space<semaphore_mem>>)
        %dma_wait3A_91 = tpu.memref_slice %arg9[%mul3A_61] : memref<20000xi32, #tpu.memory_space<vmem>> -> memref<1000xi32, #tpu.memory_space<vmem>>
        %dma_wait3A_92 = arith.constant 0 : i32
        %dma_wait3A_93 = arith.constant 0 : i32
        %dma_wait3A_94 = tpu.memref_slice %arg15[%dma_wait3A_92, %dma_wait3A_93] : memref<10000x16xf32, #tpu.memory_space<vmem_shared>> -> memref<10000x16xf32, #tpu.memory_space<vmem_shared>>
        tpu.wait_indirect_dma semaphore(%arg16 : memref<!tpu.dma_semaphore, #tpu.memory_space<semaphore_mem>>) src(%dma_wait3A_94 : memref<10000x16xf32, #tpu.memory_space<vmem_shared>>) dst(%arg12 : memref<1000x16xf32, #tpu.memory_space<vmem>>)
        %add3A_95 = arith.constant 1 : i32
        %add3A_96 = arith.addi %mul3A_52, %add3A_95 : i32
        %mul3A_97 = arith.constant 1000 : i32
        %mul3A_98 = arith.muli %add3A_96, %mul3A_97 : i32
        %dma_start3A_99 = tpu.memref_slice %arg10[%mul3A_98] : memref<20000xi32, #tpu.memory_space<vmem>> -> memref<1000xi32, #tpu.memory_space<vmem>>
        %dma_start3A_100 = arith.constant 0 : i32
        %dma_start3A_101 = arith.constant 0 : i32
        %dma_start3A_102 = tpu.memref_slice %arg14[%dma_start3A_100, %dma_start3A_101] : memref<10240x16xf32, #tpu.memory_space<vmem_shared>> -> memref<10240x16xf32, #tpu.memory_space<vmem_shared>>
        tpu.enqueue_indirect_dma source(%arg12 : memref<1000x16xf32, #tpu.memory_space<vmem>>) target(%dma_start3A_102 : memref<10240x16xf32, #tpu.memory_space<vmem_shared>>) offsets(%dma_start3A_99 : memref<1000xi32, #tpu.memory_space<vmem>>) semaphore(%arg17 : memref<!tpu.dma_semaphore, #tpu.memory_space<semaphore_mem>>) {add = true}
        %dma_wait3A_103 = tpu.memref_slice %arg10[%mul3A_98] : memref<20000xi32, #tpu.memory_space<vmem>> -> memref<1000xi32, #tpu.memory_space<vmem>>
        %dma_wait3A_104 = arith.constant 0 : i32
        %dma_wait3A_105 = arith.constant 0 : i32
        %dma_wait3A_106 = tpu.memref_slice %arg14[%dma_wait3A_104, %dma_wait3A_105] : memref<10240x16xf32, #tpu.memory_space<vmem_shared>> -> memref<10240x16xf32, #tpu.memory_space<vmem_shared>>
        tpu.wait_indirect_dma semaphore(%arg17 : memref<!tpu.dma_semaphore, #tpu.memory_space<semaphore_mem>>) src(%arg12 : memref<1000x16xf32, #tpu.memory_space<vmem>>) dst(%dma_wait3A_106 : memref<10240x16xf32, #tpu.memory_space<vmem_shared>>)
        %add3A_107 = arith.constant 1 : i32
        %add3A_108 = arith.addi %mul3A_52, %add3A_107 : i32
        %add3A_109 = arith.constant 2 : i32
        %add3A_110 = arith.addi %add3A_108, %add3A_109 : i32
        %mul3A_111 = arith.constant 1000 : i32
        %mul3A_112 = arith.muli %add3A_110, %mul3A_111 : i32
        %dma_start3A_113 = tpu.memref_slice %arg9[%mul3A_112] : memref<20000xi32, #tpu.memory_space<vmem>> -> memref<1000xi32, #tpu.memory_space<vmem>>
        %dma_start3A_114 = arith.constant 0 : i32
        %dma_start3A_115 = arith.constant 0 : i32
        %dma_start3A_116 = tpu.memref_slice %arg15[%dma_start3A_114, %dma_start3A_115] : memref<10000x16xf32, #tpu.memory_space<vmem_shared>> -> memref<10000x16xf32, #tpu.memory_space<vmem_shared>>
        tpu.enqueue_indirect_dma source(%dma_start3A_116 : memref<10000x16xf32, #tpu.memory_space<vmem_shared>>) target(%arg12 : memref<1000x16xf32, #tpu.memory_space<vmem>>) offsets(%dma_start3A_113 : memref<1000xi32, #tpu.memory_space<vmem>>) semaphore(%arg16 : memref<!tpu.dma_semaphore, #tpu.memory_space<semaphore_mem>>)
        %dma_wait3A_117 = tpu.memref_slice %arg9[%mul3A_86] : memref<20000xi32, #tpu.memory_space<vmem>> -> memref<1000xi32, #tpu.memory_space<vmem>>
        %dma_wait3A_118 = arith.constant 0 : i32
        %dma_wait3A_119 = arith.constant 0 : i32
        %dma_wait3A_120 = tpu.memref_slice %arg15[%dma_wait3A_118, %dma_wait3A_119] : memref<10000x16xf32, #tpu.memory_space<vmem_shared>> -> memref<10000x16xf32, #tpu.memory_space<vmem_shared>>
        tpu.wait_indirect_dma semaphore(%arg16 : memref<!tpu.dma_semaphore, #tpu.memory_space<semaphore_mem>>) src(%dma_wait3A_120 : memref<10000x16xf32, #tpu.memory_space<vmem_shared>>) dst(%arg11 : memref<1000x16xf32, #tpu.memory_space<vmem>>)
        %add3A_121 = arith.constant 2 : i32
        %add3A_122 = arith.addi %mul3A_52, %add3A_121 : i32
        %mul3A_123 = arith.constant 1000 : i32
        %mul3A_124 = arith.muli %add3A_122, %mul3A_123 : i32
        %dma_start3A_125 = tpu.memref_slice %arg10[%mul3A_124] : memref<20000xi32, #tpu.memory_space<vmem>> -> memref<1000xi32, #tpu.memory_space<vmem>>
        %dma_start3A_126 = arith.constant 0 : i32
        %dma_start3A_127 = arith.constant 0 : i32
        %dma_start3A_128 = tpu.memref_slice %arg14[%dma_start3A_126, %dma_start3A_127] : memref<10240x16xf32, #tpu.memory_space<vmem_shared>> -> memref<10240x16xf32, #tpu.memory_space<vmem_shared>>
        tpu.enqueue_indirect_dma source(%arg11 : memref<1000x16xf32, #tpu.memory_space<vmem>>) target(%dma_start3A_128 : memref<10240x16xf32, #tpu.memory_space<vmem_shared>>) offsets(%dma_start3A_125 : memref<1000xi32, #tpu.memory_space<vmem>>) semaphore(%arg17 : memref<!tpu.dma_semaphore, #tpu.memory_space<semaphore_mem>>) {add = true}
        %dma_wait3A_129 = tpu.memref_slice %arg10[%mul3A_124] : memref<20000xi32, #tpu.memory_space<vmem>> -> memref<1000xi32, #tpu.memory_space<vmem>>
        %dma_wait3A_130 = arith.constant 0 : i32
        %dma_wait3A_131 = arith.constant 0 : i32
        %dma_wait3A_132 = tpu.memref_slice %arg14[%dma_wait3A_130, %dma_wait3A_131] : memref<10240x16xf32, #tpu.memory_space<vmem_shared>> -> memref<10240x16xf32, #tpu.memory_space<vmem_shared>>
        tpu.wait_indirect_dma semaphore(%arg17 : memref<!tpu.dma_semaphore, #tpu.memory_space<semaphore_mem>>) src(%arg11 : memref<1000x16xf32, #tpu.memory_space<vmem>>) dst(%dma_wait3A_132 : memref<10240x16xf32, #tpu.memory_space<vmem_shared>>)
        %add3A_133 = arith.constant 2 : i32
        %add3A_134 = arith.addi %mul3A_52, %add3A_133 : i32
        %add3A_135 = arith.constant 2 : i32
        %add3A_136 = arith.addi %add3A_134, %add3A_135 : i32
        %mul3A_137 = arith.constant 1000 : i32
        %mul3A_138 = arith.muli %add3A_136, %mul3A_137 : i32
        %dma_start3A_139 = tpu.memref_slice %arg9[%mul3A_138] : memref<20000xi32, #tpu.memory_space<vmem>> -> memref<1000xi32, #tpu.memory_space<vmem>>
        %dma_start3A_140 = arith.constant 0 : i32
        %dma_start3A_141 = arith.constant 0 : i32
        %dma_start3A_142 = tpu.memref_slice %arg15[%dma_start3A_140, %dma_start3A_141] : memref<10000x16xf32, #tpu.memory_space<vmem_shared>> -> memref<10000x16xf32, #tpu.memory_space<vmem_shared>>
        tpu.enqueue_indirect_dma source(%dma_start3A_142 : memref<10000x16xf32, #tpu.memory_space<vmem_shared>>) target(%arg11 : memref<1000x16xf32, #tpu.memory_space<vmem>>) offsets(%dma_start3A_139 : memref<1000xi32, #tpu.memory_space<vmem>>) semaphore(%arg16 : memref<!tpu.dma_semaphore, #tpu.memory_space<semaphore_mem>>)
        %dma_wait3A_143 = tpu.memref_slice %arg9[%mul3A_112] : memref<20000xi32, #tpu.memory_space<vmem>> -> memref<1000xi32, #tpu.memory_space<vmem>>
        %dma_wait3A_144 = arith.constant 0 : i32
        %dma_wait3A_145 = arith.constant 0 : i32
        %dma_wait3A_146 = tpu.memref_slice %arg15[%dma_wait3A_144, %dma_wait3A_145] : memref<10000x16xf32, #tpu.memory_space<vmem_shared>> -> memref<10000x16xf32, #tpu.memory_space<vmem_shared>>
        tpu.wait_indirect_dma semaphore(%arg16 : memref<!tpu.dma_semaphore, #tpu.memory_space<semaphore_mem>>) src(%dma_wait3A_146 : memref<10000x16xf32, #tpu.memory_space<vmem_shared>>) dst(%arg12 : memref<1000x16xf32, #tpu.memory_space<vmem>>)
        %add3A_147 = arith.constant 3 : i32
        %add3A_148 = arith.addi %mul3A_52, %add3A_147 : i32
        %mul3A_149 = arith.constant 1000 : i32
        %mul3A_150 = arith.muli %add3A_148, %mul3A_149 : i32
        %dma_start3A_151 = tpu.memref_slice %arg10[%mul3A_150] : memref<20000xi32, #tpu.memory_space<vmem>> -> memref<1000xi32, #tpu.memory_space<vmem>>
        %dma_start3A_152 = arith.constant 0 : i32
        %dma_start3A_153 = arith.constant 0 : i32
        %dma_start3A_154 = tpu.memref_slice %arg14[%dma_start3A_152, %dma_start3A_153] : memref<10240x16xf32, #tpu.memory_space<vmem_shared>> -> memref<10240x16xf32, #tpu.memory_space<vmem_shared>>
        tpu.enqueue_indirect_dma source(%arg12 : memref<1000x16xf32, #tpu.memory_space<vmem>>) target(%dma_start3A_154 : memref<10240x16xf32, #tpu.memory_space<vmem_shared>>) offsets(%dma_start3A_151 : memref<1000xi32, #tpu.memory_space<vmem>>) semaphore(%arg17 : memref<!tpu.dma_semaphore, #tpu.memory_space<semaphore_mem>>) {add = true}
        %dma_wait3A_155 = tpu.memref_slice %arg10[%mul3A_150] : memref<20000xi32, #tpu.memory_space<vmem>> -> memref<1000xi32, #tpu.memory_space<vmem>>
        %dma_wait3A_156 = arith.constant 0 : i32
        %dma_wait3A_157 = arith.constant 0 : i32
        %dma_wait3A_158 = tpu.memref_slice %arg14[%dma_wait3A_156, %dma_wait3A_157] : memref<10240x16xf32, #tpu.memory_space<vmem_shared>> -> memref<10240x16xf32, #tpu.memory_space<vmem_shared>>
        tpu.wait_indirect_dma semaphore(%arg17 : memref<!tpu.dma_semaphore, #tpu.memory_space<semaphore_mem>>) src(%arg12 : memref<1000x16xf32, #tpu.memory_space<vmem>>) dst(%dma_wait3A_158 : memref<10240x16xf32, #tpu.memory_space<vmem_shared>>)
        %dma_wait3A_159 = tpu.memref_slice %arg9[%mul3A_138] : memref<20000xi32, #tpu.memory_space<vmem>> -> memref<1000xi32, #tpu.memory_space<vmem>>
        %dma_wait3A_160 = arith.constant 0 : i32
        %dma_wait3A_161 = arith.constant 0 : i32
        %dma_wait3A_162 = tpu.memref_slice %arg15[%dma_wait3A_160, %dma_wait3A_161] : memref<10000x16xf32, #tpu.memory_space<vmem_shared>> -> memref<10000x16xf32, #tpu.memory_space<vmem_shared>>
        tpu.wait_indirect_dma semaphore(%arg16 : memref<!tpu.dma_semaphore, #tpu.memory_space<semaphore_mem>>) src(%dma_wait3A_162 : memref<10000x16xf32, #tpu.memory_space<vmem_shared>>) dst(%arg11 : memref<1000x16xf32, #tpu.memory_space<vmem>>)
        %add3A_163 = arith.constant 4 : i32
        %add3A_164 = arith.addi %mul3A_52, %add3A_163 : i32
        %mul3A_165 = arith.constant 1000 : i32
        %mul3A_166 = arith.muli %add3A_164, %mul3A_165 : i32
        %dma_start3A_167 = tpu.memref_slice %arg10[%mul3A_166] : memref<20000xi32, #tpu.memory_space<vmem>> -> memref<1000xi32, #tpu.memory_space<vmem>>
        %dma_start3A_168 = arith.constant 0 : i32
        %dma_start3A_169 = arith.constant 0 : i32
        %dma_start3A_170 = tpu.memref_slice %arg14[%dma_start3A_168, %dma_start3A_169] : memref<10240x16xf32, #tpu.memory_space<vmem_shared>> -> memref<10240x16xf32, #tpu.memory_space<vmem_shared>>
        tpu.enqueue_indirect_dma source(%arg11 : memref<1000x16xf32, #tpu.memory_space<vmem>>) target(%dma_start3A_170 : memref<10240x16xf32, #tpu.memory_space<vmem_shared>>) offsets(%dma_start3A_167 : memref<1000xi32, #tpu.memory_space<vmem>>) semaphore(%arg17 : memref<!tpu.dma_semaphore, #tpu.memory_space<semaphore_mem>>) {add = true}
        %dma_wait3A_171 = tpu.memref_slice %arg10[%mul3A_166] : memref<20000xi32, #tpu.memory_space<vmem>> -> memref<1000xi32, #tpu.memory_space<vmem>>
        %dma_wait3A_172 = arith.constant 0 : i32
        %dma_wait3A_173 = arith.constant 0 : i32
        %dma_wait3A_174 = tpu.memref_slice %arg14[%dma_wait3A_172, %dma_wait3A_173] : memref<10240x16xf32, #tpu.memory_space<vmem_shared>> -> memref<10240x16xf32, #tpu.memory_space<vmem_shared>>
        tpu.wait_indirect_dma semaphore(%arg17 : memref<!tpu.dma_semaphore, #tpu.memory_space<semaphore_mem>>) src(%arg11 : memref<1000x16xf32, #tpu.memory_space<vmem>>) dst(%dma_wait3A_174 : memref<10240x16xf32, #tpu.memory_space<vmem_shared>>)
      }
      %scan3A_41 = arith.constant 4 : i32
      %barrier3A_42 = arith.constant 0 : index
      tpu.barrier barrier_id(%barrier3A_42)
      %mul3A_43 = arith.constant 640 : i32
      %mul3A_44 = arith.muli %arg1, %mul3A_43 : i32
      %mul3A_45 = arith.constant 640 : i32
      %mul3A_46 = arith.muli %arg1, %mul3A_45 : i32
      "tpu.region"() ({
        %run_scoped3A_47 = tpu.sem_alloc : memref<!tpu.dma_semaphore, #tpu.memory_space<semaphore_mem>>
        %dma_start3A = arith.constant 0 : i32
        %dma_start3A_48 = tpu.memref_slice %arg8[%mul3A_46, %dma_start3A] : memref<10240x64xf32, #tpu.memory_space<hbm>> -> memref<640x16xf32, #tpu.memory_space<hbm>>
        %dma_start3A_49 = arith.constant 0 : i32
        %dma_start3A_50 = tpu.memref_slice %arg14[%mul3A_44, %dma_start3A_49] : memref<10240x16xf32, #tpu.memory_space<vmem_shared>> -> memref<640x16xf32, #tpu.memory_space<vmem_shared>>
        tpu.enqueue_dma source(%dma_start3A_50 : memref<640x16xf32, #tpu.memory_space<vmem_shared>>) target(%dma_start3A_48 : memref<640x16xf32, #tpu.memory_space<hbm>>) target_semaphore(%run_scoped3A_47 : memref<!tpu.dma_semaphore, #tpu.memory_space<semaphore_mem>>)
        %dma_wait3A = arith.constant 0 : i32
        %dma_wait3A_51 = tpu.memref_slice %arg8[%mul3A_46, %dma_wait3A] : memref<10240x64xf32, #tpu.memory_space<hbm>> -> memref<640x16xf32, #tpu.memory_space<hbm>>
        %dma_wait3A_52 = arith.constant 0 : i32
        %dma_wait3A_53 = tpu.memref_slice %arg14[%mul3A_44, %dma_wait3A_52] : memref<10240x16xf32, #tpu.memory_space<vmem_shared>> -> memref<640x16xf32, #tpu.memory_space<vmem_shared>>
        tpu.wait_dma2 semaphore(%run_scoped3A_47 : memref<!tpu.dma_semaphore, #tpu.memory_space<semaphore_mem>>) src(%dma_wait3A_53 : memref<640x16xf32, #tpu.memory_space<vmem_shared>>) dst(%dma_wait3A_51 : memref<640x16xf32, #tpu.memory_space<hbm>>)
        tpu.yield
      }) : () -> ()
    } else {
    }
    %eq3A_10 = arith.constant 1 : i32
    %eq3A_11 = arith.cmpi eq, %arg0, %eq3A_10 : i32
    %convert_element_type3A_12 = arith.extui %eq3A_11 : i1 to i32
    %cond3A_13 = arith.constant 0 : i32
    %cond3A_14 = arith.cmpi ne, %convert_element_type3A_12, %cond3A_13 : i32
    scf.if %cond3A_14 {
      %mul3A_15 = arith.constant 20 : i32
      %mul3A_16 = arith.muli %arg1, %mul3A_15 : i32
      %mul3A_17 = arith.constant 1000 : i32
      %mul3A_18 = arith.muli %mul3A_16, %mul3A_17 : i32
      %run_scoped3A = arith.constant 0 : i32
      "tpu.region"() ({
        %run_scoped3A_47 = tpu.sem_alloc : memref<!tpu.dma_semaphore, #tpu.memory_space<semaphore_mem>>
        %dma_start3A = arith.constant 0 : i32
        %dma_start3A_48 = tpu.memref_slice %arg7[%run_scoped3A, %dma_start3A] : memref<2x320000xi32, #tpu.memory_space<hbm>> -> memref<1x320000xi32, #tpu.memory_space<hbm>>
        %dma_start3A_49 = tpu.memref_squeeze %dma_start3A_48 : memref<1x320000xi32, #tpu.memory_space<hbm>> -> memref<320000xi32, #tpu.memory_space<hbm>>
        %dma_start3A_50 = tpu.memref_slice %dma_start3A_49[%mul3A_18] : memref<320000xi32, #tpu.memory_space<hbm>> -> memref<20000xi32, #tpu.memory_space<hbm>>
        %dma_start3A_51 = arith.constant 0 : i32
        %dma_start3A_52 = tpu.memref_slice %arg7[%run_scoped3A, %dma_start3A_51] : memref<2x320000xi32, #tpu.memory_space<hbm>> -> memref<1x320000xi32, #tpu.memory_space<hbm>>
        %dma_start3A_53 = tpu.memref_squeeze %dma_start3A_52 : memref<1x320000xi32, #tpu.memory_space<hbm>> -> memref<320000xi32, #tpu.memory_space<hbm>>
        %dma_start3A_54 = tpu.memref_slice %dma_start3A_53[%mul3A_18] : memref<320000xi32, #tpu.memory_space<hbm>> -> memref<20000xi32, #tpu.memory_space<hbm>>
        tpu.enqueue_dma source(%dma_start3A_54 : memref<20000xi32, #tpu.memory_space<hbm>>) target(%arg9 : memref<20000xi32, #tpu.memory_space<vmem>>) target_semaphore(%run_scoped3A_47 : memref<!tpu.dma_semaphore, #tpu.memory_space<semaphore_mem>>)
        %dma_wait3A = arith.constant 0 : i32
        %dma_wait3A_55 = tpu.memref_slice %arg7[%run_scoped3A, %dma_wait3A] : memref<2x320000xi32, #tpu.memory_space<hbm>> -> memref<1x320000xi32, #tpu.memory_space<hbm>>
        %dma_wait3A_56 = tpu.memref_squeeze %dma_wait3A_55 : memref<1x320000xi32, #tpu.memory_space<hbm>> -> memref<320000xi32, #tpu.memory_space<hbm>>
        %dma_wait3A_57 = tpu.memref_slice %dma_wait3A_56[%mul3A_18] : memref<320000xi32, #tpu.memory_space<hbm>> -> memref<20000xi32, #tpu.memory_space<hbm>>
        %dma_wait3A_58 = arith.constant 0 : i32
        %dma_wait3A_59 = tpu.memref_slice %arg7[%run_scoped3A, %dma_wait3A_58] : memref<2x320000xi32, #tpu.memory_space<hbm>> -> memref<1x320000xi32, #tpu.memory_space<hbm>>
        %dma_wait3A_60 = tpu.memref_squeeze %dma_wait3A_59 : memref<1x320000xi32, #tpu.memory_space<hbm>> -> memref<320000xi32, #tpu.memory_space<hbm>>
        %dma_wait3A_61 = tpu.memref_slice %dma_wait3A_60[%mul3A_18] : memref<320000xi32, #tpu.memory_space<hbm>> -> memref<20000xi32, #tpu.memory_space<hbm>>
        tpu.wait_dma2 semaphore(%run_scoped3A_47 : memref<!tpu.dma_semaphore, #tpu.memory_space<semaphore_mem>>) src(%dma_wait3A_61 : memref<20000xi32, #tpu.memory_space<hbm>>) dst(%arg9 : memref<20000xi32, #tpu.memory_space<vmem>>)
        tpu.yield
      }) : () -> ()
      %run_scoped3A_19 = arith.constant 1 : i32
      "tpu.region"() ({
        %run_scoped3A_47 = tpu.sem_alloc : memref<!tpu.dma_semaphore, #tpu.memory_space<semaphore_mem>>
        %dma_start3A = arith.constant 0 : i32
        %dma_start3A_48 = tpu.memref_slice %arg7[%run_scoped3A_19, %dma_start3A] : memref<2x320000xi32, #tpu.memory_space<hbm>> -> memref<1x320000xi32, #tpu.memory_space<hbm>>
        %dma_start3A_49 = tpu.memref_squeeze %dma_start3A_48 : memref<1x320000xi32, #tpu.memory_space<hbm>> -> memref<320000xi32, #tpu.memory_space<hbm>>
        %dma_start3A_50 = tpu.memref_slice %dma_start3A_49[%mul3A_18] : memref<320000xi32, #tpu.memory_space<hbm>> -> memref<20000xi32, #tpu.memory_space<hbm>>
        %dma_start3A_51 = arith.constant 0 : i32
        %dma_start3A_52 = tpu.memref_slice %arg7[%run_scoped3A_19, %dma_start3A_51] : memref<2x320000xi32, #tpu.memory_space<hbm>> -> memref<1x320000xi32, #tpu.memory_space<hbm>>
        %dma_start3A_53 = tpu.memref_squeeze %dma_start3A_52 : memref<1x320000xi32, #tpu.memory_space<hbm>> -> memref<320000xi32, #tpu.memory_space<hbm>>
        %dma_start3A_54 = tpu.memref_slice %dma_start3A_53[%mul3A_18] : memref<320000xi32, #tpu.memory_space<hbm>> -> memref<20000xi32, #tpu.memory_space<hbm>>
        tpu.enqueue_dma source(%dma_start3A_54 : memref<20000xi32, #tpu.memory_space<hbm>>) target(%arg10 : memref<20000xi32, #tpu.memory_space<vmem>>) target_semaphore(%run_scoped3A_47 : memref<!tpu.dma_semaphore, #tpu.memory_space<semaphore_mem>>)
        %dma_wait3A = arith.constant 0 : i32
        %dma_wait3A_55 = tpu.memref_slice %arg7[%run_scoped3A_19, %dma_wait3A] : memref<2x320000xi32, #tpu.memory_space<hbm>> -> memref<1x320000xi32, #tpu.memory_space<hbm>>
        %dma_wait3A_56 = tpu.memref_squeeze %dma_wait3A_55 : memref<1x320000xi32, #tpu.memory_space<hbm>> -> memref<320000xi32, #tpu.memory_space<hbm>>
        %dma_wait3A_57 = tpu.memref_slice %dma_wait3A_56[%mul3A_18] : memref<320000xi32, #tpu.memory_space<hbm>> -> memref<20000xi32, #tpu.memory_space<hbm>>
        %dma_wait3A_58 = arith.constant 0 : i32
        %dma_wait3A_59 = tpu.memref_slice %arg7[%run_scoped3A_19, %dma_wait3A_58] : memref<2x320000xi32, #tpu.memory_space<hbm>> -> memref<1x320000xi32, #tpu.memory_space<hbm>>
        %dma_wait3A_60 = tpu.memref_squeeze %dma_wait3A_59 : memref<1x320000xi32, #tpu.memory_space<hbm>> -> memref<320000xi32, #tpu.memory_space<hbm>>
        %dma_wait3A_61 = tpu.memref_slice %dma_wait3A_60[%mul3A_18] : memref<320000xi32, #tpu.memory_space<hbm>> -> memref<20000xi32, #tpu.memory_space<hbm>>
        tpu.wait_dma2 semaphore(%run_scoped3A_47 : memref<!tpu.dma_semaphore, #tpu.memory_space<semaphore_mem>>) src(%dma_wait3A_61 : memref<20000xi32, #tpu.memory_space<hbm>>) dst(%arg10 : memref<20000xi32, #tpu.memory_space<vmem>>)
        tpu.yield
      }) : () -> ()
      %mul3A_20 = arith.constant 625 : i32
      %mul3A_21 = arith.muli %arg1, %mul3A_20 : i32
      "tpu.region"() ({
        %run_scoped3A_47 = tpu.sem_alloc : memref<!tpu.dma_semaphore, #tpu.memory_space<semaphore_mem>>
        %dma_start3A = arith.constant 0 : i32
        %dma_start3A_48 = arith.constant 0 : i32
        %dma_start3A_49 = tpu.memref_slice %arg12[%dma_start3A, %dma_start3A_48] : memref<1000x16xf32, #tpu.memory_space<vmem>> -> memref<625x16xf32, #tpu.memory_space<vmem>>
        %dma_start3A_50 = arith.constant 0 : i32
        %dma_start3A_51 = tpu.memref_slice %arg3[%mul3A_21, %dma_start3A_50] : memref<10000x16xf32, #tpu.memory_space<hbm>> -> memref<625x16xf32, #tpu.memory_space<hbm>>
        %dma_start3A_52 = arith.constant 0 : i32
        %dma_start3A_53 = arith.constant 0 : i32
        %dma_start3A_54 = tpu.memref_slice %arg12[%dma_start3A_52, %dma_start3A_53] : memref<1000x16xf32, #tpu.memory_space<vmem>> -> memref<625x16xf32, #tpu.memory_space<vmem>>
        %dma_start3A_55 = arith.constant 0 : i32
        %dma_start3A_56 = tpu.memref_slice %arg3[%mul3A_21, %dma_start3A_55] : memref<10000x16xf32, #tpu.memory_space<hbm>> -> memref<625x16xf32, #tpu.memory_space<hbm>>
        tpu.enqueue_dma source(%dma_start3A_56 : memref<625x16xf32, #tpu.memory_space<hbm>>) target(%dma_start3A_54 : memref<625x16xf32, #tpu.memory_space<vmem>>) target_semaphore(%run_scoped3A_47 : memref<!tpu.dma_semaphore, #tpu.memory_space<semaphore_mem>>)
        %dma_wait3A = arith.constant 0 : i32
        %dma_wait3A_57 = arith.constant 0 : i32
        %dma_wait3A_58 = tpu.memref_slice %arg12[%dma_wait3A, %dma_wait3A_57] : memref<1000x16xf32, #tpu.memory_space<vmem>> -> memref<625x16xf32, #tpu.memory_space<vmem>>
        %dma_wait3A_59 = arith.constant 0 : i32
        %dma_wait3A_60 = tpu.memref_slice %arg3[%mul3A_21, %dma_wait3A_59] : memref<10000x16xf32, #tpu.memory_space<hbm>> -> memref<625x16xf32, #tpu.memory_space<hbm>>
        %dma_wait3A_61 = arith.constant 0 : i32
        %dma_wait3A_62 = arith.constant 0 : i32
        %dma_wait3A_63 = tpu.memref_slice %arg12[%dma_wait3A_61, %dma_wait3A_62] : memref<1000x16xf32, #tpu.memory_space<vmem>> -> memref<625x16xf32, #tpu.memory_space<vmem>>
        %dma_wait3A_64 = arith.constant 0 : i32
        %dma_wait3A_65 = tpu.memref_slice %arg3[%mul3A_21, %dma_wait3A_64] : memref<10000x16xf32, #tpu.memory_space<hbm>> -> memref<625x16xf32, #tpu.memory_space<hbm>>
        tpu.wait_dma2 semaphore(%run_scoped3A_47 : memref<!tpu.dma_semaphore, #tpu.memory_space<semaphore_mem>>) src(%dma_wait3A_65 : memref<625x16xf32, #tpu.memory_space<hbm>>) dst(%dma_wait3A_63 : memref<625x16xf32, #tpu.memory_space<vmem>>)
        tpu.yield
      }) : () -> ()
      "tpu.region"() ({
        %run_scoped3A_47 = tpu.sem_alloc : memref<!tpu.dma_semaphore, #tpu.memory_space<semaphore_mem>>
        %dma_start3A = arith.constant 0 : i32
        %dma_start3A_48 = arith.constant 0 : i32
        %dma_start3A_49 = tpu.memref_slice %arg12[%dma_start3A, %dma_start3A_48] : memref<1000x16xf32, #tpu.memory_space<vmem>> -> memref<625x16xf32, #tpu.memory_space<vmem>>
        %dma_start3A_50 = arith.constant 0 : i32
        %dma_start3A_51 = tpu.memref_slice %arg15[%mul3A_21, %dma_start3A_50] : memref<10000x16xf32, #tpu.memory_space<vmem_shared>> -> memref<625x16xf32, #tpu.memory_space<vmem_shared>>
        %dma_start3A_52 = arith.constant 0 : i32
        %dma_start3A_53 = tpu.memref_slice %arg15[%mul3A_21, %dma_start3A_52] : memref<10000x16xf32, #tpu.memory_space<vmem_shared>> -> memref<625x16xf32, #tpu.memory_space<vmem_shared>>
        %dma_start3A_54 = arith.constant 0 : i32
        %dma_start3A_55 = arith.constant 0 : i32
        %dma_start3A_56 = tpu.memref_slice %arg12[%dma_start3A_54, %dma_start3A_55] : memref<1000x16xf32, #tpu.memory_space<vmem>> -> memref<625x16xf32, #tpu.memory_space<vmem>>
        tpu.enqueue_dma source(%dma_start3A_56 : memref<625x16xf32, #tpu.memory_space<vmem>>) target(%dma_start3A_53 : memref<625x16xf32, #tpu.memory_space<vmem_shared>>) target_semaphore(%run_scoped3A_47 : memref<!tpu.dma_semaphore, #tpu.memory_space<semaphore_mem>>)
        %dma_wait3A = arith.constant 0 : i32
        %dma_wait3A_57 = arith.constant 0 : i32
        %dma_wait3A_58 = tpu.memref_slice %arg12[%dma_wait3A, %dma_wait3A_57] : memref<1000x16xf32, #tpu.memory_space<vmem>> -> memref<625x16xf32, #tpu.memory_space<vmem>>
        %dma_wait3A_59 = arith.constant 0 : i32
        %dma_wait3A_60 = tpu.memref_slice %arg15[%mul3A_21, %dma_wait3A_59] : memref<10000x16xf32, #tpu.memory_space<vmem_shared>> -> memref<625x16xf32, #tpu.memory_space<vmem_shared>>
        %dma_wait3A_61 = arith.constant 0 : i32
        %dma_wait3A_62 = tpu.memref_slice %arg15[%mul3A_21, %dma_wait3A_61] : memref<10000x16xf32, #tpu.memory_space<vmem_shared>> -> memref<625x16xf32, #tpu.memory_space<vmem_shared>>
        %dma_wait3A_63 = arith.constant 0 : i32
        %dma_wait3A_64 = arith.constant 0 : i32
        %dma_wait3A_65 = tpu.memref_slice %arg12[%dma_wait3A_63, %dma_wait3A_64] : memref<1000x16xf32, #tpu.memory_space<vmem>> -> memref<625x16xf32, #tpu.memory_space<vmem>>
        tpu.wait_dma2 semaphore(%run_scoped3A_47 : memref<!tpu.dma_semaphore, #tpu.memory_space<semaphore_mem>>) src(%dma_wait3A_65 : memref<625x16xf32, #tpu.memory_space<vmem>>) dst(%dma_wait3A_62 : memref<625x16xf32, #tpu.memory_space<vmem_shared>>)
        tpu.yield
      }) : () -> ()
      %barrier3A_22 = arith.constant 0 : index
      tpu.barrier barrier_id(%barrier3A_22)
      %scan3A_23 = arith.constant 0 : i32
      %scan3A_24 = arith.constant 4 : i32
      %scan3A_25 = arith.addi %scan3A_23, %scan3A_24 : i32
      %scan3A_26 = arith.constant 1 : i32
      scf.for %scan3A_47 = %scan3A_23 to %scan3A_25 step %scan3A_26  : i32 {
        %mul3A_48 = arith.constant 1 : i32
        %mul3A_49 = arith.muli %scan3A_47, %mul3A_48 : i32
        %add3A = arith.constant 0 : i32
        %add3A_50 = arith.addi %add3A, %mul3A_49 : i32
        %mul3A_51 = arith.constant 5 : i32
        %mul3A_52 = arith.muli %mul3A_51, %add3A_50 : i32
        %mul3A_53 = arith.constant 1000 : i32
        %mul3A_54 = arith.muli %mul3A_52, %mul3A_53 : i32
        %dma_start3A = tpu.memref_slice %arg9[%mul3A_54] : memref<20000xi32, #tpu.memory_space<vmem>> -> memref<1000xi32, #tpu.memory_space<vmem>>
        %dma_start3A_55 = arith.constant 0 : i32
        %dma_start3A_56 = arith.constant 0 : i32
        %dma_start3A_57 = tpu.memref_slice %arg15[%dma_start3A_55, %dma_start3A_56] : memref<10000x16xf32, #tpu.memory_space<vmem_shared>> -> memref<10000x16xf32, #tpu.memory_space<vmem_shared>>
        tpu.enqueue_indirect_dma source(%dma_start3A_57 : memref<10000x16xf32, #tpu.memory_space<vmem_shared>>) target(%arg11 : memref<1000x16xf32, #tpu.memory_space<vmem>>) offsets(%dma_start3A : memref<1000xi32, #tpu.memory_space<vmem>>) semaphore(%arg16 : memref<!tpu.dma_semaphore, #tpu.memory_space<semaphore_mem>>)
        %add3A_58 = arith.constant 1 : i32
        %add3A_59 = arith.addi %mul3A_52, %add3A_58 : i32
        %mul3A_60 = arith.constant 1000 : i32
        %mul3A_61 = arith.muli %add3A_59, %mul3A_60 : i32
        %dma_start3A_62 = tpu.memref_slice %arg9[%mul3A_61] : memref<20000xi32, #tpu.memory_space<vmem>> -> memref<1000xi32, #tpu.memory_space<vmem>>
        %dma_start3A_63 = arith.constant 0 : i32
        %dma_start3A_64 = arith.constant 0 : i32
        %dma_start3A_65 = tpu.memref_slice %arg15[%dma_start3A_63, %dma_start3A_64] : memref<10000x16xf32, #tpu.memory_space<vmem_shared>> -> memref<10000x16xf32, #tpu.memory_space<vmem_shared>>
        tpu.enqueue_indirect_dma source(%dma_start3A_65 : memref<10000x16xf32, #tpu.memory_space<vmem_shared>>) target(%arg12 : memref<1000x16xf32, #tpu.memory_space<vmem>>) offsets(%dma_start3A_62 : memref<1000xi32, #tpu.memory_space<vmem>>) semaphore(%arg16 : memref<!tpu.dma_semaphore, #tpu.memory_space<semaphore_mem>>)
        %dma_wait3A = tpu.memref_slice %arg9[%mul3A_54] : memref<20000xi32, #tpu.memory_space<vmem>> -> memref<1000xi32, #tpu.memory_space<vmem>>
        %dma_wait3A_66 = arith.constant 0 : i32
        %dma_wait3A_67 = arith.constant 0 : i32
        %dma_wait3A_68 = tpu.memref_slice %arg15[%dma_wait3A_66, %dma_wait3A_67] : memref<10000x16xf32, #tpu.memory_space<vmem_shared>> -> memref<10000x16xf32, #tpu.memory_space<vmem_shared>>
        tpu.wait_indirect_dma semaphore(%arg16 : memref<!tpu.dma_semaphore, #tpu.memory_space<semaphore_mem>>) src(%dma_wait3A_68 : memref<10000x16xf32, #tpu.memory_space<vmem_shared>>) dst(%arg11 : memref<1000x16xf32, #tpu.memory_space<vmem>>)
        %add3A_69 = arith.constant 0 : i32
        %add3A_70 = arith.addi %mul3A_52, %add3A_69 : i32
        %mul3A_71 = arith.constant 1000 : i32
        %mul3A_72 = arith.muli %add3A_70, %mul3A_71 : i32
        %dma_start3A_73 = tpu.memref_slice %arg10[%mul3A_72] : memref<20000xi32, #tpu.memory_space<vmem>> -> memref<1000xi32, #tpu.memory_space<vmem>>
        %dma_start3A_74 = arith.constant 0 : i32
        %dma_start3A_75 = arith.constant 0 : i32
        %dma_start3A_76 = tpu.memref_slice %arg13[%dma_start3A_74, %dma_start3A_75] : memref<10240x16xf32, #tpu.memory_space<vmem_shared>> -> memref<10240x16xf32, #tpu.memory_space<vmem_shared>>
        tpu.enqueue_indirect_dma source(%arg11 : memref<1000x16xf32, #tpu.memory_space<vmem>>) target(%dma_start3A_76 : memref<10240x16xf32, #tpu.memory_space<vmem_shared>>) offsets(%dma_start3A_73 : memref<1000xi32, #tpu.memory_space<vmem>>) semaphore(%arg17 : memref<!tpu.dma_semaphore, #tpu.memory_space<semaphore_mem>>) {add = true}
        %dma_wait3A_77 = tpu.memref_slice %arg10[%mul3A_72] : memref<20000xi32, #tpu.memory_space<vmem>> -> memref<1000xi32, #tpu.memory_space<vmem>>
        %dma_wait3A_78 = arith.constant 0 : i32
        %dma_wait3A_79 = arith.constant 0 : i32
        %dma_wait3A_80 = tpu.memref_slice %arg13[%dma_wait3A_78, %dma_wait3A_79] : memref<10240x16xf32, #tpu.memory_space<vmem_shared>> -> memref<10240x16xf32, #tpu.memory_space<vmem_shared>>
        tpu.wait_indirect_dma semaphore(%arg17 : memref<!tpu.dma_semaphore, #tpu.memory_space<semaphore_mem>>) src(%arg11 : memref<1000x16xf32, #tpu.memory_space<vmem>>) dst(%dma_wait3A_80 : memref<10240x16xf32, #tpu.memory_space<vmem_shared>>)
        %add3A_81 = arith.constant 0 : i32
        %add3A_82 = arith.addi %mul3A_52, %add3A_81 : i32
        %add3A_83 = arith.constant 2 : i32
        %add3A_84 = arith.addi %add3A_82, %add3A_83 : i32
        %mul3A_85 = arith.constant 1000 : i32
        %mul3A_86 = arith.muli %add3A_84, %mul3A_85 : i32
        %dma_start3A_87 = tpu.memref_slice %arg9[%mul3A_86] : memref<20000xi32, #tpu.memory_space<vmem>> -> memref<1000xi32, #tpu.memory_space<vmem>>
        %dma_start3A_88 = arith.constant 0 : i32
        %dma_start3A_89 = arith.constant 0 : i32
        %dma_start3A_90 = tpu.memref_slice %arg15[%dma_start3A_88, %dma_start3A_89] : memref<10000x16xf32, #tpu.memory_space<vmem_shared>> -> memref<10000x16xf32, #tpu.memory_space<vmem_shared>>
        tpu.enqueue_indirect_dma source(%dma_start3A_90 : memref<10000x16xf32, #tpu.memory_space<vmem_shared>>) target(%arg11 : memref<1000x16xf32, #tpu.memory_space<vmem>>) offsets(%dma_start3A_87 : memref<1000xi32, #tpu.memory_space<vmem>>) semaphore(%arg16 : memref<!tpu.dma_semaphore, #tpu.memory_space<semaphore_mem>>)
        %dma_wait3A_91 = tpu.memref_slice %arg9[%mul3A_61] : memref<20000xi32, #tpu.memory_space<vmem>> -> memref<1000xi32, #tpu.memory_space<vmem>>
        %dma_wait3A_92 = arith.constant 0 : i32
        %dma_wait3A_93 = arith.constant 0 : i32
        %dma_wait3A_94 = tpu.memref_slice %arg15[%dma_wait3A_92, %dma_wait3A_93] : memref<10000x16xf32, #tpu.memory_space<vmem_shared>> -> memref<10000x16xf32, #tpu.memory_space<vmem_shared>>
        tpu.wait_indirect_dma semaphore(%arg16 : memref<!tpu.dma_semaphore, #tpu.memory_space<semaphore_mem>>) src(%dma_wait3A_94 : memref<10000x16xf32, #tpu.memory_space<vmem_shared>>) dst(%arg12 : memref<1000x16xf32, #tpu.memory_space<vmem>>)
        %add3A_95 = arith.constant 1 : i32
        %add3A_96 = arith.addi %mul3A_52, %add3A_95 : i32
        %mul3A_97 = arith.constant 1000 : i32
        %mul3A_98 = arith.muli %add3A_96, %mul3A_97 : i32
        %dma_start3A_99 = tpu.memref_slice %arg10[%mul3A_98] : memref<20000xi32, #tpu.memory_space<vmem>> -> memref<1000xi32, #tpu.memory_space<vmem>>
        %dma_start3A_100 = arith.constant 0 : i32
        %dma_start3A_101 = arith.constant 0 : i32
        %dma_start3A_102 = tpu.memref_slice %arg13[%dma_start3A_100, %dma_start3A_101] : memref<10240x16xf32, #tpu.memory_space<vmem_shared>> -> memref<10240x16xf32, #tpu.memory_space<vmem_shared>>
        tpu.enqueue_indirect_dma source(%arg12 : memref<1000x16xf32, #tpu.memory_space<vmem>>) target(%dma_start3A_102 : memref<10240x16xf32, #tpu.memory_space<vmem_shared>>) offsets(%dma_start3A_99 : memref<1000xi32, #tpu.memory_space<vmem>>) semaphore(%arg17 : memref<!tpu.dma_semaphore, #tpu.memory_space<semaphore_mem>>) {add = true}
        %dma_wait3A_103 = tpu.memref_slice %arg10[%mul3A_98] : memref<20000xi32, #tpu.memory_space<vmem>> -> memref<1000xi32, #tpu.memory_space<vmem>>
        %dma_wait3A_104 = arith.constant 0 : i32
        %dma_wait3A_105 = arith.constant 0 : i32
        %dma_wait3A_106 = tpu.memref_slice %arg13[%dma_wait3A_104, %dma_wait3A_105] : memref<10240x16xf32, #tpu.memory_space<vmem_shared>> -> memref<10240x16xf32, #tpu.memory_space<vmem_shared>>
        tpu.wait_indirect_dma semaphore(%arg17 : memref<!tpu.dma_semaphore, #tpu.memory_space<semaphore_mem>>) src(%arg12 : memref<1000x16xf32, #tpu.memory_space<vmem>>) dst(%dma_wait3A_106 : memref<10240x16xf32, #tpu.memory_space<vmem_shared>>)
        %add3A_107 = arith.constant 1 : i32
        %add3A_108 = arith.addi %mul3A_52, %add3A_107 : i32
        %add3A_109 = arith.constant 2 : i32
        %add3A_110 = arith.addi %add3A_108, %add3A_109 : i32
        %mul3A_111 = arith.constant 1000 : i32
        %mul3A_112 = arith.muli %add3A_110, %mul3A_111 : i32
        %dma_start3A_113 = tpu.memref_slice %arg9[%mul3A_112] : memref<20000xi32, #tpu.memory_space<vmem>> -> memref<1000xi32, #tpu.memory_space<vmem>>
        %dma_start3A_114 = arith.constant 0 : i32
        %dma_start3A_115 = arith.constant 0 : i32
        %dma_start3A_116 = tpu.memref_slice %arg15[%dma_start3A_114, %dma_start3A_115] : memref<10000x16xf32, #tpu.memory_space<vmem_shared>> -> memref<10000x16xf32, #tpu.memory_space<vmem_shared>>
        tpu.enqueue_indirect_dma source(%dma_start3A_116 : memref<10000x16xf32, #tpu.memory_space<vmem_shared>>) target(%arg12 : memref<1000x16xf32, #tpu.memory_space<vmem>>) offsets(%dma_start3A_113 : memref<1000xi32, #tpu.memory_space<vmem>>) semaphore(%arg16 : memref<!tpu.dma_semaphore, #tpu.memory_space<semaphore_mem>>)
        %dma_wait3A_117 = tpu.memref_slice %arg9[%mul3A_86] : memref<20000xi32, #tpu.memory_space<vmem>> -> memref<1000xi32, #tpu.memory_space<vmem>>
        %dma_wait3A_118 = arith.constant 0 : i32
        %dma_wait3A_119 = arith.constant 0 : i32
        %dma_wait3A_120 = tpu.memref_slice %arg15[%dma_wait3A_118, %dma_wait3A_119] : memref<10000x16xf32, #tpu.memory_space<vmem_shared>> -> memref<10000x16xf32, #tpu.memory_space<vmem_shared>>
        tpu.wait_indirect_dma semaphore(%arg16 : memref<!tpu.dma_semaphore, #tpu.memory_space<semaphore_mem>>) src(%dma_wait3A_120 : memref<10000x16xf32, #tpu.memory_space<vmem_shared>>) dst(%arg11 : memref<1000x16xf32, #tpu.memory_space<vmem>>)
        %add3A_121 = arith.constant 2 : i32
        %add3A_122 = arith.addi %mul3A_52, %add3A_121 : i32
        %mul3A_123 = arith.constant 1000 : i32
        %mul3A_124 = arith.muli %add3A_122, %mul3A_123 : i32
        %dma_start3A_125 = tpu.memref_slice %arg10[%mul3A_124] : memref<20000xi32, #tpu.memory_space<vmem>> -> memref<1000xi32, #tpu.memory_space<vmem>>
        %dma_start3A_126 = arith.constant 0 : i32
        %dma_start3A_127 = arith.constant 0 : i32
        %dma_start3A_128 = tpu.memref_slice %arg13[%dma_start3A_126, %dma_start3A_127] : memref<10240x16xf32, #tpu.memory_space<vmem_shared>> -> memref<10240x16xf32, #tpu.memory_space<vmem_shared>>
        tpu.enqueue_indirect_dma source(%arg11 : memref<1000x16xf32, #tpu.memory_space<vmem>>) target(%dma_start3A_128 : memref<10240x16xf32, #tpu.memory_space<vmem_shared>>) offsets(%dma_start3A_125 : memref<1000xi32, #tpu.memory_space<vmem>>) semaphore(%arg17 : memref<!tpu.dma_semaphore, #tpu.memory_space<semaphore_mem>>) {add = true}
        %dma_wait3A_129 = tpu.memref_slice %arg10[%mul3A_124] : memref<20000xi32, #tpu.memory_space<vmem>> -> memref<1000xi32, #tpu.memory_space<vmem>>
        %dma_wait3A_130 = arith.constant 0 : i32
        %dma_wait3A_131 = arith.constant 0 : i32
        %dma_wait3A_132 = tpu.memref_slice %arg13[%dma_wait3A_130, %dma_wait3A_131] : memref<10240x16xf32, #tpu.memory_space<vmem_shared>> -> memref<10240x16xf32, #tpu.memory_space<vmem_shared>>
        tpu.wait_indirect_dma semaphore(%arg17 : memref<!tpu.dma_semaphore, #tpu.memory_space<semaphore_mem>>) src(%arg11 : memref<1000x16xf32, #tpu.memory_space<vmem>>) dst(%dma_wait3A_132 : memref<10240x16xf32, #tpu.memory_space<vmem_shared>>)
        %add3A_133 = arith.constant 2 : i32
        %add3A_134 = arith.addi %mul3A_52, %add3A_133 : i32
        %add3A_135 = arith.constant 2 : i32
        %add3A_136 = arith.addi %add3A_134, %add3A_135 : i32
        %mul3A_137 = arith.constant 1000 : i32
        %mul3A_138 = arith.muli %add3A_136, %mul3A_137 : i32
        %dma_start3A_139 = tpu.memref_slice %arg9[%mul3A_138] : memref<20000xi32, #tpu.memory_space<vmem>> -> memref<1000xi32, #tpu.memory_space<vmem>>
        %dma_start3A_140 = arith.constant 0 : i32
        %dma_start3A_141 = arith.constant 0 : i32
        %dma_start3A_142 = tpu.memref_slice %arg15[%dma_start3A_140, %dma_start3A_141] : memref<10000x16xf32, #tpu.memory_space<vmem_shared>> -> memref<10000x16xf32, #tpu.memory_space<vmem_shared>>
        tpu.enqueue_indirect_dma source(%dma_start3A_142 : memref<10000x16xf32, #tpu.memory_space<vmem_shared>>) target(%arg11 : memref<1000x16xf32, #tpu.memory_space<vmem>>) offsets(%dma_start3A_139 : memref<1000xi32, #tpu.memory_space<vmem>>) semaphore(%arg16 : memref<!tpu.dma_semaphore, #tpu.memory_space<semaphore_mem>>)
        %dma_wait3A_143 = tpu.memref_slice %arg9[%mul3A_112] : memref<20000xi32, #tpu.memory_space<vmem>> -> memref<1000xi32, #tpu.memory_space<vmem>>
        %dma_wait3A_144 = arith.constant 0 : i32
        %dma_wait3A_145 = arith.constant 0 : i32
        %dma_wait3A_146 = tpu.memref_slice %arg15[%dma_wait3A_144, %dma_wait3A_145] : memref<10000x16xf32, #tpu.memory_space<vmem_shared>> -> memref<10000x16xf32, #tpu.memory_space<vmem_shared>>
        tpu.wait_indirect_dma semaphore(%arg16 : memref<!tpu.dma_semaphore, #tpu.memory_space<semaphore_mem>>) src(%dma_wait3A_146 : memref<10000x16xf32, #tpu.memory_space<vmem_shared>>) dst(%arg12 : memref<1000x16xf32, #tpu.memory_space<vmem>>)
        %add3A_147 = arith.constant 3 : i32
        %add3A_148 = arith.addi %mul3A_52, %add3A_147 : i32
        %mul3A_149 = arith.constant 1000 : i32
        %mul3A_150 = arith.muli %add3A_148, %mul3A_149 : i32
        %dma_start3A_151 = tpu.memref_slice %arg10[%mul3A_150] : memref<20000xi32, #tpu.memory_space<vmem>> -> memref<1000xi32, #tpu.memory_space<vmem>>
        %dma_start3A_152 = arith.constant 0 : i32
        %dma_start3A_153 = arith.constant 0 : i32
        %dma_start3A_154 = tpu.memref_slice %arg13[%dma_start3A_152, %dma_start3A_153] : memref<10240x16xf32, #tpu.memory_space<vmem_shared>> -> memref<10240x16xf32, #tpu.memory_space<vmem_shared>>
        tpu.enqueue_indirect_dma source(%arg12 : memref<1000x16xf32, #tpu.memory_space<vmem>>) target(%dma_start3A_154 : memref<10240x16xf32, #tpu.memory_space<vmem_shared>>) offsets(%dma_start3A_151 : memref<1000xi32, #tpu.memory_space<vmem>>) semaphore(%arg17 : memref<!tpu.dma_semaphore, #tpu.memory_space<semaphore_mem>>) {add = true}
        %dma_wait3A_155 = tpu.memref_slice %arg10[%mul3A_150] : memref<20000xi32, #tpu.memory_space<vmem>> -> memref<1000xi32, #tpu.memory_space<vmem>>
        %dma_wait3A_156 = arith.constant 0 : i32
        %dma_wait3A_157 = arith.constant 0 : i32
        %dma_wait3A_158 = tpu.memref_slice %arg13[%dma_wait3A_156, %dma_wait3A_157] : memref<10240x16xf32, #tpu.memory_space<vmem_shared>> -> memref<10240x16xf32, #tpu.memory_space<vmem_shared>>
        tpu.wait_indirect_dma semaphore(%arg17 : memref<!tpu.dma_semaphore, #tpu.memory_space<semaphore_mem>>) src(%arg12 : memref<1000x16xf32, #tpu.memory_space<vmem>>) dst(%dma_wait3A_158 : memref<10240x16xf32, #tpu.memory_space<vmem_shared>>)
        %dma_wait3A_159 = tpu.memref_slice %arg9[%mul3A_138] : memref<20000xi32, #tpu.memory_space<vmem>> -> memref<1000xi32, #tpu.memory_space<vmem>>
        %dma_wait3A_160 = arith.constant 0 : i32
        %dma_wait3A_161 = arith.constant 0 : i32
        %dma_wait3A_162 = tpu.memref_slice %arg15[%dma_wait3A_160, %dma_wait3A_161] : memref<10000x16xf32, #tpu.memory_space<vmem_shared>> -> memref<10000x16xf32, #tpu.memory_space<vmem_shared>>
        tpu.wait_indirect_dma semaphore(%arg16 : memref<!tpu.dma_semaphore, #tpu.memory_space<semaphore_mem>>) src(%dma_wait3A_162 : memref<10000x16xf32, #tpu.memory_space<vmem_shared>>) dst(%arg11 : memref<1000x16xf32, #tpu.memory_space<vmem>>)
        %add3A_163 = arith.constant 4 : i32
        %add3A_164 = arith.addi %mul3A_52, %add3A_163 : i32
        %mul3A_165 = arith.constant 1000 : i32
        %mul3A_166 = arith.muli %add3A_164, %mul3A_165 : i32
        %dma_start3A_167 = tpu.memref_slice %arg10[%mul3A_166] : memref<20000xi32, #tpu.memory_space<vmem>> -> memref<1000xi32, #tpu.memory_space<vmem>>
        %dma_start3A_168 = arith.constant 0 : i32
        %dma_start3A_169 = arith.constant 0 : i32
        %dma_start3A_170 = tpu.memref_slice %arg13[%dma_start3A_168, %dma_start3A_169] : memref<10240x16xf32, #tpu.memory_space<vmem_shared>> -> memref<10240x16xf32, #tpu.memory_space<vmem_shared>>
        tpu.enqueue_indirect_dma source(%arg11 : memref<1000x16xf32, #tpu.memory_space<vmem>>) target(%dma_start3A_170 : memref<10240x16xf32, #tpu.memory_space<vmem_shared>>) offsets(%dma_start3A_167 : memref<1000xi32, #tpu.memory_space<vmem>>) semaphore(%arg17 : memref<!tpu.dma_semaphore, #tpu.memory_space<semaphore_mem>>) {add = true}
        %dma_wait3A_171 = tpu.memref_slice %arg10[%mul3A_166] : memref<20000xi32, #tpu.memory_space<vmem>> -> memref<1000xi32, #tpu.memory_space<vmem>>
        %dma_wait3A_172 = arith.constant 0 : i32
        %dma_wait3A_173 = arith.constant 0 : i32
        %dma_wait3A_174 = tpu.memref_slice %arg13[%dma_wait3A_172, %dma_wait3A_173] : memref<10240x16xf32, #tpu.memory_space<vmem_shared>> -> memref<10240x16xf32, #tpu.memory_space<vmem_shared>>
        tpu.wait_indirect_dma semaphore(%arg17 : memref<!tpu.dma_semaphore, #tpu.memory_space<semaphore_mem>>) src(%arg11 : memref<1000x16xf32, #tpu.memory_space<vmem>>) dst(%dma_wait3A_174 : memref<10240x16xf32, #tpu.memory_space<vmem_shared>>)
      }
      %scan3A_27 = arith.constant 4 : i32
      %barrier3A_28 = arith.constant 0 : index
      tpu.barrier barrier_id(%barrier3A_28)
      %mul3A_29 = arith.constant 625 : i32
      %mul3A_30 = arith.muli %arg1, %mul3A_29 : i32
      "tpu.region"() ({
        %run_scoped3A_47 = tpu.sem_alloc : memref<!tpu.dma_semaphore, #tpu.memory_space<semaphore_mem>>
        %dma_start3A = arith.constant 0 : i32
        %dma_start3A_48 = arith.constant 0 : i32
        %dma_start3A_49 = tpu.memref_slice %arg11[%dma_start3A, %dma_start3A_48] : memref<1000x16xf32, #tpu.memory_space<vmem>> -> memref<625x16xf32, #tpu.memory_space<vmem>>
        %dma_start3A_50 = arith.constant 0 : i32
        %dma_start3A_51 = tpu.memref_slice %arg13[%mul3A_30, %dma_start3A_50] : memref<10240x16xf32, #tpu.memory_space<vmem_shared>> -> memref<625x16xf32, #tpu.memory_space<vmem_shared>>
        %dma_start3A_52 = arith.constant 0 : i32
        %dma_start3A_53 = arith.constant 0 : i32
        %dma_start3A_54 = tpu.memref_slice %arg11[%dma_start3A_52, %dma_start3A_53] : memref<1000x16xf32, #tpu.memory_space<vmem>> -> memref<625x16xf32, #tpu.memory_space<vmem>>
        %dma_start3A_55 = arith.constant 0 : i32
        %dma_start3A_56 = tpu.memref_slice %arg13[%mul3A_30, %dma_start3A_55] : memref<10240x16xf32, #tpu.memory_space<vmem_shared>> -> memref<625x16xf32, #tpu.memory_space<vmem_shared>>
        tpu.enqueue_dma source(%dma_start3A_56 : memref<625x16xf32, #tpu.memory_space<vmem_shared>>) target(%dma_start3A_54 : memref<625x16xf32, #tpu.memory_space<vmem>>) target_semaphore(%run_scoped3A_47 : memref<!tpu.dma_semaphore, #tpu.memory_space<semaphore_mem>>)
        %dma_wait3A = arith.constant 0 : i32
        %dma_wait3A_57 = arith.constant 0 : i32
        %dma_wait3A_58 = tpu.memref_slice %arg11[%dma_wait3A, %dma_wait3A_57] : memref<1000x16xf32, #tpu.memory_space<vmem>> -> memref<625x16xf32, #tpu.memory_space<vmem>>
        %dma_wait3A_59 = arith.constant 0 : i32
        %dma_wait3A_60 = tpu.memref_slice %arg13[%mul3A_30, %dma_wait3A_59] : memref<10240x16xf32, #tpu.memory_space<vmem_shared>> -> memref<625x16xf32, #tpu.memory_space<vmem_shared>>
        %dma_wait3A_61 = arith.constant 0 : i32
        %dma_wait3A_62 = arith.constant 0 : i32
        %dma_wait3A_63 = tpu.memref_slice %arg11[%dma_wait3A_61, %dma_wait3A_62] : memref<1000x16xf32, #tpu.memory_space<vmem>> -> memref<625x16xf32, #tpu.memory_space<vmem>>
        %dma_wait3A_64 = arith.constant 0 : i32
        %dma_wait3A_65 = tpu.memref_slice %arg13[%mul3A_30, %dma_wait3A_64] : memref<10240x16xf32, #tpu.memory_space<vmem_shared>> -> memref<625x16xf32, #tpu.memory_space<vmem_shared>>
        tpu.wait_dma2 semaphore(%run_scoped3A_47 : memref<!tpu.dma_semaphore, #tpu.memory_space<semaphore_mem>>) src(%dma_wait3A_65 : memref<625x16xf32, #tpu.memory_space<vmem_shared>>) dst(%dma_wait3A_63 : memref<625x16xf32, #tpu.memory_space<vmem>>)
        tpu.yield
      }) : () -> ()
      "tpu.region"() ({
        %run_scoped3A_47 = tpu.sem_alloc : memref<!tpu.dma_semaphore, #tpu.memory_space<semaphore_mem>>
        %dma_start3A = arith.constant 0 : i32
        %dma_start3A_48 = arith.constant 0 : i32
        %dma_start3A_49 = tpu.memref_slice %arg12[%dma_start3A, %dma_start3A_48] : memref<1000x16xf32, #tpu.memory_space<vmem>> -> memref<625x16xf32, #tpu.memory_space<vmem>>
        %dma_start3A_50 = arith.constant 0 : i32
        %dma_start3A_51 = tpu.memref_slice %arg5[%mul3A_30, %dma_start3A_50] : memref<10000x16xf32, #tpu.memory_space<hbm>> -> memref<625x16xf32, #tpu.memory_space<hbm>>
        %dma_start3A_52 = arith.constant 0 : i32
        %dma_start3A_53 = arith.constant 0 : i32
        %dma_start3A_54 = tpu.memref_slice %arg12[%dma_start3A_52, %dma_start3A_53] : memref<1000x16xf32, #tpu.memory_space<vmem>> -> memref<625x16xf32, #tpu.memory_space<vmem>>
        %dma_start3A_55 = arith.constant 0 : i32
        %dma_start3A_56 = tpu.memref_slice %arg5[%mul3A_30, %dma_start3A_55] : memref<10000x16xf32, #tpu.memory_space<hbm>> -> memref<625x16xf32, #tpu.memory_space<hbm>>
        tpu.enqueue_dma source(%dma_start3A_56 : memref<625x16xf32, #tpu.memory_space<hbm>>) target(%dma_start3A_54 : memref<625x16xf32, #tpu.memory_space<vmem>>) target_semaphore(%run_scoped3A_47 : memref<!tpu.dma_semaphore, #tpu.memory_space<semaphore_mem>>)
        %dma_wait3A = arith.constant 0 : i32
        %dma_wait3A_57 = arith.constant 0 : i32
        %dma_wait3A_58 = tpu.memref_slice %arg12[%dma_wait3A, %dma_wait3A_57] : memref<1000x16xf32, #tpu.memory_space<vmem>> -> memref<625x16xf32, #tpu.memory_space<vmem>>
        %dma_wait3A_59 = arith.constant 0 : i32
        %dma_wait3A_60 = tpu.memref_slice %arg5[%mul3A_30, %dma_wait3A_59] : memref<10000x16xf32, #tpu.memory_space<hbm>> -> memref<625x16xf32, #tpu.memory_space<hbm>>
        %dma_wait3A_61 = arith.constant 0 : i32
        %dma_wait3A_62 = arith.constant 0 : i32
        %dma_wait3A_63 = tpu.memref_slice %arg12[%dma_wait3A_61, %dma_wait3A_62] : memref<1000x16xf32, #tpu.memory_space<vmem>> -> memref<625x16xf32, #tpu.memory_space<vmem>>
        %dma_wait3A_64 = arith.constant 0 : i32
        %dma_wait3A_65 = tpu.memref_slice %arg5[%mul3A_30, %dma_wait3A_64] : memref<10000x16xf32, #tpu.memory_space<hbm>> -> memref<625x16xf32, #tpu.memory_space<hbm>>
        tpu.wait_dma2 semaphore(%run_scoped3A_47 : memref<!tpu.dma_semaphore, #tpu.memory_space<semaphore_mem>>) src(%dma_wait3A_65 : memref<625x16xf32, #tpu.memory_space<hbm>>) dst(%dma_wait3A_63 : memref<625x16xf32, #tpu.memory_space<vmem>>)
        tpu.yield
      }) : () -> ()
      %scan3A_31 = arith.constant 0 : i32
      %scan3A_32 = arith.constant 625 : i32
      %scan3A_33 = arith.addi %scan3A_31, %scan3A_32 : i32
      %scan3A_34 = arith.constant 1 : i32
      scf.for %scan3A_47 = %scan3A_31 to %scan3A_33 step %scan3A_34  : i32 {
        %mul3A_48 = arith.constant 1 : i32
        %mul3A_49 = arith.muli %scan3A_47, %mul3A_48 : i32
        %add3A = arith.constant 0 : i32
        %add3A_50 = arith.addi %add3A, %mul3A_49 : i32
        %get3A = arith.index_cast %add3A_50 : i32 to index
        %get3A_51 = arith.constant 0 : index
        %get3A_52 = tpu.vector_load %arg11[%get3A, %get3A_51] {strides = array<i32>} : memref<1000x16xf32, #tpu.memory_space<vmem>>, vector<1x16xf32>,
        %get3A_53 = vector.shape_cast %get3A_52 : vector<1x16xf32> to vector<16xf32>
        %get3A_54 = arith.index_cast %add3A_50 : i32 to index
        %get3A_55 = arith.constant 0 : index
        %get3A_56 = tpu.vector_load %arg12[%get3A_54, %get3A_55] {strides = array<i32>} : memref<1000x16xf32, #tpu.memory_space<vmem>>, vector<1x16xf32>,
        %get3A_57 = vector.shape_cast %get3A_56 : vector<1x16xf32> to vector<16xf32>
        %add3A_58 = arith.addf %get3A_53, %get3A_57 : vector<16xf32>
        %max3A = arith.constant 0.000000e+00 : f32
        %max3A_59 = vector.broadcast %max3A : f32 to vector<16xf32>
        %max3A_60 = arith.maximumf %add3A_58, %max3A_59 : vector<16xf32>
        %swap3A = arith.index_cast %add3A_50 : i32 to index
        %swap3A_61 = arith.constant 0 : index
        %swap3A_62 = tpu.vector_load %arg11[%swap3A, %swap3A_61] {strides = array<i32>} : memref<1000x16xf32, #tpu.memory_space<vmem>>, vector<1x16xf32>,
        %swap3A_63 = vector.shape_cast %swap3A_62 : vector<1x16xf32> to vector<16xf32>
        %swap3A_64 = vector.shape_cast %max3A_60 : vector<16xf32> to vector<1x16xf32>
        tpu.vector_store %arg11[%swap3A, %swap3A_61], %swap3A_64 {strides = array<i32>} : memref<1000x16xf32, #tpu.memory_space<vmem>>, vector<1x16xf32>,
      }
      %scan3A_35 = arith.constant 625 : i32
      "tpu.region"() ({
        %run_scoped3A_47 = tpu.sem_alloc : memref<!tpu.dma_semaphore, #tpu.memory_space<semaphore_mem>>
        %dma_start3A = arith.constant 0 : i32
        %dma_start3A_48 = arith.constant 0 : i32
        %dma_start3A_49 = tpu.memref_slice %arg11[%dma_start3A, %dma_start3A_48] : memref<1000x16xf32, #tpu.memory_space<vmem>> -> memref<625x16xf32, #tpu.memory_space<vmem>>
        %dma_start3A_50 = arith.constant 48 : i32
        %dma_start3A_51 = tpu.memref_slice %arg8[%mul3A_30, %dma_start3A_50] : memref<10240x64xf32, #tpu.memory_space<hbm>> -> memref<625x16xf32, #tpu.memory_space<hbm>>
        %dma_start3A_52 = arith.constant 48 : i32
        %dma_start3A_53 = tpu.memref_slice %arg8[%mul3A_30, %dma_start3A_52] : memref<10240x64xf32, #tpu.memory_space<hbm>> -> memref<625x16xf32, #tpu.memory_space<hbm>>
        %dma_start3A_54 = arith.constant 0 : i32
        %dma_start3A_55 = arith.constant 0 : i32
        %dma_start3A_56 = tpu.memref_slice %arg11[%dma_start3A_54, %dma_start3A_55] : memref<1000x16xf32, #tpu.memory_space<vmem>> -> memref<625x16xf32, #tpu.memory_space<vmem>>
        tpu.enqueue_dma source(%dma_start3A_56 : memref<625x16xf32, #tpu.memory_space<vmem>>) target(%dma_start3A_53 : memref<625x16xf32, #tpu.memory_space<hbm>>) target_semaphore(%run_scoped3A_47 : memref<!tpu.dma_semaphore, #tpu.memory_space<semaphore_mem>>)
        %dma_wait3A = arith.constant 0 : i32
        %dma_wait3A_57 = arith.constant 0 : i32
        %dma_wait3A_58 = tpu.memref_slice %arg11[%dma_wait3A, %dma_wait3A_57] : memref<1000x16xf32, #tpu.memory_space<vmem>> -> memref<625x16xf32, #tpu.memory_space<vmem>>
        %dma_wait3A_59 = arith.constant 48 : i32
        %dma_wait3A_60 = tpu.memref_slice %arg8[%mul3A_30, %dma_wait3A_59] : memref<10240x64xf32, #tpu.memory_space<hbm>> -> memref<625x16xf32, #tpu.memory_space<hbm>>
        %dma_wait3A_61 = arith.constant 48 : i32
        %dma_wait3A_62 = tpu.memref_slice %arg8[%mul3A_30, %dma_wait3A_61] : memref<10240x64xf32, #tpu.memory_space<hbm>> -> memref<625x16xf32, #tpu.memory_space<hbm>>
        %dma_wait3A_63 = arith.constant 0 : i32
        %dma_wait3A_64 = arith.constant 0 : i32
        %dma_wait3A_65 = tpu.memref_slice %arg11[%dma_wait3A_63, %dma_wait3A_64] : memref<1000x16xf32, #tpu.memory_space<vmem>> -> memref<625x16xf32, #tpu.memory_space<vmem>>
        tpu.wait_dma2 semaphore(%run_scoped3A_47 : memref<!tpu.dma_semaphore, #tpu.memory_space<semaphore_mem>>) src(%dma_wait3A_65 : memref<625x16xf32, #tpu.memory_space<vmem>>) dst(%dma_wait3A_62 : memref<625x16xf32, #tpu.memory_space<hbm>>)
        tpu.yield
      }) : () -> ()
      "tpu.region"() ({
        %run_scoped3A_47 = tpu.sem_alloc : memref<!tpu.dma_semaphore, #tpu.memory_space<semaphore_mem>>
        %dma_start3A = arith.constant 0 : i32
        %dma_start3A_48 = arith.constant 0 : i32
        %dma_start3A_49 = tpu.memref_slice %arg11[%dma_start3A, %dma_start3A_48] : memref<1000x16xf32, #tpu.memory_space<vmem>> -> memref<625x16xf32, #tpu.memory_space<vmem>>
        %dma_start3A_50 = arith.constant 0 : i32
        %dma_start3A_51 = tpu.memref_slice %arg15[%mul3A_30, %dma_start3A_50] : memref<10000x16xf32, #tpu.memory_space<vmem_shared>> -> memref<625x16xf32, #tpu.memory_space<vmem_shared>>
        %dma_start3A_52 = arith.constant 0 : i32
        %dma_start3A_53 = tpu.memref_slice %arg15[%mul3A_30, %dma_start3A_52] : memref<10000x16xf32, #tpu.memory_space<vmem_shared>> -> memref<625x16xf32, #tpu.memory_space<vmem_shared>>
        %dma_start3A_54 = arith.constant 0 : i32
        %dma_start3A_55 = arith.constant 0 : i32
        %dma_start3A_56 = tpu.memref_slice %arg11[%dma_start3A_54, %dma_start3A_55] : memref<1000x16xf32, #tpu.memory_space<vmem>> -> memref<625x16xf32, #tpu.memory_space<vmem>>
        tpu.enqueue_dma source(%dma_start3A_56 : memref<625x16xf32, #tpu.memory_space<vmem>>) target(%dma_start3A_53 : memref<625x16xf32, #tpu.memory_space<vmem_shared>>) target_semaphore(%run_scoped3A_47 : memref<!tpu.dma_semaphore, #tpu.memory_space<semaphore_mem>>)
        %dma_wait3A = arith.constant 0 : i32
        %dma_wait3A_57 = arith.constant 0 : i32
        %dma_wait3A_58 = tpu.memref_slice %arg11[%dma_wait3A, %dma_wait3A_57] : memref<1000x16xf32, #tpu.memory_space<vmem>> -> memref<625x16xf32, #tpu.memory_space<vmem>>
        %dma_wait3A_59 = arith.constant 0 : i32
        %dma_wait3A_60 = tpu.memref_slice %arg15[%mul3A_30, %dma_wait3A_59] : memref<10000x16xf32, #tpu.memory_space<vmem_shared>> -> memref<625x16xf32, #tpu.memory_space<vmem_shared>>
        %dma_wait3A_61 = arith.constant 0 : i32
        %dma_wait3A_62 = tpu.memref_slice %arg15[%mul3A_30, %dma_wait3A_61] : memref<10000x16xf32, #tpu.memory_space<vmem_shared>> -> memref<625x16xf32, #tpu.memory_space<vmem_shared>>
        %dma_wait3A_63 = arith.constant 0 : i32
        %dma_wait3A_64 = arith.constant 0 : i32
        %dma_wait3A_65 = tpu.memref_slice %arg11[%dma_wait3A_63, %dma_wait3A_64] : memref<1000x16xf32, #tpu.memory_space<vmem>> -> memref<625x16xf32, #tpu.memory_space<vmem>>
        tpu.wait_dma2 semaphore(%run_scoped3A_47 : memref<!tpu.dma_semaphore, #tpu.memory_space<semaphore_mem>>) src(%dma_wait3A_65 : memref<625x16xf32, #tpu.memory_space<vmem>>) dst(%dma_wait3A_62 : memref<625x16xf32, #tpu.memory_space<vmem_shared>>)
        tpu.yield
      }) : () -> ()
      %barrier3A_36 = arith.constant 0 : index
      tpu.barrier barrier_id(%barrier3A_36)
      %scan3A_37 = arith.constant 0 : i32
      %scan3A_38 = arith.constant 4 : i32
      %scan3A_39 = arith.addi %scan3A_37, %scan3A_38 : i32
      %scan3A_40 = arith.constant 1 : i32
      scf.for %scan3A_47 = %scan3A_37 to %scan3A_39 step %scan3A_40  : i32 {
        %mul3A_48 = arith.constant 1 : i32
        %mul3A_49 = arith.muli %scan3A_47, %mul3A_48 : i32
        %add3A = arith.constant 0 : i32
        %add3A_50 = arith.addi %add3A, %mul3A_49 : i32
        %mul3A_51 = arith.constant 5 : i32
        %mul3A_52 = arith.muli %mul3A_51, %add3A_50 : i32
        %mul3A_53 = arith.constant 1000 : i32
        %mul3A_54 = arith.muli %mul3A_52, %mul3A_53 : i32
        %dma_start3A = tpu.memref_slice %arg9[%mul3A_54] : memref<20000xi32, #tpu.memory_space<vmem>> -> memref<1000xi32, #tpu.memory_space<vmem>>
        %dma_start3A_55 = arith.constant 0 : i32
        %dma_start3A_56 = arith.constant 0 : i32
        %dma_start3A_57 = tpu.memref_slice %arg15[%dma_start3A_55, %dma_start3A_56] : memref<10000x16xf32, #tpu.memory_space<vmem_shared>> -> memref<10000x16xf32, #tpu.memory_space<vmem_shared>>
        tpu.enqueue_indirect_dma source(%dma_start3A_57 : memref<10000x16xf32, #tpu.memory_space<vmem_shared>>) target(%arg11 : memref<1000x16xf32, #tpu.memory_space<vmem>>) offsets(%dma_start3A : memref<1000xi32, #tpu.memory_space<vmem>>) semaphore(%arg16 : memref<!tpu.dma_semaphore, #tpu.memory_space<semaphore_mem>>)
        %add3A_58 = arith.constant 1 : i32
        %add3A_59 = arith.addi %mul3A_52, %add3A_58 : i32
        %mul3A_60 = arith.constant 1000 : i32
        %mul3A_61 = arith.muli %add3A_59, %mul3A_60 : i32
        %dma_start3A_62 = tpu.memref_slice %arg9[%mul3A_61] : memref<20000xi32, #tpu.memory_space<vmem>> -> memref<1000xi32, #tpu.memory_space<vmem>>
        %dma_start3A_63 = arith.constant 0 : i32
        %dma_start3A_64 = arith.constant 0 : i32
        %dma_start3A_65 = tpu.memref_slice %arg15[%dma_start3A_63, %dma_start3A_64] : memref<10000x16xf32, #tpu.memory_space<vmem_shared>> -> memref<10000x16xf32, #tpu.memory_space<vmem_shared>>
        tpu.enqueue_indirect_dma source(%dma_start3A_65 : memref<10000x16xf32, #tpu.memory_space<vmem_shared>>) target(%arg12 : memref<1000x16xf32, #tpu.memory_space<vmem>>) offsets(%dma_start3A_62 : memref<1000xi32, #tpu.memory_space<vmem>>) semaphore(%arg16 : memref<!tpu.dma_semaphore, #tpu.memory_space<semaphore_mem>>)
        %dma_wait3A = tpu.memref_slice %arg9[%mul3A_54] : memref<20000xi32, #tpu.memory_space<vmem>> -> memref<1000xi32, #tpu.memory_space<vmem>>
        %dma_wait3A_66 = arith.constant 0 : i32
        %dma_wait3A_67 = arith.constant 0 : i32
        %dma_wait3A_68 = tpu.memref_slice %arg15[%dma_wait3A_66, %dma_wait3A_67] : memref<10000x16xf32, #tpu.memory_space<vmem_shared>> -> memref<10000x16xf32, #tpu.memory_space<vmem_shared>>
        tpu.wait_indirect_dma semaphore(%arg16 : memref<!tpu.dma_semaphore, #tpu.memory_space<semaphore_mem>>) src(%dma_wait3A_68 : memref<10000x16xf32, #tpu.memory_space<vmem_shared>>) dst(%arg11 : memref<1000x16xf32, #tpu.memory_space<vmem>>)
        %add3A_69 = arith.constant 0 : i32
        %add3A_70 = arith.addi %mul3A_52, %add3A_69 : i32
        %mul3A_71 = arith.constant 1000 : i32
        %mul3A_72 = arith.muli %add3A_70, %mul3A_71 : i32
        %dma_start3A_73 = tpu.memref_slice %arg10[%mul3A_72] : memref<20000xi32, #tpu.memory_space<vmem>> -> memref<1000xi32, #tpu.memory_space<vmem>>
        %dma_start3A_74 = arith.constant 0 : i32
        %dma_start3A_75 = arith.constant 0 : i32
        %dma_start3A_76 = tpu.memref_slice %arg14[%dma_start3A_74, %dma_start3A_75] : memref<10240x16xf32, #tpu.memory_space<vmem_shared>> -> memref<10240x16xf32, #tpu.memory_space<vmem_shared>>
        tpu.enqueue_indirect_dma source(%arg11 : memref<1000x16xf32, #tpu.memory_space<vmem>>) target(%dma_start3A_76 : memref<10240x16xf32, #tpu.memory_space<vmem_shared>>) offsets(%dma_start3A_73 : memref<1000xi32, #tpu.memory_space<vmem>>) semaphore(%arg17 : memref<!tpu.dma_semaphore, #tpu.memory_space<semaphore_mem>>) {add = true}
        %dma_wait3A_77 = tpu.memref_slice %arg10[%mul3A_72] : memref<20000xi32, #tpu.memory_space<vmem>> -> memref<1000xi32, #tpu.memory_space<vmem>>
        %dma_wait3A_78 = arith.constant 0 : i32
        %dma_wait3A_79 = arith.constant 0 : i32
        %dma_wait3A_80 = tpu.memref_slice %arg14[%dma_wait3A_78, %dma_wait3A_79] : memref<10240x16xf32, #tpu.memory_space<vmem_shared>> -> memref<10240x16xf32, #tpu.memory_space<vmem_shared>>
        tpu.wait_indirect_dma semaphore(%arg17 : memref<!tpu.dma_semaphore, #tpu.memory_space<semaphore_mem>>) src(%arg11 : memref<1000x16xf32, #tpu.memory_space<vmem>>) dst(%dma_wait3A_80 : memref<10240x16xf32, #tpu.memory_space<vmem_shared>>)
        %add3A_81 = arith.constant 0 : i32
        %add3A_82 = arith.addi %mul3A_52, %add3A_81 : i32
        %add3A_83 = arith.constant 2 : i32
        %add3A_84 = arith.addi %add3A_82, %add3A_83 : i32
        %mul3A_85 = arith.constant 1000 : i32
        %mul3A_86 = arith.muli %add3A_84, %mul3A_85 : i32
        %dma_start3A_87 = tpu.memref_slice %arg9[%mul3A_86] : memref<20000xi32, #tpu.memory_space<vmem>> -> memref<1000xi32, #tpu.memory_space<vmem>>
        %dma_start3A_88 = arith.constant 0 : i32
        %dma_start3A_89 = arith.constant 0 : i32
        %dma_start3A_90 = tpu.memref_slice %arg15[%dma_start3A_88, %dma_start3A_89] : memref<10000x16xf32, #tpu.memory_space<vmem_shared>> -> memref<10000x16xf32, #tpu.memory_space<vmem_shared>>
        tpu.enqueue_indirect_dma source(%dma_start3A_90 : memref<10000x16xf32, #tpu.memory_space<vmem_shared>>) target(%arg11 : memref<1000x16xf32, #tpu.memory_space<vmem>>) offsets(%dma_start3A_87 : memref<1000xi32, #tpu.memory_space<vmem>>) semaphore(%arg16 : memref<!tpu.dma_semaphore, #tpu.memory_space<semaphore_mem>>)
        %dma_wait3A_91 = tpu.memref_slice %arg9[%mul3A_61] : memref<20000xi32, #tpu.memory_space<vmem>> -> memref<1000xi32, #tpu.memory_space<vmem>>
        %dma_wait3A_92 = arith.constant 0 : i32
        %dma_wait3A_93 = arith.constant 0 : i32
        %dma_wait3A_94 = tpu.memref_slice %arg15[%dma_wait3A_92, %dma_wait3A_93] : memref<10000x16xf32, #tpu.memory_space<vmem_shared>> -> memref<10000x16xf32, #tpu.memory_space<vmem_shared>>
        tpu.wait_indirect_dma semaphore(%arg16 : memref<!tpu.dma_semaphore, #tpu.memory_space<semaphore_mem>>) src(%dma_wait3A_94 : memref<10000x16xf32, #tpu.memory_space<vmem_shared>>) dst(%arg12 : memref<1000x16xf32, #tpu.memory_space<vmem>>)
        %add3A_95 = arith.constant 1 : i32
        %add3A_96 = arith.addi %mul3A_52, %add3A_95 : i32
        %mul3A_97 = arith.constant 1000 : i32
        %mul3A_98 = arith.muli %add3A_96, %mul3A_97 : i32
        %dma_start3A_99 = tpu.memref_slice %arg10[%mul3A_98] : memref<20000xi32, #tpu.memory_space<vmem>> -> memref<1000xi32, #tpu.memory_space<vmem>>
        %dma_start3A_100 = arith.constant 0 : i32
        %dma_start3A_101 = arith.constant 0 : i32
        %dma_start3A_102 = tpu.memref_slice %arg14[%dma_start3A_100, %dma_start3A_101] : memref<10240x16xf32, #tpu.memory_space<vmem_shared>> -> memref<10240x16xf32, #tpu.memory_space<vmem_shared>>
        tpu.enqueue_indirect_dma source(%arg12 : memref<1000x16xf32, #tpu.memory_space<vmem>>) target(%dma_start3A_102 : memref<10240x16xf32, #tpu.memory_space<vmem_shared>>) offsets(%dma_start3A_99 : memref<1000xi32, #tpu.memory_space<vmem>>) semaphore(%arg17 : memref<!tpu.dma_semaphore, #tpu.memory_space<semaphore_mem>>) {add = true}
        %dma_wait3A_103 = tpu.memref_slice %arg10[%mul3A_98] : memref<20000xi32, #tpu.memory_space<vmem>> -> memref<1000xi32, #tpu.memory_space<vmem>>
        %dma_wait3A_104 = arith.constant 0 : i32
        %dma_wait3A_105 = arith.constant 0 : i32
        %dma_wait3A_106 = tpu.memref_slice %arg14[%dma_wait3A_104, %dma_wait3A_105] : memref<10240x16xf32, #tpu.memory_space<vmem_shared>> -> memref<10240x16xf32, #tpu.memory_space<vmem_shared>>
        tpu.wait_indirect_dma semaphore(%arg17 : memref<!tpu.dma_semaphore, #tpu.memory_space<semaphore_mem>>) src(%arg12 : memref<1000x16xf32, #tpu.memory_space<vmem>>) dst(%dma_wait3A_106 : memref<10240x16xf32, #tpu.memory_space<vmem_shared>>)
        %add3A_107 = arith.constant 1 : i32
        %add3A_108 = arith.addi %mul3A_52, %add3A_107 : i32
        %add3A_109 = arith.constant 2 : i32
        %add3A_110 = arith.addi %add3A_108, %add3A_109 : i32
        %mul3A_111 = arith.constant 1000 : i32
        %mul3A_112 = arith.muli %add3A_110, %mul3A_111 : i32
        %dma_start3A_113 = tpu.memref_slice %arg9[%mul3A_112] : memref<20000xi32, #tpu.memory_space<vmem>> -> memref<1000xi32, #tpu.memory_space<vmem>>
        %dma_start3A_114 = arith.constant 0 : i32
        %dma_start3A_115 = arith.constant 0 : i32
        %dma_start3A_116 = tpu.memref_slice %arg15[%dma_start3A_114, %dma_start3A_115] : memref<10000x16xf32, #tpu.memory_space<vmem_shared>> -> memref<10000x16xf32, #tpu.memory_space<vmem_shared>>
        tpu.enqueue_indirect_dma source(%dma_start3A_116 : memref<10000x16xf32, #tpu.memory_space<vmem_shared>>) target(%arg12 : memref<1000x16xf32, #tpu.memory_space<vmem>>) offsets(%dma_start3A_113 : memref<1000xi32, #tpu.memory_space<vmem>>) semaphore(%arg16 : memref<!tpu.dma_semaphore, #tpu.memory_space<semaphore_mem>>)
        %dma_wait3A_117 = tpu.memref_slice %arg9[%mul3A_86] : memref<20000xi32, #tpu.memory_space<vmem>> -> memref<1000xi32, #tpu.memory_space<vmem>>
        %dma_wait3A_118 = arith.constant 0 : i32
        %dma_wait3A_119 = arith.constant 0 : i32
        %dma_wait3A_120 = tpu.memref_slice %arg15[%dma_wait3A_118, %dma_wait3A_119] : memref<10000x16xf32, #tpu.memory_space<vmem_shared>> -> memref<10000x16xf32, #tpu.memory_space<vmem_shared>>
        tpu.wait_indirect_dma semaphore(%arg16 : memref<!tpu.dma_semaphore, #tpu.memory_space<semaphore_mem>>) src(%dma_wait3A_120 : memref<10000x16xf32, #tpu.memory_space<vmem_shared>>) dst(%arg11 : memref<1000x16xf32, #tpu.memory_space<vmem>>)
        %add3A_121 = arith.constant 2 : i32
        %add3A_122 = arith.addi %mul3A_52, %add3A_121 : i32
        %mul3A_123 = arith.constant 1000 : i32
        %mul3A_124 = arith.muli %add3A_122, %mul3A_123 : i32
        %dma_start3A_125 = tpu.memref_slice %arg10[%mul3A_124] : memref<20000xi32, #tpu.memory_space<vmem>> -> memref<1000xi32, #tpu.memory_space<vmem>>
        %dma_start3A_126 = arith.constant 0 : i32
        %dma_start3A_127 = arith.constant 0 : i32
        %dma_start3A_128 = tpu.memref_slice %arg14[%dma_start3A_126, %dma_start3A_127] : memref<10240x16xf32, #tpu.memory_space<vmem_shared>> -> memref<10240x16xf32, #tpu.memory_space<vmem_shared>>
        tpu.enqueue_indirect_dma source(%arg11 : memref<1000x16xf32, #tpu.memory_space<vmem>>) target(%dma_start3A_128 : memref<10240x16xf32, #tpu.memory_space<vmem_shared>>) offsets(%dma_start3A_125 : memref<1000xi32, #tpu.memory_space<vmem>>) semaphore(%arg17 : memref<!tpu.dma_semaphore, #tpu.memory_space<semaphore_mem>>) {add = true}
        %dma_wait3A_129 = tpu.memref_slice %arg10[%mul3A_124] : memref<20000xi32, #tpu.memory_space<vmem>> -> memref<1000xi32, #tpu.memory_space<vmem>>
        %dma_wait3A_130 = arith.constant 0 : i32
        %dma_wait3A_131 = arith.constant 0 : i32
        %dma_wait3A_132 = tpu.memref_slice %arg14[%dma_wait3A_130, %dma_wait3A_131] : memref<10240x16xf32, #tpu.memory_space<vmem_shared>> -> memref<10240x16xf32, #tpu.memory_space<vmem_shared>>
        tpu.wait_indirect_dma semaphore(%arg17 : memref<!tpu.dma_semaphore, #tpu.memory_space<semaphore_mem>>) src(%arg11 : memref<1000x16xf32, #tpu.memory_space<vmem>>) dst(%dma_wait3A_132 : memref<10240x16xf32, #tpu.memory_space<vmem_shared>>)
        %add3A_133 = arith.constant 2 : i32
        %add3A_134 = arith.addi %mul3A_52, %add3A_133 : i32
        %add3A_135 = arith.constant 2 : i32
        %add3A_136 = arith.addi %add3A_134, %add3A_135 : i32
        %mul3A_137 = arith.constant 1000 : i32
        %mul3A_138 = arith.muli %add3A_136, %mul3A_137 : i32
        %dma_start3A_139 = tpu.memref_slice %arg9[%mul3A_138] : memref<20000xi32, #tpu.memory_space<vmem>> -> memref<1000xi32, #tpu.memory_space<vmem>>
        %dma_start3A_140 = arith.constant 0 : i32
        %dma_start3A_141 = arith.constant 0 : i32
        %dma_start3A_142 = tpu.memref_slice %arg15[%dma_start3A_140, %dma_start3A_141] : memref<10000x16xf32, #tpu.memory_space<vmem_shared>> -> memref<10000x16xf32, #tpu.memory_space<vmem_shared>>
        tpu.enqueue_indirect_dma source(%dma_start3A_142 : memref<10000x16xf32, #tpu.memory_space<vmem_shared>>) target(%arg11 : memref<1000x16xf32, #tpu.memory_space<vmem>>) offsets(%dma_start3A_139 : memref<1000xi32, #tpu.memory_space<vmem>>) semaphore(%arg16 : memref<!tpu.dma_semaphore, #tpu.memory_space<semaphore_mem>>)
        %dma_wait3A_143 = tpu.memref_slice %arg9[%mul3A_112] : memref<20000xi32, #tpu.memory_space<vmem>> -> memref<1000xi32, #tpu.memory_space<vmem>>
        %dma_wait3A_144 = arith.constant 0 : i32
        %dma_wait3A_145 = arith.constant 0 : i32
        %dma_wait3A_146 = tpu.memref_slice %arg15[%dma_wait3A_144, %dma_wait3A_145] : memref<10000x16xf32, #tpu.memory_space<vmem_shared>> -> memref<10000x16xf32, #tpu.memory_space<vmem_shared>>
        tpu.wait_indirect_dma semaphore(%arg16 : memref<!tpu.dma_semaphore, #tpu.memory_space<semaphore_mem>>) src(%dma_wait3A_146 : memref<10000x16xf32, #tpu.memory_space<vmem_shared>>) dst(%arg12 : memref<1000x16xf32, #tpu.memory_space<vmem>>)
        %add3A_147 = arith.constant 3 : i32
        %add3A_148 = arith.addi %mul3A_52, %add3A_147 : i32
        %mul3A_149 = arith.constant 1000 : i32
        %mul3A_150 = arith.muli %add3A_148, %mul3A_149 : i32
        %dma_start3A_151 = tpu.memref_slice %arg10[%mul3A_150] : memref<20000xi32, #tpu.memory_space<vmem>> -> memref<1000xi32, #tpu.memory_space<vmem>>
        %dma_start3A_152 = arith.constant 0 : i32
        %dma_start3A_153 = arith.constant 0 : i32
        %dma_start3A_154 = tpu.memref_slice %arg14[%dma_start3A_152, %dma_start3A_153] : memref<10240x16xf32, #tpu.memory_space<vmem_shared>> -> memref<10240x16xf32, #tpu.memory_space<vmem_shared>>
        tpu.enqueue_indirect_dma source(%arg12 : memref<1000x16xf32, #tpu.memory_space<vmem>>) target(%dma_start3A_154 : memref<10240x16xf32, #tpu.memory_space<vmem_shared>>) offsets(%dma_start3A_151 : memref<1000xi32, #tpu.memory_space<vmem>>) semaphore(%arg17 : memref<!tpu.dma_semaphore, #tpu.memory_space<semaphore_mem>>) {add = true}
        %dma_wait3A_155 = tpu.memref_slice %arg10[%mul3A_150] : memref<20000xi32, #tpu.memory_space<vmem>> -> memref<1000xi32, #tpu.memory_space<vmem>>
        %dma_wait3A_156 = arith.constant 0 : i32
        %dma_wait3A_157 = arith.constant 0 : i32
        %dma_wait3A_158 = tpu.memref_slice %arg14[%dma_wait3A_156, %dma_wait3A_157] : memref<10240x16xf32, #tpu.memory_space<vmem_shared>> -> memref<10240x16xf32, #tpu.memory_space<vmem_shared>>
        tpu.wait_indirect_dma semaphore(%arg17 : memref<!tpu.dma_semaphore, #tpu.memory_space<semaphore_mem>>) src(%arg12 : memref<1000x16xf32, #tpu.memory_space<vmem>>) dst(%dma_wait3A_158 : memref<10240x16xf32, #tpu.memory_space<vmem_shared>>)
        %dma_wait3A_159 = tpu.memref_slice %arg9[%mul3A_138] : memref<20000xi32, #tpu.memory_space<vmem>> -> memref<1000xi32, #tpu.memory_space<vmem>>
        %dma_wait3A_160 = arith.constant 0 : i32
        %dma_wait3A_161 = arith.constant 0 : i32
        %dma_wait3A_162 = tpu.memref_slice %arg15[%dma_wait3A_160, %dma_wait3A_161] : memref<10000x16xf32, #tpu.memory_space<vmem_shared>> -> memref<10000x16xf32, #tpu.memory_space<vmem_shared>>
        tpu.wait_indirect_dma semaphore(%arg16 : memref<!tpu.dma_semaphore, #tpu.memory_space<semaphore_mem>>) src(%dma_wait3A_162 : memref<10000x16xf32, #tpu.memory_space<vmem_shared>>) dst(%arg11 : memref<1000x16xf32, #tpu.memory_space<vmem>>)
        %add3A_163 = arith.constant 4 : i32
        %add3A_164 = arith.addi %mul3A_52, %add3A_163 : i32
        %mul3A_165 = arith.constant 1000 : i32
        %mul3A_166 = arith.muli %add3A_164, %mul3A_165 : i32
        %dma_start3A_167 = tpu.memref_slice %arg10[%mul3A_166] : memref<20000xi32, #tpu.memory_space<vmem>> -> memref<1000xi32, #tpu.memory_space<vmem>>
        %dma_start3A_168 = arith.constant 0 : i32
        %dma_start3A_169 = arith.constant 0 : i32
        %dma_start3A_170 = tpu.memref_slice %arg14[%dma_start3A_168, %dma_start3A_169] : memref<10240x16xf32, #tpu.memory_space<vmem_shared>> -> memref<10240x16xf32, #tpu.memory_space<vmem_shared>>
        tpu.enqueue_indirect_dma source(%arg11 : memref<1000x16xf32, #tpu.memory_space<vmem>>) target(%dma_start3A_170 : memref<10240x16xf32, #tpu.memory_space<vmem_shared>>) offsets(%dma_start3A_167 : memref<1000xi32, #tpu.memory_space<vmem>>) semaphore(%arg17 : memref<!tpu.dma_semaphore, #tpu.memory_space<semaphore_mem>>) {add = true}
        %dma_wait3A_171 = tpu.memref_slice %arg10[%mul3A_166] : memref<20000xi32, #tpu.memory_space<vmem>> -> memref<1000xi32, #tpu.memory_space<vmem>>
        %dma_wait3A_172 = arith.constant 0 : i32
        %dma_wait3A_173 = arith.constant 0 : i32
        %dma_wait3A_174 = tpu.memref_slice %arg14[%dma_wait3A_172, %dma_wait3A_173] : memref<10240x16xf32, #tpu.memory_space<vmem_shared>> -> memref<10240x16xf32, #tpu.memory_space<vmem_shared>>
        tpu.wait_indirect_dma semaphore(%arg17 : memref<!tpu.dma_semaphore, #tpu.memory_space<semaphore_mem>>) src(%arg11 : memref<1000x16xf32, #tpu.memory_space<vmem>>) dst(%dma_wait3A_174 : memref<10240x16xf32, #tpu.memory_space<vmem_shared>>)
      }
      %scan3A_41 = arith.constant 4 : i32
      %barrier3A_42 = arith.constant 0 : index
      tpu.barrier barrier_id(%barrier3A_42)
      %mul3A_43 = arith.constant 640 : i32
      %mul3A_44 = arith.muli %arg1, %mul3A_43 : i32
      %mul3A_45 = arith.constant 640 : i32
      %mul3A_46 = arith.muli %arg1, %mul3A_45 : i32
      "tpu.region"() ({
        %run_scoped3A_47 = tpu.sem_alloc : memref<!tpu.dma_semaphore, #tpu.memory_space<semaphore_mem>>
        %dma_start3A = arith.constant 32 : i32
        %dma_start3A_48 = tpu.memref_slice %arg8[%mul3A_46, %dma_start3A] : memref<10240x64xf32, #tpu.memory_space<hbm>> -> memref<640x16xf32, #tpu.memory_space<hbm>>
        %dma_start3A_49 = arith.constant 0 : i32
        %dma_start3A_50 = tpu.memref_slice %arg14[%mul3A_44, %dma_start3A_49] : memref<10240x16xf32, #tpu.memory_space<vmem_shared>> -> memref<640x16xf32, #tpu.memory_space<vmem_shared>>
        tpu.enqueue_dma source(%dma_start3A_50 : memref<640x16xf32, #tpu.memory_space<vmem_shared>>) target(%dma_start3A_48 : memref<640x16xf32, #tpu.memory_space<hbm>>) target_semaphore(%run_scoped3A_47 : memref<!tpu.dma_semaphore, #tpu.memory_space<semaphore_mem>>)
        %dma_wait3A = arith.constant 32 : i32
        %dma_wait3A_51 = tpu.memref_slice %arg8[%mul3A_46, %dma_wait3A] : memref<10240x64xf32, #tpu.memory_space<hbm>> -> memref<640x16xf32, #tpu.memory_space<hbm>>
        %dma_wait3A_52 = arith.constant 0 : i32
        %dma_wait3A_53 = tpu.memref_slice %arg14[%mul3A_44, %dma_wait3A_52] : memref<10240x16xf32, #tpu.memory_space<vmem_shared>> -> memref<640x16xf32, #tpu.memory_space<vmem_shared>>
        tpu.wait_dma2 semaphore(%run_scoped3A_47 : memref<!tpu.dma_semaphore, #tpu.memory_space<semaphore_mem>>) src(%dma_wait3A_53 : memref<640x16xf32, #tpu.memory_space<vmem_shared>>) dst(%dma_wait3A_51 : memref<640x16xf32, #tpu.memory_space<hbm>>)
        tpu.yield
      }) : () -> ()
    } else {
    }
    return
  }
}

module attributes {stable_mosaic.version = 14 : i64} {
  func.func @_mlp1_body(%arg0: i32, %arg1: memref<2000x128xf32, #tpu.memory_space<vmem>>, %arg2: memref<2000x128xi32, #tpu.memory_space<vmem>>, %arg3: memref<128x16xf32, #tpu.memory_space<vmem>>, %arg4: memref<128x16xf32, #tpu.memory_space<vmem>>, %arg5: memref<128x16xf32, #tpu.memory_space<vmem>>, %arg6: memref<128x16xf32, #tpu.memory_space<vmem>>, %arg7: memref<1x16xf32, #tpu.memory_space<vmem>>, %arg8: memref<1x16xf32, #tpu.memory_space<vmem>>, %arg9: memref<2000x16xf32, #tpu.memory_space<vmem>>, %arg10: memref<2000x16xf32, #tpu.memory_space<vmem>>, %arg11: memref<2000x16xf32, #tpu.memory_space<vmem>>, %arg12: memref<2000x16xf32, #tpu.memory_space<vmem>>) attributes {dimension_semantics = [#tpu.dimension_semantics<arbitrary>], iteration_bounds = array<i64: 5>, scalar_prefetch = 0 : i64, scratch_operands = 0 : i64, tpu.core_type = #tpu.core_type<tc>, window_params = [{transform_indices = @transform_0, window_bounds = array<i64: 2000, 128>}, {transform_indices = @transform_1, window_bounds = array<i64: 2000, 128>}, {pipeline_mode = #tpu.pipeline_mode<synchronous>, transform_indices = @transform_2, window_bounds = array<i64: 128, 16>}, {pipeline_mode = #tpu.pipeline_mode<synchronous>, transform_indices = @transform_3, window_bounds = array<i64: 128, 16>}, {pipeline_mode = #tpu.pipeline_mode<synchronous>, transform_indices = @transform_4, window_bounds = array<i64: 128, 16>}, {pipeline_mode = #tpu.pipeline_mode<synchronous>, transform_indices = @transform_5, window_bounds = array<i64: 128, 16>}, {pipeline_mode = #tpu.pipeline_mode<synchronous>, transform_indices = @transform_6, window_bounds = array<i64: 1, 16>}, {pipeline_mode = #tpu.pipeline_mode<synchronous>, transform_indices = @transform_7, window_bounds = array<i64: 1, 16>}, {transform_indices = @transform_8, window_bounds = array<i64: 2000, 16>}, {transform_indices = @transform_9, window_bounds = array<i64: 2000, 16>}, {transform_indices = @transform_10, window_bounds = array<i64: 2000, 16>}, {transform_indices = @transform_11, window_bounds = array<i64: 2000, 16>}]} {
    %get3A = arith.constant 0 : index
    %get3A_0 = arith.constant 0 : index
    %get3A_1 = vector.load %arg1[%get3A, %get3A_0] : memref<2000x128xf32, #tpu.memory_space<vmem>>, vector<2000x128xf32>
    %get3A_2 = arith.constant 0 : index
    %get3A_3 = arith.constant 0 : index
    %get3A_4 = vector.load %arg2[%get3A_2, %get3A_3] : memref<2000x128xi32, #tpu.memory_space<vmem>>, vector<2000x128xi32>
    %get3A_5 = arith.constant 0 : index
    %get3A_6 = arith.constant 0 : index
    %get3A_7 = vector.load %arg3[%get3A_5, %get3A_6] : memref<128x16xf32, #tpu.memory_space<vmem>>, vector<128x16xf32>
    %dot_general3A = arith.constant dense<0.000000e+00> : vector<2000x16xf32>
    %dot_general3A_8 = tpu.matmul %get3A_1, %get3A_7, %dot_general3A {dimension_numbers = #tpu.dot_dimension_numbers<[1], [0], [0], [1], [0, 0, 1, 1], [], []>, transpose_lhs_hint = false} : vector<2000x128xf32>, vector<128x16xf32>, vector<2000x16xf32> -> vector<2000x16xf32>
    %swap3A = arith.constant 0 : index
    %swap3A_9 = arith.constant 0 : index
    %swap3A_10 = vector.load %arg9[%swap3A, %swap3A_9] : memref<2000x16xf32, #tpu.memory_space<vmem>>, vector<2000x16xf32>
    tpu.vector_store %arg9[%swap3A, %swap3A_9], %dot_general3A_8 {strides = array<i32>} : memref<2000x16xf32, #tpu.memory_space<vmem>>, vector<2000x16xf32>,
    %get3A_11 = arith.constant 0 : index
    %get3A_12 = arith.constant 0 : index
    %get3A_13 = vector.load %arg4[%get3A_11, %get3A_12] : memref<128x16xf32, #tpu.memory_space<vmem>>, vector<128x16xf32>
    %dot_general3A_14 = arith.constant dense<0.000000e+00> : vector<2000x16xf32>
    %dot_general3A_15 = tpu.matmul %get3A_1, %get3A_13, %dot_general3A_14 {dimension_numbers = #tpu.dot_dimension_numbers<[1], [0], [0], [1], [0, 0, 1, 1], [], []>, transpose_lhs_hint = false} : vector<2000x128xf32>, vector<128x16xf32>, vector<2000x16xf32> -> vector<2000x16xf32>
    %get3A_16 = arith.constant 0 : index
    %get3A_17 = arith.constant 0 : index
    %get3A_18 = vector.load %arg7[%get3A_16, %get3A_17] : memref<1x16xf32, #tpu.memory_space<vmem>>, vector<1x16xf32>
    %add3A = vector.broadcast %get3A_18 : vector<1x16xf32> to vector<2000x16xf32>
    %add3A_19 = arith.addf %dot_general3A_15, %add3A : vector<2000x16xf32>
    %swap3A_20 = arith.constant 0 : index
    %swap3A_21 = arith.constant 0 : index
    %swap3A_22 = vector.load %arg10[%swap3A_20, %swap3A_21] : memref<2000x16xf32, #tpu.memory_space<vmem>>, vector<2000x16xf32>
    tpu.vector_store %arg10[%swap3A_20, %swap3A_21], %add3A_19 {strides = array<i32>} : memref<2000x16xf32, #tpu.memory_space<vmem>>, vector<2000x16xf32>,
    %get3A_23 = arith.constant 0 : index
    %get3A_24 = arith.constant 0 : index
    %get3A_25 = vector.load %arg5[%get3A_23, %get3A_24] : memref<128x16xf32, #tpu.memory_space<vmem>>, vector<128x16xf32>
    %dot_general3A_26 = arith.constant dense<0.000000e+00> : vector<2000x16xf32>
    %dot_general3A_27 = tpu.matmul %get3A_4, %get3A_25, %dot_general3A_26 {dimension_numbers = #tpu.dot_dimension_numbers<[1], [0], [0], [1], [0, 0, 1, 1], [], []>, transpose_lhs_hint = false} : vector<2000x128xi32>, vector<128x16xf32>, vector<2000x16xf32> -> vector<2000x16xf32>
    %swap3A_28 = arith.constant 0 : index
    %swap3A_29 = arith.constant 0 : index
    %swap3A_30 = vector.load %arg11[%swap3A_28, %swap3A_29] : memref<2000x16xf32, #tpu.memory_space<vmem>>, vector<2000x16xf32>
    tpu.vector_store %arg11[%swap3A_28, %swap3A_29], %dot_general3A_27 {strides = array<i32>} : memref<2000x16xf32, #tpu.memory_space<vmem>>, vector<2000x16xf32>,
    %get3A_31 = arith.constant 0 : index
    %get3A_32 = arith.constant 0 : index
    %get3A_33 = vector.load %arg6[%get3A_31, %get3A_32] : memref<128x16xf32, #tpu.memory_space<vmem>>, vector<128x16xf32>
    %dot_general3A_34 = arith.constant dense<0.000000e+00> : vector<2000x16xf32>
    %dot_general3A_35 = tpu.matmul %get3A_4, %get3A_33, %dot_general3A_34 {dimension_numbers = #tpu.dot_dimension_numbers<[1], [0], [0], [1], [0, 0, 1, 1], [], []>, transpose_lhs_hint = false} : vector<2000x128xi32>, vector<128x16xf32>, vector<2000x16xf32> -> vector<2000x16xf32>
    %get3A_36 = arith.constant 0 : index
    %get3A_37 = arith.constant 0 : index
    %get3A_38 = vector.load %arg8[%get3A_36, %get3A_37] : memref<1x16xf32, #tpu.memory_space<vmem>>, vector<1x16xf32>
    %add3A_39 = vector.broadcast %get3A_38 : vector<1x16xf32> to vector<2000x16xf32>
    %add3A_40 = arith.addf %dot_general3A_35, %add3A_39 : vector<2000x16xf32>
    %swap3A_41 = arith.constant 0 : index
    %swap3A_42 = arith.constant 0 : index
    %swap3A_43 = vector.load %arg12[%swap3A_41, %swap3A_42] : memref<2000x16xf32, #tpu.memory_space<vmem>>, vector<2000x16xf32>
    tpu.vector_store %arg12[%swap3A_41, %swap3A_42], %add3A_40 {strides = array<i32>} : memref<2000x16xf32, #tpu.memory_space<vmem>>, vector<2000x16xf32>,
    return
  }
  func.func @transform_0(%arg0: i32) -> (i32, i32) {
    %c0_i32 = arith.constant 0 : i32
    %c0_i32_0 = arith.constant 0 : i32
    return %arg0, %c0_i32 : i32, i32
  }
  func.func @transform_1(%arg0: i32) -> (i32, i32) {
    %c0_i32 = arith.constant 0 : i32
    %c0_i32_0 = arith.constant 0 : i32
    return %arg0, %c0_i32 : i32, i32
  }
  func.func @transform_2(%arg0: i32) -> (i32, i32) {
    %c0_i32 = arith.constant 0 : i32
    %c0_i32_0 = arith.constant 0 : i32
    %c0_i32_1 = arith.constant 0 : i32
    return %c0_i32, %c0_i32_0 : i32, i32
  }
  func.func @transform_3(%arg0: i32) -> (i32, i32) {
    %c0_i32 = arith.constant 0 : i32
    %c0_i32_0 = arith.constant 0 : i32
    %c0_i32_1 = arith.constant 0 : i32
    return %c0_i32, %c0_i32_0 : i32, i32
  }
  func.func @transform_4(%arg0: i32) -> (i32, i32) {
    %c0_i32 = arith.constant 0 : i32
    %c0_i32_0 = arith.constant 0 : i32
    %c0_i32_1 = arith.constant 0 : i32
    return %c0_i32, %c0_i32_0 : i32, i32
  }
  func.func @transform_5(%arg0: i32) -> (i32, i32) {
    %c0_i32 = arith.constant 0 : i32
    %c0_i32_0 = arith.constant 0 : i32
    %c0_i32_1 = arith.constant 0 : i32
    return %c0_i32, %c0_i32_0 : i32, i32
  }
  func.func @transform_6(%arg0: i32) -> (i32, i32) {
    %c0_i32 = arith.constant 0 : i32
    %c0_i32_0 = arith.constant 0 : i32
    %c0_i32_1 = arith.constant 0 : i32
    return %c0_i32, %c0_i32_0 : i32, i32
  }
  func.func @transform_7(%arg0: i32) -> (i32, i32) {
    %c0_i32 = arith.constant 0 : i32
    %c0_i32_0 = arith.constant 0 : i32
    %c0_i32_1 = arith.constant 0 : i32
    return %c0_i32, %c0_i32_0 : i32, i32
  }
  func.func @transform_8(%arg0: i32) -> (i32, i32) {
    %c0_i32 = arith.constant 0 : i32
    %c0_i32_0 = arith.constant 0 : i32
    return %arg0, %c0_i32 : i32, i32
  }
  func.func @transform_9(%arg0: i32) -> (i32, i32) {
    %c0_i32 = arith.constant 0 : i32
    %c0_i32_0 = arith.constant 0 : i32
    return %arg0, %c0_i32 : i32, i32
  }
  func.func @transform_10(%arg0: i32) -> (i32, i32) {
    %c0_i32 = arith.constant 0 : i32
    %c0_i32_0 = arith.constant 0 : i32
    return %arg0, %c0_i32 : i32, i32
  }
  func.func @transform_11(%arg0: i32) -> (i32, i32) {
    %c0_i32 = arith.constant 0 : i32
    %c0_i32_0 = arith.constant 0 : i32
    return %arg0, %c0_i32 : i32, i32
  }
}

module attributes {stable_mosaic.version = 14 : i64} {
  func.func @_head_body(%arg0: i32, %arg1: memref<2000x64xf32, #tpu.memory_space<vmem>>, %arg2: memref<16x50xf32, #tpu.memory_space<vmem>>, %arg3: memref<16x50xf32, #tpu.memory_space<vmem>>, %arg4: memref<16x50xf32, #tpu.memory_space<vmem>>, %arg5: memref<16x50xf32, #tpu.memory_space<vmem>>, %arg6: memref<1x50xf32, #tpu.memory_space<vmem>>, %arg7: memref<1x50xf32, #tpu.memory_space<vmem>>, %arg8: memref<50x60xf32, #tpu.memory_space<vmem>>, %arg9: memref<50x60xf32, #tpu.memory_space<vmem>>, %arg10: memref<1x60xf32, #tpu.memory_space<vmem>>, %arg11: memref<60x64xf32, #tpu.memory_space<vmem>>, %arg12: memref<1x64xf32, #tpu.memory_space<vmem>>, %arg13: memref<2000x64xf32, #tpu.memory_space<vmem>>) attributes {dimension_semantics = [#tpu.dimension_semantics<arbitrary>], iteration_bounds = array<i64: 5>, scalar_prefetch = 0 : i64, scratch_operands = 0 : i64, tpu.core_type = #tpu.core_type<tc>, window_params = [{transform_indices = @transform_0, window_bounds = array<i64: 2000, 64>}, {pipeline_mode = #tpu.pipeline_mode<synchronous>, transform_indices = @transform_1, window_bounds = array<i64: 16, 50>}, {pipeline_mode = #tpu.pipeline_mode<synchronous>, transform_indices = @transform_2, window_bounds = array<i64: 16, 50>}, {pipeline_mode = #tpu.pipeline_mode<synchronous>, transform_indices = @transform_3, window_bounds = array<i64: 16, 50>}, {pipeline_mode = #tpu.pipeline_mode<synchronous>, transform_indices = @transform_4, window_bounds = array<i64: 16, 50>}, {pipeline_mode = #tpu.pipeline_mode<synchronous>, transform_indices = @transform_5, window_bounds = array<i64: 1, 50>}, {pipeline_mode = #tpu.pipeline_mode<synchronous>, transform_indices = @transform_6, window_bounds = array<i64: 1, 50>}, {pipeline_mode = #tpu.pipeline_mode<synchronous>, transform_indices = @transform_7, window_bounds = array<i64: 50, 60>}, {pipeline_mode = #tpu.pipeline_mode<synchronous>, transform_indices = @transform_8, window_bounds = array<i64: 50, 60>}, {pipeline_mode = #tpu.pipeline_mode<synchronous>, transform_indices = @transform_9, window_bounds = array<i64: 1, 60>}, {pipeline_mode = #tpu.pipeline_mode<synchronous>, transform_indices = @transform_10, window_bounds = array<i64: 60, 64>}, {pipeline_mode = #tpu.pipeline_mode<synchronous>, transform_indices = @transform_11, window_bounds = array<i64: 1, 64>}, {transform_indices = @transform_12, window_bounds = array<i64: 2000, 64>}]} {
    %get3A = arith.constant 0 : index
    %get3A_0 = arith.constant 0 : index
    %get3A_1 = vector.load %arg2[%get3A, %get3A_0] : memref<16x50xf32, #tpu.memory_space<vmem>>, vector<16x50xf32>
    %get3A_2 = arith.constant 0 : index
    %get3A_3 = arith.constant 0 : index
    %get3A_4 = vector.load %arg8[%get3A_2, %get3A_3] : memref<50x60xf32, #tpu.memory_space<vmem>>, vector<50x60xf32>
    %dot_general3A = arith.constant dense<0.000000e+00> : vector<16x60xf32>
    %dot_general3A_5 = tpu.matmul %get3A_1, %get3A_4, %dot_general3A {dimension_numbers = #tpu.dot_dimension_numbers<[1], [0], [0], [1], [0, 0, 1, 1], [], []>, transpose_lhs_hint = false} : vector<16x50xf32>, vector<50x60xf32>, vector<16x60xf32> -> vector<16x60xf32>
    %get3A_6 = arith.constant 0 : index
    %get3A_7 = arith.constant 0 : index
    %get3A_8 = vector.load %arg3[%get3A_6, %get3A_7] : memref<16x50xf32, #tpu.memory_space<vmem>>, vector<16x50xf32>
    %get3A_9 = arith.constant 0 : index
    %get3A_10 = arith.constant 0 : index
    %get3A_11 = vector.load %arg8[%get3A_9, %get3A_10] : memref<50x60xf32, #tpu.memory_space<vmem>>, vector<50x60xf32>
    %dot_general3A_12 = arith.constant dense<0.000000e+00> : vector<16x60xf32>
    %dot_general3A_13 = tpu.matmul %get3A_8, %get3A_11, %dot_general3A_12 {dimension_numbers = #tpu.dot_dimension_numbers<[1], [0], [0], [1], [0, 0, 1, 1], [], []>, transpose_lhs_hint = false} : vector<16x50xf32>, vector<50x60xf32>, vector<16x60xf32> -> vector<16x60xf32>
    %get3A_14 = arith.constant 0 : index
    %get3A_15 = arith.constant 0 : index
    %get3A_16 = vector.load %arg4[%get3A_14, %get3A_15] : memref<16x50xf32, #tpu.memory_space<vmem>>, vector<16x50xf32>
    %get3A_17 = arith.constant 0 : index
    %get3A_18 = arith.constant 0 : index
    %get3A_19 = vector.load %arg9[%get3A_17, %get3A_18] : memref<50x60xf32, #tpu.memory_space<vmem>>, vector<50x60xf32>
    %dot_general3A_20 = arith.constant dense<0.000000e+00> : vector<16x60xf32>
    %dot_general3A_21 = tpu.matmul %get3A_16, %get3A_19, %dot_general3A_20 {dimension_numbers = #tpu.dot_dimension_numbers<[1], [0], [0], [1], [0, 0, 1, 1], [], []>, transpose_lhs_hint = false} : vector<16x50xf32>, vector<50x60xf32>, vector<16x60xf32> -> vector<16x60xf32>
    %get3A_22 = arith.constant 0 : index
    %get3A_23 = arith.constant 0 : index
    %get3A_24 = vector.load %arg5[%get3A_22, %get3A_23] : memref<16x50xf32, #tpu.memory_space<vmem>>, vector<16x50xf32>
    %get3A_25 = arith.constant 0 : index
    %get3A_26 = arith.constant 0 : index
    %get3A_27 = vector.load %arg9[%get3A_25, %get3A_26] : memref<50x60xf32, #tpu.memory_space<vmem>>, vector<50x60xf32>
    %dot_general3A_28 = arith.constant dense<0.000000e+00> : vector<16x60xf32>
    %dot_general3A_29 = tpu.matmul %get3A_24, %get3A_27, %dot_general3A_28 {dimension_numbers = #tpu.dot_dimension_numbers<[1], [0], [0], [1], [0, 0, 1, 1], [], []>, transpose_lhs_hint = false} : vector<16x50xf32>, vector<50x60xf32>, vector<16x60xf32> -> vector<16x60xf32>
    %concatenate3A = tpu.concatenate %dot_general3A_5, %dot_general3A_13, %dot_general3A_21, %dot_general3A_29 in 0 : vector<16x60xf32>, vector<16x60xf32>, vector<16x60xf32>, vector<16x60xf32> -> vector<64x60xf32>
    %get3A_30 = arith.constant 0 : index
    %get3A_31 = arith.constant 0 : index
    %get3A_32 = vector.load %arg6[%get3A_30, %get3A_31] : memref<1x50xf32, #tpu.memory_space<vmem>>, vector<1x50xf32>
    %get3A_33 = arith.constant 0 : index
    %get3A_34 = arith.constant 0 : index
    %get3A_35 = vector.load %arg8[%get3A_33, %get3A_34] : memref<50x60xf32, #tpu.memory_space<vmem>>, vector<50x60xf32>
    %dot_general3A_36 = arith.constant dense<0.000000e+00> : vector<1x60xf32>
    %dot_general3A_37 = tpu.matmul %get3A_32, %get3A_35, %dot_general3A_36 {dimension_numbers = #tpu.dot_dimension_numbers<[1], [0], [0], [1], [0, 0, 1, 1], [], []>, transpose_lhs_hint = false} : vector<1x50xf32>, vector<50x60xf32>, vector<1x60xf32> -> vector<1x60xf32>
    %get3A_38 = arith.constant 0 : index
    %get3A_39 = arith.constant 0 : index
    %get3A_40 = vector.load %arg7[%get3A_38, %get3A_39] : memref<1x50xf32, #tpu.memory_space<vmem>>, vector<1x50xf32>
    %get3A_41 = arith.constant 0 : index
    %get3A_42 = arith.constant 0 : index
    %get3A_43 = vector.load %arg9[%get3A_41, %get3A_42] : memref<50x60xf32, #tpu.memory_space<vmem>>, vector<50x60xf32>
    %dot_general3A_44 = arith.constant dense<0.000000e+00> : vector<1x60xf32>
    %dot_general3A_45 = tpu.matmul %get3A_40, %get3A_43, %dot_general3A_44 {dimension_numbers = #tpu.dot_dimension_numbers<[1], [0], [0], [1], [0, 0, 1, 1], [], []>, transpose_lhs_hint = false} : vector<1x50xf32>, vector<50x60xf32>, vector<1x60xf32> -> vector<1x60xf32>
    %add3A = arith.addf %dot_general3A_37, %dot_general3A_45 : vector<1x60xf32>
    %get3A_46 = arith.constant 0 : index
    %get3A_47 = arith.constant 0 : index
    %get3A_48 = vector.load %arg10[%get3A_46, %get3A_47] : memref<1x60xf32, #tpu.memory_space<vmem>>, vector<1x60xf32>
    %add3A_49 = arith.addf %add3A, %get3A_48 : vector<1x60xf32>
    %get3A_50 = arith.constant 0 : index
    %get3A_51 = arith.constant 0 : index
    %get3A_52 = vector.load %arg1[%get3A_50, %get3A_51] : memref<2000x64xf32, #tpu.memory_space<vmem>>, vector<2000x64xf32>
    %dot_general3A_53 = arith.constant dense<0.000000e+00> : vector<2000x60xf32>
    %dot_general3A_54 = tpu.matmul %get3A_52, %concatenate3A, %dot_general3A_53 {dimension_numbers = #tpu.dot_dimension_numbers<[1], [0], [0], [1], [0, 0, 1, 1], [], []>, transpose_lhs_hint = false} : vector<2000x64xf32>, vector<64x60xf32>, vector<2000x60xf32> -> vector<2000x60xf32>
    %add3A_55 = vector.broadcast %add3A_49 : vector<1x60xf32> to vector<2000x60xf32>
    %add3A_56 = arith.addf %dot_general3A_54, %add3A_55 : vector<2000x60xf32>
    %max3A = arith.constant 0.000000e+00 : f32
    %max3A_57 = vector.broadcast %max3A : f32 to vector<2000x60xf32>
    %max3A_58 = arith.maximumf %add3A_56, %max3A_57 : vector<2000x60xf32>
    %get3A_59 = arith.constant 0 : index
    %get3A_60 = arith.constant 0 : index
    %get3A_61 = vector.load %arg11[%get3A_59, %get3A_60] : memref<60x64xf32, #tpu.memory_space<vmem>>, vector<60x64xf32>
    %dot_general3A_62 = arith.constant dense<0.000000e+00> : vector<2000x64xf32>
    %dot_general3A_63 = tpu.matmul %max3A_58, %get3A_61, %dot_general3A_62 {dimension_numbers = #tpu.dot_dimension_numbers<[1], [0], [0], [1], [0, 0, 1, 1], [], []>, transpose_lhs_hint = false} : vector<2000x60xf32>, vector<60x64xf32>, vector<2000x64xf32> -> vector<2000x64xf32>
    %get3A_64 = arith.constant 0 : index
    %get3A_65 = arith.constant 0 : index
    %get3A_66 = vector.load %arg12[%get3A_64, %get3A_65] : memref<1x64xf32, #tpu.memory_space<vmem>>, vector<1x64xf32>
    %add3A_67 = vector.broadcast %get3A_66 : vector<1x64xf32> to vector<2000x64xf32>
    %add3A_68 = arith.addf %dot_general3A_63, %add3A_67 : vector<2000x64xf32>
    %tanh3A = math.tanh %add3A_68 : vector<2000x64xf32>
    %swap3A = arith.constant 0 : index
    %swap3A_69 = arith.constant 0 : index
    %swap3A_70 = vector.load %arg13[%swap3A, %swap3A_69] : memref<2000x64xf32, #tpu.memory_space<vmem>>, vector<2000x64xf32>
    tpu.vector_store %arg13[%swap3A, %swap3A_69], %tanh3A {strides = array<i32>} : memref<2000x64xf32, #tpu.memory_space<vmem>>, vector<2000x64xf32>,
    return
  }
  func.func @transform_0(%arg0: i32) -> (i32, i32) {
    %c0_i32 = arith.constant 0 : i32
    %c0_i32_0 = arith.constant 0 : i32
    return %arg0, %c0_i32 : i32, i32
  }
  func.func @transform_1(%arg0: i32) -> (i32, i32) {
    %c0_i32 = arith.constant 0 : i32
    %c0_i32_0 = arith.constant 0 : i32
    %c0_i32_1 = arith.constant 0 : i32
    return %c0_i32, %c0_i32_0 : i32, i32
  }
  func.func @transform_2(%arg0: i32) -> (i32, i32) {
    %c0_i32 = arith.constant 0 : i32
    %c0_i32_0 = arith.constant 0 : i32
    %c0_i32_1 = arith.constant 0 : i32
    return %c0_i32, %c0_i32_0 : i32, i32
  }
  func.func @transform_3(%arg0: i32) -> (i32, i32) {
    %c0_i32 = arith.constant 0 : i32
    %c0_i32_0 = arith.constant 0 : i32
    %c0_i32_1 = arith.constant 0 : i32
    return %c0_i32, %c0_i32_0 : i32, i32
  }
  func.func @transform_4(%arg0: i32) -> (i32, i32) {
    %c0_i32 = arith.constant 0 : i32
    %c0_i32_0 = arith.constant 0 : i32
    %c0_i32_1 = arith.constant 0 : i32
    return %c0_i32, %c0_i32_0 : i32, i32
  }
  func.func @transform_5(%arg0: i32) -> (i32, i32) {
    %c0_i32 = arith.constant 0 : i32
    %c0_i32_0 = arith.constant 0 : i32
    %c0_i32_1 = arith.constant 0 : i32
    return %c0_i32, %c0_i32_0 : i32, i32
  }
  func.func @transform_6(%arg0: i32) -> (i32, i32) {
    %c0_i32 = arith.constant 0 : i32
    %c0_i32_0 = arith.constant 0 : i32
    %c0_i32_1 = arith.constant 0 : i32
    return %c0_i32, %c0_i32_0 : i32, i32
  }
  func.func @transform_7(%arg0: i32) -> (i32, i32) {
    %c0_i32 = arith.constant 0 : i32
    %c0_i32_0 = arith.constant 0 : i32
    %c0_i32_1 = arith.constant 0 : i32
    return %c0_i32, %c0_i32_0 : i32, i32
  }
  func.func @transform_8(%arg0: i32) -> (i32, i32) {
    %c0_i32 = arith.constant 0 : i32
    %c0_i32_0 = arith.constant 0 : i32
    %c0_i32_1 = arith.constant 0 : i32
    return %c0_i32, %c0_i32_0 : i32, i32
  }
  func.func @transform_9(%arg0: i32) -> (i32, i32) {
    %c0_i32 = arith.constant 0 : i32
    %c0_i32_0 = arith.constant 0 : i32
    %c0_i32_1 = arith.constant 0 : i32
    return %c0_i32, %c0_i32_0 : i32, i32
  }
  func.func @transform_10(%arg0: i32) -> (i32, i32) {
    %c0_i32 = arith.constant 0 : i32
    %c0_i32_0 = arith.constant 0 : i32
    %c0_i32_1 = arith.constant 0 : i32
    return %c0_i32, %c0_i32_0 : i32, i32
  }
  func.func @transform_11(%arg0: i32) -> (i32, i32) {
    %c0_i32 = arith.constant 0 : i32
    %c0_i32_0 = arith.constant 0 : i32
    %c0_i32_1 = arith.constant 0 : i32
    return %c0_i32, %c0_i32_0 : i32, i32
  }
  func.func @transform_12(%arg0: i32) -> (i32, i32) {
    %c0_i32 = arith.constant 0 : i32
    %c0_i32_0 = arith.constant 0 : i32
    return %arg0, %c0_i32 : i32, i32
  }
}

</mosaic_0001>

<sc_bundles>
// kernel: kernel.5.cloned.1.call-start
scs
__scs_entry_jumppad:
0x0: {  	(pc) =	sbr.rel $0x88, $3  }
0x1: {  	(tag) =	ssettag $0x0;
	lr =	simm.s32 $0x1  }
0x2: {  	[smem:$0x3F8D] =	sst lr;
	_ =	strace $0xD0000000  }
0x3: {  	_ = 	snop  }
0x4: {  	_ = 	snop  }
0x5: {  	_ = 	snop  }
0x6: {  	_ = 	snop  }
0x7: {  	_ = 	snop  }
__scs_overlays_trampoline_lowered:
0x8: {  	[smem:$0x3F9C] =	sst s0  }
0x9: {  	[smem:$0x3F9D] =	sst s1  }
0xa: {  	[smem:$0x3F9E] =	sst s2  }
0xb: {  	[smem:$0x3F9F] =	sst s3  }
0xc: {  	[smem:$0x3FA0] =	sst s4  }
0xd: {  	[smem:$0x3FA1] =	sst s5  }
0xe: {  	[smem:$0x3FA2] =	sst s6  }
0xf: {  	[smem:$0x3FA3] =	sst s7  }
0x10: {  	[smem:$0x3FA4] =	sst s8  }
0x11: {  	[smem:$0x3FA5] =	sst s9;
	s0 =	simm.s32 @!p0 $0x0  }
0x12: {  	s1 =	sld [smem:$0x3F8B];
	s0 =	simm.s32 @p0 $0x1  }
0x13: {  	[smem:$0x3FA6] =	sst s0;
	s0 =	simm.s32 @!p1 $0x0  }
0x14: {  	s2 =	sld [smem:$0x3F8A];
	s0 =	simm.s32 @p1 $0x1  }
0x15: {  	[smem:$0x3FA7] =	sst s0;
	s0 =	simm.s32 @!p2 $0x0  }
0x16: {  	s3 =	sld [smem:$0x3FDB];
	s0 =	simm.s32 @p2 $0x1  }
0x17: {  	s4 =	simm.s32 $0x1BF5;
	[smem:$0x3FA9] =	sst s0  }
0x18: {  	s0 =	sld [smem:$0x3F8C];
	_ =	swait.ge [sflag:s4], $0x0  }
0x19: {  	s7 =	sld [smem:$0x3F8D]  }
0x1a: {  	s8 =	sadd.s32 $0xFFFFE003, lr  }
0x1b: {  	s9 =	sadd.s32 $0xFFFFFEF7, lr;
	s5 =	simm.s32 $0xFFFFFFFF;
	p2 =	slt.u32 s8, $0xFFFFF086  }
0x1c: {  	p1 =	slt.u32 s9, $0xF7A;
	s5 =	simm.s32 @!p2 $0x0  }
0x1d: {  	s5 =	simm.s32 @p1 $0x1;
	p0 =	seq.s32 s7, s2  }
0x1e: {  	s7 =	smul.u32 @!p0 $0xF7A, s2;
	p2 =	seq.s32 @!p0 s5, $0x0  }
0x1f: {  	s9 =	smul.u32 $0xF7A, s1;
	s8 =	simm.s32 @!p0 $0x1BF5;
	p2 =	por !p2, p0  }
0x20: {  	[sflag:s8] =	ssyncset.s32 @!p0 $0xFFFFF086;
	s6 =	sadd.s32 @!p0 s3, s7;
	s7 =	simm.s32 @!p0 $0x108  }
0x21: {  	s3 =	sadd.s32 s3, s9;
	s6 =	sadd.s32 @!p0 $0x88, s6;
	s7 =	simm.s32 @p2 $0x1082  }
0x22: {  	[simem:s7], [sflag:s8] =	dma.local @!p0 [hbm:s6], $0xF7A  }
0x23: {  	s9 =	sor.u32 $0xD0000000, s2;
	s6 =	simm.s32 $0x108;
	_ =	swait.ge @!p0 [sflag:s8], $0x0  }
0x24: {  	s3 =	sadd.s32 $0x88, s3;
	s6 =	simm.s32 @!p1 $0x1082;
	[sflag:s4] =	ssyncset.s32 $0xFFFFF086  }
0x25: {  	[simem:s6], [sflag:s4] =	dma.local [hbm:s3], $0xF7A  }
0x26: {  	[smem:$0x3F8D] =	sst s1;
	(tag) =	ssettag s2;
	_ =	strace s9  }
0x27: {  	s1 =	sld [smem:$0x3F9D]  }
0x28: {  	s2 =	sld [smem:$0x3F9E]  }
0x29: {  	s4 =	sld [smem:$0x3FA0]  }
0x2a: {  	p0 =	seq.s32 s5, $0x0;
	s5 =	sld [smem:$0x3FA1]  }
0x2b: {  	s6 =	sld [smem:$0x3FA2]  }
0x2c: {  	s7 =	sld [smem:$0x3FA3]  }
0x2d: {  	s3 =	simm.s32 $0x108;
	s8 =	sld [smem:$0x3FA4]  }
0x2e: {  	s3 =	simm.s32 @!p0 $0x1082;
	s9 =	sld [smem:$0x3FA5]  }
0x2f: {  	lr =	sadd.s32 s0, s3;
	s0 =	sld [smem:$0x3F9C]  }
0x30: {  	s3 =	sld [smem:$0x3F9F]  }
0x31: {  	[smem:$0x3FA8] =	sst s10  }
0x32: {  	s10 =	sld [smem:$0x3FA6];
	_ =	sdelay $0x3  }
0x33: {  	p0 =	seq.s32 s10, $0x1;
	s10 =	sld [smem:$0x3FA8];
	_ =	sdelay $0x3  }
0x34: {  	[smem:$0x3FA8] =	sst s10  }
0x35: {  	s10 =	sld [smem:$0x3FA7];
	_ =	sdelay $0x3  }
0x36: {  	p1 =	seq.s32 s10, $0x1;
	s10 =	sld [smem:$0x3FA8];
	_ =	sdelay $0x3  }
0x37: {  	[smem:$0x3FA8] =	sst s10  }
0x38: {  	s10 =	sld [smem:$0x3FA9]  }
0x39: {  	_ = 	snop;
	(pc) =	sbr.ind lr, $3  }
0x3a: {  	_ = 	snop  }
0x3b: {  	_ = 	snop  }
0x3c: {  	p2 =	seq.s32 s10, $0x1;
	s10 =	sld [smem:$0x3FA8]  }
0x3d: {  	_ =	shalt  }
0x3e: {  	_ =	shalt  }
0x3f: {  	_ =	shalt  }
0x40: {  	_ =	shalt  }
0x41: {  	_ =	shalt  }
0x42: {  	_ =	shalt  }
0x43: {  	_ =	shalt  }
0x44: {  	_ =	shalt  }
0x45: {  	_ =	shalt  }
0x46: {  	_ =	shalt  }
0x47: {  	_ =	shalt  }
0x48: {  	_ =	shalt  }
0x49: {  	_ =	shalt  }
0x4a: {  	_ =	shalt  }
0x4b: {  	_ =	shalt  }
0x4c: {  	_ =	shalt  }
0x4d: {  	_ =	shalt  }
0x4e: {  	_ =	shalt  }
0x4f: {  	_ =	shalt  }
0x50: {  	_ =	shalt  }
0x51: {  	_ =	shalt  }
0x52: {  	_ =	shalt  }
0x53: {  	_ =	shalt  }
0x54: {  	_ =	shalt  }
0x55: {  	_ =	shalt  }
0x56: {  	_ =	shalt  }
0x57: {  	_ =	shalt  }
0x58: {  	_ =	shalt  }
0x59: {  	_ =	shalt  }
0x5a: {  	_ =	shalt  }
0x5b: {  	_ =	shalt  }
0x5c: {  	_ =	shalt  }
0x5d: {  	_ =	shalt  }
0x5e: {  	_ =	shalt  }
0x5f: {  	_ =	shalt  }
0x60: {  	_ =	shalt  }
0x61: {  	_ =	shalt  }
0x62: {  	_ =	shalt  }
0x63: {  	_ =	shalt  }
0x64: {  	_ =	shalt  }
0x65: {  	_ =	shalt  }
0x66: {  	_ =	shalt  }
0x67: {  	_ =	shalt  }
0x68: {  	_ =	shalt  }
0x69: {  	_ =	shalt  }
0x6a: {  	_ =	shalt  }
0x6b: {  	_ =	shalt  }
0x6c: {  	_ =	shalt  }
0x6d: {  	_ =	shalt  }
0x6e: {  	_ =	shalt  }
0x6f: {  	_ =	shalt  }
0x70: {  	_ =	shalt  }
0x71: {  	_ =	shalt  }
0x72: {  	_ =	shalt  }
0x73: {  	_ =	shalt  }
0x74: {  	_ =	shalt  }
0x75: {  	_ =	shalt  }
0x76: {  	_ =	shalt  }
0x77: {  	_ =	shalt  }
0x78: {  	_ =	shalt  }
0x79: {  	_ =	shalt  }
0x7a: {  	_ =	shalt  }
0x7b: {  	_ =	shalt  }
0x7c: {  	_ =	shalt  }
0x7d: {  	_ =	shalt  }
0x7e: {  	_ =	shalt  }
0x7f: {  	_ =	shalt  }
0x80: {  	_ =	shalt  }
0x81: {  	_ =	shalt  }
0x82: {  	_ =	shalt  }
0x83: {  	_ =	shalt  }
0x84: {  	_ =	shalt  }
0x85: {  	_ =	shalt  }
0x86: {  	_ =	shalt  }
0x87: {  	_ =	shalt  }
.Lfunc_end0:
.L_simem_size_0:
called_computation_lowered:
.L_overlay_start_0:
0x88: {  	s2 =	sld [smem:$0x3FD9]  }
0x89: {  	s3 =	sld [smem:$0x3FFE];
	_ =	sdelay $0x1  }
0x8a: {  	s1 =	srdreg.scid  }
0x8b: {  	s0 =	sand.u32 $0x1, s1  }
0x8c: {  	s17 =	sshll.u32 s0, $0xA;
	s2 =	sadd.s32 s3, s2  }
0x8d: {  	s2 =	sadd.s32 s2, s17  }
0x8e: {  	[smem:$0x3FB4] =	sst s2  }
0x8f: {  	_ = 	snop  }
0x90: {  	s2 =	sld [smem:$0x3FD0];
	(tm) =	ssettm $0x1  }
0x91: {  	s18 =	sld [smem:$0x3FFB];
	_ =	sdelay $0x3  }
0x92: {  	_ =	strace s18  }
0x93: {  	s3 =	sld [smem:$0x3FFC];
	_ =	sdelay $0x3  }
0x94: {  	_ =	strace s3  }
0x95: {  	s3 =	sld [smem:$0x3FFD];
	_ =	sdelay $0x3  }
0x96: {  	_ =	strace s3  }
0x97: {  	_ =	strace $0x8FFFFFFF  }
0x98: {  	s19 =	sld [smem:$0x3FDB];
	_ =	sdelay $0x1  }
0x99: {  	s4 =	simm.s32 $_scs_section_size  }
0x9a: {  	s5 =	simm.s32 $_size__tile_overlayer_lowered;
	s6 =	simm.s32 $_tile_overlayer_lowered  }
0x9b: {  	s22 =	simm.s32 $0x1BFF;
	s21 =	sshll.u32 s6, $0x1;
	s3 =	sadd.s32 s4, s19  }
0x9c: {  	s7 =	simm.s32 $0x0;
	s20 =	sshll.u32 s5, $0x1;
	s5 =	sadd.s32 s21, s3  }
0x9d: {  	[timem:s7], [sflag:s22] =	dma.local [hbm:s5], s20  }
0x9e: {  	_ =	swait.ge [sflag:s22], s20  }
0x9f: {  	s4 =	ssub.s32 $0x0, s20;
	[sflag:s22] =	ssyncset.done $0x0  }
0xa0: {  	[sflag:s22] =	ssyncadd.s32 s4;
	_ =	sdelay $0x1  }
0xa1: {  	s23 =	simm.s32 $0x1B8B  }
0xa2: {  	_ =	swait.ge [sflag:s23], $0x1  }
0xa3: {  	[sflag:s23] =	ssyncset.done $0x0  }
0xa4: {  	s25 =	simm.s32 $0x1B8E;
	s24 =	sld [smem:$0x3FFE];
	[sflag:s23] =	ssyncadd.s32 $0xFFFFFFFF  }
0xa5: {  	s26 =	simm.s32 $execute0_lowered;
	[smem:$0x3FD2] =	sst s25  }
0xa6: {  	s5 =	sshll.u32 s26, $0x1;
	_ =	strace $0x80000046;
	[dreg:$0x1] =	wrdreg $0xFFFFFFFF  }
0xa7: {  	s28 =	simm.s32 $_size_execute0_lowered;
	s3 =	sadd.s32 s3, s5;
	[dreg:$0x0] =	wrdreg $0x0  }
0xa8: {  	s5 =	sshll.u32 s28, $0x1;
	[dreg:$0x2] =	wrdreg s3  }
0xa9: {  	[dreg:$0x3] =	wrdreg s5  }
0xaa: {  	[dreg:$0x4] =	wrdreg $0xC0  }
0xab: {  	_ =	task [dreg:s7], $0x5FFFF  }
0xac: {  	[dreg:$0x1] =	wrdreg $0xFFFFFFFF  }
0xad: {  	[dreg:$0x0] =	wrdreg $0x60  }
0xae: {  	[dreg:$0x2] =	wrdreg s24  }
0xaf: {  	[dreg:$0x3] =	wrdreg s2  }
0xb0: {  	[dreg:$0x4] =	wrdreg $0x119400  }
0xb1: {  	[dreg:$0x5] =	wrdreg $0x141400  }
0xb2: {  	[dreg:$0x6] =	wrdreg $0x169400  }
0xb3: {  	[dreg:$0x7] =	wrdreg $0x9  }
0xb4: {  	_ =	task.clear_ibuf [dreg:s7], $0x8FFFF;
	_ =	strace $0x90000046  }
0xb5: {  	s29 =	simm.s32 $0x9;
	_ =	strace $0x80000048  }
0xb6: {  	_ =	swait.ge [sflag:s29], $0x1  }
0xb7: {  	[sflag:s29] =	ssyncadd.s32 $0xFFFFFFFF  }
0xb8: {  	_ =	strace $0x90000048  }
0xb9: {  	_ =	sfence  }
0xba: {  	s30 =	sld [smem:$0x0];
	_ =	sdelay $0x2  }
0xbb: {  	s31 =	sshll.u32 s1, $0xD;
	s1 =	sshrl.u32 s1, $0x2  }
0xbc: {  	s3 =	sand.u32 $0x4000, s31;
	s1 =	sadd.s32 s1, s30  }
0xbd: {  	s0 =	sor.u32 s3, s0;
	s1 =	sshll.u32 s1, $0x11  }
0xbe: {  	s0 =	sor.u32 s1, s0  }
0xbf: {  	s0 =	sadd.s32 $0x8F2B, s0  }
0xc0: {  	[sflag:s0] =	ssyncadd.remote.s32 $0x1  }
0xc1: {  	_ =	sfence.sel $0xFFFF  }
0xc2: {  	[dreg:$0x0] =	wrdreg $0xFFFFFFFF;
	(pc) =	sbr.abs _section_cstart, $3  }
0xc3: {  	[dreg:$0x1] =	wrdreg $0xFFFFFFFF  }
0xc4: {  	_ =	task.clear_ibuf [dreg:s7], $0x2FFFF;
	_ =	strace $0x9FFFFFFF  }
0xc5: {  	(tm) =	ssettm $0x7FFFFFFF  }
tec
execute0_lowered:
.L_overlay_start_1:
0x0: {  	(tag) =	ssettag $0x1  }
0x1: {  	s0 =	rddreg [dreg:$0x0]  }
0x2: {  	s3 =	rddreg [dreg:$0x1]  }
0x3: {  	s1 =	rddreg [dreg:$0x2]  }
0x4: {  	s2 =	rddreg [dreg:$0x3];
	s15 =	stileid.u32  }
0x5: {  	s4 =	rddreg [dreg:$0x4];
	s5 =	simm.s32 $0x0;
	s24 =	smul.u32 $0x2710, s15  }
0x6: {  	s6 =	srdreg.scid;
	s28 =	simm.s32 $0xDAC0;
	s8 =	smul.u32 $0x9C4, s15  }
0x7: {  	s29 =	simm.s32 $0x3E8;
	s30 =	simm.s32 $0x1;
	s9 =	smul.u32 $0x1400, s15  }
0x8: {  	s31 =	simm.s32 $0x2;
	[smem:$0x7FF] =	sst s5;
	s12 =	smul.u32 $0x2800, s15  }
0x9: {  	s6 =	sand.u32 $0x1, s6;
	s17 =	smul.u32 $0x1388, s15;
	s18 =	sadd.s32 $0x11C02, s0  }
0xa: {  	s15 =	simm.s32 $0x3E80;
	_ =	strace $0x80000047;
	s10 =	ssub.s32 $0x2, s6  }
0xb: {  	p0 =	seq.s32 s6, $0x1;
	[dreg:$0xc] =	wrdreg s18;
	s18 =	simm.s32 $0x84D0  }
0xc: {  	s6 =	simm.s32 $0x4A38;
	s7 =	sshrl.u32 s24, $0x3;
	s25 =	sshrl.u32 s10, $0x1  }
0xd: {  	s13 =	sadd.s32 s8, s0;
	s9 =	sadd.s32 s9, s0;
	s26 =	sadd.s32 s12, s1  }
0xe: {  	s5 =	sadd.s32 s24, s1;
	[dreg:$0xb] =	wrdreg s17;
	s20 =	sadd.s32 s3, s8  }
0xf: {  	s3 =	sadd.s32 $0x9C40, s3;
	s17 =	simm.s32 $0x80E8;
	s11 =	sadd.s32 s7, s0  }
0x10: {  	s14 =	ssub.s32 s10, s25;
	[dreg:$0x6] =	wrdreg s26;
	s7 =	sadd.s32 s12, s2  }
0x11: {  	s10 =	sadd.s32 $0x2EE00, s13;
	s12 =	sadd.s32 $0x2EE10, s0;
	[dreg:$0x9] =	wrdreg s5  }
0x12: {  	s19 =	sadd.s32 $0x11C00, s9;
	[dreg:$0xe] =	wrdreg s20;
	s0 =	sadd.s32 $0x11C06, s0  }
0x13: {  	s23 =	sadd.s32 $0x11C04, s9;
	s25 =	sadd.s32 s8, s3;
	[dreg:$0x7] =	wrdreg s10  }
0x14: {  	s9 =	simm.s32 $0x32C8;
	s20 =	simm.s32 $0x4650;
	[dreg:$0xd] =	wrdreg s19  }
0x15: {  	s3 =	simm.s32 $0x9088;
	s13 =	sadd.s32 $0xCC00, s11;
	[dreg:$0x11] =	wrdreg s0  }
0x16: {  	s10 =	sadd.s32 s24, s4;
	s16 =	sadd.s32 $0x2C00, s11;
	[dreg:$0x12] =	wrdreg s23  }
0x17: {  	s21 =	sadd.s32 $0x7C00, s11;
	s22 =	sadd.s32 $0x29E00, s11;
	[dreg:$0x14] =	wrdreg s25  }
0x18: {  	s24 =	smax.u32 s14, $0x1;
	s26 =	sadd.s32 s8, s12;
	[dreg:$0x8] =	wrdreg s13  }
0x19: {  	s25 =	simm.s32 $0x3;
	s14 =	simm.s32 $0x3A98;
	[dreg:$0xa] =	wrdreg s16  }
.Ltmp0:
0x1a: {  	s23 =	simm.s32 $0x88B8;
	[dreg:$0xf] =	wrdreg s21;
	(pc) =	sbr.rel .LBB2_1-.Ltmp0, $4  }
0x1b: {  	s19 =	simm.s32 $0x8CA0;
	s11 =	simm.s32 $0x9470;
	[dreg:$0x10] =	wrdreg s22  }
0x1c: {  	s0 =	simm.s32 $0x0;
	s12 =	simm.s32 $0x8;
	[dreg:$0x13] =	wrdreg s24  }
0x1d: {  	s22 =	simm.s32 $0x9C40;
	[dreg:$0x15] =	wrdreg s26;
	s26 =	simm.s32 $0x4E20  }
0x1e: {  	v0 =	vimm.f32 $0.0e+00;
	s16 =	simm.s32 $0x36B0;
	s24 =	simm.s32 $0x4268;
	s13 =	simm.s32 $0x9858  }
.LBB2_6:
0x1f: {  	v2 =	vld [tilespmem:s5+$0x9C40];
	_ =	sdelay $0x4  }
0x20: {  	v1 =	vadd.f32 v1, v2;
	_ =	sdelay $0x1  }
0x21: {  	s21 =	rddreg [dreg:$0xc];
	v1 =	vmax.f32 v1, $0.0e+00  }
0x22: {  	[tilespmem:s5+$0x9C40] =	vst v1;
	s5 =	rddreg [dreg:$0xd]  }
.LBB2_10:
0x23: {  	s8 =	rddreg [dreg:$0xb]  }
0x24: {  	s9 =	simm.s32 $0x40;
	s8 =	sadd.s32 s8, s21;
	s21 =	simm.s32 $0x10  }
0x25: {  	[hbm4b:s8+s21] =	stream.strided.scatter [tilespmem:s22], [sflag:$0x3], $0x2710, s9, s21, $0x38;
	[tilespmem:$0x19050] =	vst v63  }
0x26: {  	_ =	swait.ge [sflag:s25], $0x2710  }
0x27: {  	[sflag:s25] =	ssyncset.done $0x0  }
0x28: {  	[sflag:s25] =	ssyncadd.s32 $0xFFFFD8F0  }
0x29: {  	[spmem:s10] =	stream.linear.scatter [tilespmem:s22], [sflag:$0x3], $0x2710, $0x38;
	[tilespmem:$0x19050] =	vst v63  }
0x2a: {  	_ =	swait.ge [sflag:s25], $0x2710  }
0x2b: {  	[sflag:s25] =	ssyncset.done $0x0  }
0x2c: {  	[sflag:s25] =	ssyncadd.s32 $0xFFFFD8F0  }
0x2d: {  	s9 =	simm.s32 $0x0;
	[bflag:$0x0] =	sbarrier.arrive $0xFFFF  }
0x2e: {  	[tilespmem:s22], [sflag:$0x1] =	stream.indirect.gather [spmem:s4], $0x10, s9, s29, $0xb8;
	[tilespmem:$0x19050] =	vst v63  }
0x2f: {  	_ = 	snop  }
0x30: {  	[tilespmem:s28], [sflag:$0x1] =	stream.indirect.gather [spmem:s4], $0x10, s29, s29, $0xb8;
	[tilespmem:$0x19050] =	vst v63  }
0x31: {  	_ =	swait.ge [sflag:s30], $0x3E80  }
0x32: {  	[sflag:s30] =	ssyncset.done $0x0  }
0x33: {  	[sflag:s30] =	ssyncadd.s32 $0xFFFFC180  }
0x34: {  	[spmem:s2] =	stream.indirect.scatter.add.f32 [tilespmem:s22], [sflag:$0x2], $0x10, s26, s29, $0xb8;
	[tilespmem:$0x19050] =	vst v63  }
0x35: {  	_ =	swait.ge [sflag:s31], $0x3E80  }
0x36: {  	[sflag:s31] =	ssyncset.done $0x0  }
0x37: {  	s21 =	simm.s32 $0x7D0;
	[sflag:s31] =	ssyncadd.s32 $0xFFFFC180  }
0x38: {  	[tilespmem:s22], [sflag:$0x1] =	stream.indirect.gather [spmem:s4], $0x10, s21, s29, $0xb8;
	[tilespmem:$0x19050] =	vst v63  }
0x39: {  	_ =	swait.ge [sflag:s30], $0x3E80  }
0x3a: {  	[sflag:s30] =	ssyncset.done $0x0  }
0x3b: {  	s9 =	simm.s32 $0x5208;
	[sflag:s30] =	ssyncadd.s32 $0xFFFFC180  }
0x3c: {  	[spmem:s2] =	stream.indirect.scatter.add.f32 [tilespmem:s28], [sflag:$0x2], $0x10, s9, s29, $0xb8;
	[tilespmem:$0x19050] =	vst v63  }
0x3d: {  	_ =	swait.ge [sflag:s31], $0x3E80  }
0x3e: {  	[sflag:s31] =	ssyncset.done $0x0  }
0x3f: {  	s21 =	simm.s32 $0xBB8;
	[sflag:s31] =	ssyncadd.s32 $0xFFFFC180  }
0x40: {  	[tilespmem:s28], [sflag:$0x1] =	stream.indirect.gather [spmem:s4], $0x10, s21, s29, $0xb8;
	[tilespmem:$0x19050] =	vst v63  }
0x41: {  	_ =	swait.ge [sflag:s30], $0x3E80  }
0x42: {  	[sflag:s30] =	ssyncset.done $0x0  }
0x43: {  	s9 =	simm.s32 $0x55F0;
	[sflag:s30] =	ssyncadd.s32 $0xFFFFC180  }
0x44: {  	[spmem:s2] =	stream.indirect.scatter.add.f32 [tilespmem:s22], [sflag:$0x2], $0x10, s9, s29, $0xb8;
	[tilespmem:$0x19050] =	vst v63  }
0x45: {  	_ =	swait.ge [sflag:s31], $0x3E80  }
0x46: {  	[sflag:s31] =	ssyncset.done $0x0  }
0x47: {  	s21 =	simm.s32 $0xFA0;
	[sflag:s31] =	ssyncadd.s32 $0xFFFFC180  }
0x48: {  	[tilespmem:s22], [sflag:$0x1] =	stream.indirect.gather [spmem:s4], $0x10, s21, s29, $0xb8;
	[tilespmem:$0x19050] =	vst v63  }
0x49: {  	_ =	swait.ge [sflag:s30], $0x3E80  }
0x4a: {  	[sflag:s30] =	ssyncset.done $0x0  }
0x4b: {  	s9 =	simm.s32 $0x59D8;
	[sflag:s30] =	ssyncadd.s32 $0xFFFFC180  }
0x4c: {  	[spmem:s2] =	stream.indirect.scatter.add.f32 [tilespmem:s28], [sflag:$0x2], $0x10, s9, s29, $0xb8;
	[tilespmem:$0x19050] =	vst v63  }
0x4d: {  	_ =	swait.ge [sflag:s31], $0x3E80  }
0x4e: {  	[sflag:s31] =	ssyncset.done $0x0  }
0x4f: {  	[sflag:s31] =	ssyncadd.s32 $0xFFFFC180  }
0x50: {  	_ =	swait.ge [sflag:s30], $0x3E80  }
0x51: {  	[sflag:s30] =	ssyncset.done $0x0  }
0x52: {  	s21 =	simm.s32 $0x5DC0;
	[sflag:s30] =	ssyncadd.s32 $0xFFFFC180  }
0x53: {  	[spmem:s2] =	stream.indirect.scatter.add.f32 [tilespmem:s22], [sflag:$0x2], $0x10, s21, s29, $0xb8;
	[tilespmem:$0x19050] =	vst v63  }
0x54: {  	_ =	swait.ge [sflag:s31], $0x3E80  }
0x55: {  	[sflag:s31] =	ssyncset.done $0x0  }
0x56: {  	s9 =	simm.s32 $0x1388;
	[sflag:s31] =	ssyncadd.s32 $0xFFFFC180  }
0x57: {  	[tilespmem:s22], [sflag:$0x1] =	stream.indirect.gather [spmem:s4], $0x10, s9, s29, $0xb8;
	[tilespmem:$0x19050] =	vst v63  }
0x58: {  	s21 =	simm.s32 $0x1770  }
0x59: {  	[tilespmem:s28], [sflag:$0x1] =	stream.indirect.gather [spmem:s4], $0x10, s21, s29, $0xb8;
	[tilespmem:$0x19050] =	vst v63  }
0x5a: {  	_ =	swait.ge [sflag:s30], $0x3E80  }
0x5b: {  	[sflag:s30] =	ssyncset.done $0x0  }
0x5c: {  	s9 =	simm.s32 $0x61A8;
	[sflag:s30] =	ssyncadd.s32 $0xFFFFC180  }
0x5d: {  	[spmem:s2] =	stream.indirect.scatter.add.f32 [tilespmem:s22], [sflag:$0x2], $0x10, s9, s29, $0xb8;
	[tilespmem:$0x19050] =	vst v63  }
0x5e: {  	_ =	swait.ge [sflag:s31], $0x3E80  }
0x5f: {  	[sflag:s31] =	ssyncset.done $0x0  }
0x60: {  	s21 =	simm.s32 $0x1B58;
	[sflag:s31] =	ssyncadd.s32 $0xFFFFC180  }
0x61: {  	[tilespmem:s22], [sflag:$0x1] =	stream.indirect.gather [spmem:s4], $0x10, s21, s29, $0xb8;
	[tilespmem:$0x19050] =	vst v63  }
0x62: {  	_ =	swait.ge [sflag:s30], $0x3E80  }
0x63: {  	[sflag:s30] =	ssyncset.done $0x0  }
0x64: {  	s9 =	simm.s32 $0x6590;
	[sflag:s30] =	ssyncadd.s32 $0xFFFFC180  }
0x65: {  	[spmem:s2] =	stream.indirect.scatter.add.f32 [tilespmem:s28], [sflag:$0x2], $0x10, s9, s29, $0xb8;
	[tilespmem:$0x19050] =	vst v63  }
0x66: {  	_ =	swait.ge [sflag:s31], $0x3E80  }
0x67: {  	[sflag:s31] =	ssyncset.done $0x0  }
0x68: {  	s21 =	simm.s32 $0x1F40;
	[sflag:s31] =	ssyncadd.s32 $0xFFFFC180  }
0x69: {  	[tilespmem:s28], [sflag:$0x1] =	stream.indirect.gather [spmem:s4], $0x10, s21, s29, $0xb8;
	[tilespmem:$0x19050] =	vst v63  }
0x6a: {  	_ =	swait.ge [sflag:s30], $0x3E80  }
0x6b: {  	[sflag:s30] =	ssyncset.done $0x0  }
0x6c: {  	s9 =	simm.s32 $0x6978;
	[sflag:s30] =	ssyncadd.s32 $0xFFFFC180  }
0x6d: {  	[spmem:s2] =	stream.indirect.scatter.add.f32 [tilespmem:s22], [sflag:$0x2], $0x10, s9, s29, $0xb8;
	[tilespmem:$0x19050] =	vst v63  }
0x6e: {  	_ =	swait.ge [sflag:s31], $0x3E80  }
0x6f: {  	[sflag:s31] =	ssyncset.done $0x0  }
0x70: {  	s21 =	simm.s32 $0x2328;
	[sflag:s31] =	ssyncadd.s32 $0xFFFFC180  }
0x71: {  	[tilespmem:s22], [sflag:$0x1] =	stream.indirect.gather [spmem:s4], $0x10, s21, s29, $0xb8;
	[tilespmem:$0x19050] =	vst v63  }
0x72: {  	_ =	swait.ge [sflag:s30], $0x3E80  }
0x73: {  	[sflag:s30] =	ssyncset.done $0x0  }
0x74: {  	s9 =	simm.s32 $0x6D60;
	[sflag:s30] =	ssyncadd.s32 $0xFFFFC180  }
0x75: {  	[spmem:s2] =	stream.indirect.scatter.add.f32 [tilespmem:s28], [sflag:$0x2], $0x10, s9, s29, $0xb8;
	[tilespmem:$0x19050] =	vst v63  }
0x76: {  	_ =	swait.ge [sflag:s31], $0x3E80  }
0x77: {  	[sflag:s31] =	ssyncset.done $0x0  }
0x78: {  	[sflag:s31] =	ssyncadd.s32 $0xFFFFC180  }
0x79: {  	_ =	swait.ge [sflag:s30], $0x3E80  }
0x7a: {  	[sflag:s30] =	ssyncset.done $0x0  }
0x7b: {  	s21 =	simm.s32 $0x7148;
	[sflag:s30] =	ssyncadd.s32 $0xFFFFC180  }
0x7c: {  	[spmem:s2] =	stream.indirect.scatter.add.f32 [tilespmem:s22], [sflag:$0x2], $0x10, s21, s29, $0xb8;
	[tilespmem:$0x19050] =	vst v63  }
0x7d: {  	_ =	swait.ge [sflag:s31], $0x3E80  }
0x7e: {  	[sflag:s31] =	ssyncset.done $0x0  }
0x7f: {  	s9 =	simm.s32 $0x2710;
	[sflag:s31] =	ssyncadd.s32 $0xFFFFC180  }
0x80: {  	[tilespmem:s22], [sflag:$0x1] =	stream.indirect.gather [spmem:s4], $0x10, s9, s29, $0xb8;
	[tilespmem:$0x19050] =	vst v63  }
0x81: {  	s21 =	simm.s32 $0x2AF8  }
0x82: {  	[tilespmem:s28], [sflag:$0x1] =	stream.indirect.gather [spmem:s4], $0x10, s21, s29, $0xb8;
	[tilespmem:$0x19050] =	vst v63  }
0x83: {  	_ =	swait.ge [sflag:s30], $0x3E80  }
0x84: {  	[sflag:s30] =	ssyncset.done $0x0  }
0x85: {  	s9 =	simm.s32 $0x7530;
	[sflag:s30] =	ssyncadd.s32 $0xFFFFC180  }
0x86: {  	[spmem:s2] =	stream.indirect.scatter.add.f32 [tilespmem:s22], [sflag:$0x2], $0x10, s9, s29, $0xb8;
	[tilespmem:$0x19050] =	vst v63  }
0x87: {  	_ =	swait.ge [sflag:s31], $0x3E80  }
0x88: {  	[sflag:s31] =	ssyncset.done $0x0  }
0x89: {  	s21 =	simm.s32 $0x2EE0;
	[sflag:s31] =	ssyncadd.s32 $0xFFFFC180  }
0x8a: {  	[tilespmem:s22], [sflag:$0x1] =	stream.indirect.gather [spmem:s4], $0x10, s21, s29, $0xb8;
	[tilespmem:$0x19050] =	vst v63  }
0x8b: {  	_ =	swait.ge [sflag:s30], $0x3E80  }
0x8c: {  	[sflag:s30] =	ssyncset.done $0x0  }
0x8d: {  	s9 =	simm.s32 $0x7918;
	[sflag:s30] =	ssyncadd.s32 $0xFFFFC180  }
0x8e: {  	[spmem:s2] =	stream.indirect.scatter.add.f32 [tilespmem:s28], [sflag:$0x2], $0x10, s9, s29, $0xb8;
	[tilespmem:$0x19050] =	vst v63  }
0x8f: {  	_ =	swait.ge [sflag:s31], $0x3E80  }
0x90: {  	[sflag:s31] =	ssyncset.done $0x0  }
0x91: {  	s9 =	simm.s32 $0x32C8;
	[sflag:s31] =	ssyncadd.s32 $0xFFFFC180  }
0x92: {  	[tilespmem:s28], [sflag:$0x1] =	stream.indirect.gather [spmem:s4], $0x10, s9, s29, $0xb8;
	[tilespmem:$0x19050] =	vst v63  }
0x93: {  	_ =	swait.ge [sflag:s30], $0x3E80  }
0x94: {  	[sflag:s30] =	ssyncset.done $0x0  }
0x95: {  	s21 =	simm.s32 $0x7D00;
	[sflag:s30] =	ssyncadd.s32 $0xFFFFC180  }
0x96: {  	[spmem:s2] =	stream.indirect.scatter.add.f32 [tilespmem:s22], [sflag:$0x2], $0x10, s21, s29, $0xb8;
	[tilespmem:$0x19050] =	vst v63  }
0x97: {  	_ =	swait.ge [sflag:s31], $0x3E80  }
0x98: {  	[sflag:s31] =	ssyncset.done $0x0  }
0x99: {  	[sflag:s31] =	ssyncadd.s32 $0xFFFFC180  }
0x9a: {  	[tilespmem:s22], [sflag:$0x1] =	stream.indirect.gather [spmem:s4], $0x10, s16, s29, $0xb8;
	[tilespmem:$0x19050] =	vst v63  }
0x9b: {  	_ =	swait.ge [sflag:s30], $0x3E80  }
0x9c: {  	[sflag:s30] =	ssyncset.done $0x0  }
0x9d: {  	[sflag:s30] =	ssyncadd.s32 $0xFFFFC180  }
0x9e: {  	[spmem:s2] =	stream.indirect.scatter.add.f32 [tilespmem:s28], [sflag:$0x2], $0x10, s17, s29, $0xb8;
	[tilespmem:$0x19050] =	vst v63  }
0x9f: {  	_ =	swait.ge [sflag:s31], $0x3E80  }
0xa0: {  	[sflag:s31] =	ssyncset.done $0x0  }
0xa1: {  	[sflag:s31] =	ssyncadd.s32 $0xFFFFC180  }
0xa2: {  	_ =	swait.ge [sflag:s30], $0x3E80  }
0xa3: {  	[sflag:s30] =	ssyncset.done $0x0  }
0xa4: {  	[sflag:s30] =	ssyncadd.s32 $0xFFFFC180  }
0xa5: {  	[spmem:s2] =	stream.indirect.scatter.add.f32 [tilespmem:s22], [sflag:$0x2], $0x10, s18, s29, $0xb8;
	[tilespmem:$0x19050] =	vst v63  }
0xa6: {  	_ =	swait.ge [sflag:s31], $0x3E80  }
0xa7: {  	[sflag:s31] =	ssyncset.done $0x0  }
0xa8: {  	[sflag:s31] =	ssyncadd.s32 $0xFFFFC180  }
0xa9: {  	[tilespmem:s22], [sflag:$0x1] =	stream.indirect.gather [spmem:s4], $0x10, s14, s29, $0xb8;
	[tilespmem:$0x19050] =	vst v63  }
0xaa: {  	_ = 	snop  }
0xab: {  	[tilespmem:s28], [sflag:$0x1] =	stream.indirect.gather [spmem:s4], $0x10, s15, s29, $0xb8;
	[tilespmem:$0x19050] =	vst v63  }
0xac: {  	_ =	swait.ge [sflag:s30], $0x3E80  }
0xad: {  	[sflag:s30] =	ssyncset.done $0x0  }
0xae: {  	[sflag:s30] =	ssyncadd.s32 $0xFFFFC180  }
0xaf: {  	[spmem:s2] =	stream.indirect.scatter.add.f32 [tilespmem:s22], [sflag:$0x2], $0x10, s23, s29, $0xb8;
	[tilespmem:$0x19050] =	vst v63  }
0xb0: {  	_ =	swait.ge [sflag:s31], $0x3E80  }
0xb1: {  	[sflag:s31] =	ssyncset.done $0x0  }
0xb2: {  	[sflag:s31] =	ssyncadd.s32 $0xFFFFC180  }
0xb3: {  	[tilespmem:s22], [sflag:$0x1] =	stream.indirect.gather [spmem:s4], $0x10, s24, s29, $0xb8;
	[tilespmem:$0x19050] =	vst v63  }
0xb4: {  	_ =	swait.ge [sflag:s30], $0x3E80  }
0xb5: {  	[sflag:s30] =	ssyncset.done $0x0  }
0xb6: {  	[sflag:s30] =	ssyncadd.s32 $0xFFFFC180  }
0xb7: {  	[spmem:s2] =	stream.indirect.scatter.add.f32 [tilespmem:s28], [sflag:$0x2], $0x10, s19, s29, $0xb8;
	[tilespmem:$0x19050] =	vst v63  }
0xb8: {  	_ =	swait.ge [sflag:s31], $0x3E80  }
0xb9: {  	[sflag:s31] =	ssyncset.done $0x0  }
0xba: {  	[sflag:s31] =	ssyncadd.s32 $0xFFFFC180  }
0xbb: {  	[tilespmem:s28], [sflag:$0x1] =	stream.indirect.gather [spmem:s4], $0x10, s20, s29, $0xb8;
	[tilespmem:$0x19050] =	vst v63  }
0xbc: {  	_ =	swait.ge [sflag:s30], $0x3E80  }
0xbd: {  	[sflag:s30] =	ssyncset.done $0x0  }
0xbe: {  	[sflag:s30] =	ssyncadd.s32 $0xFFFFC180  }
0xbf: {  	[spmem:s2] =	stream.indirect.scatter.add.f32 [tilespmem:s22], [sflag:$0x2], $0x10, s3, s29, $0xb8;
	[tilespmem:$0x19050] =	vst v63  }
0xc0: {  	_ =	swait.ge [sflag:s31], $0x3E80  }
0xc1: {  	[sflag:s31] =	ssyncset.done $0x0  }
0xc2: {  	[sflag:s31] =	ssyncadd.s32 $0xFFFFC180  }
0xc3: {  	[tilespmem:s22], [sflag:$0x1] =	stream.indirect.gather [spmem:s4], $0x10, s6, s29, $0xb8;
	[tilespmem:$0x19050] =	vst v63  }
0xc4: {  	_ =	swait.ge [sflag:s30], $0x3E80  }
0xc5: {  	[sflag:s30] =	ssyncset.done $0x0  }
0xc6: {  	[sflag:s30] =	ssyncadd.s32 $0xFFFFC180  }
0xc7: {  	[spmem:s2] =	stream.indirect.scatter.add.f32 [tilespmem:s28], [sflag:$0x2], $0x10, s11, s29, $0xb8;
	[tilespmem:$0x19050] =	vst v63  }
0xc8: {  	_ =	swait.ge [sflag:s31], $0x3E80  }
0xc9: {  	[sflag:s31] =	ssyncset.done $0x0  }
0xca: {  	[sflag:s31] =	ssyncadd.s32 $0xFFFFC180  }
0xcb: {  	_ =	swait.ge [sflag:s30], $0x3E80  }
0xcc: {  	[sflag:s30] =	ssyncset.done $0x0  }
0xcd: {  	[sflag:s30] =	ssyncadd.s32 $0xFFFFC180  }
0xce: {  	[spmem:s2] =	stream.indirect.scatter.add.f32 [tilespmem:s22], [sflag:$0x2], $0x10, s13, s29, $0xb8;
	[tilespmem:$0x19050] =	vst v63  }
0xcf: {  	_ =	swait.ge [sflag:s31], $0x3E80  }
0xd0: {  	s21 =	stileid.u32;
	[sflag:s31] =	ssyncset.done $0x0  }
0xd1: {  	s8 =	sshll.u32 s21, $0x6;
	[sflag:s31] =	ssyncadd.s32 $0xFFFFC180  }
0xd2: {  	s21 =	sshrl.u32 s7, $0x3;
	s8 =	sor.u32 $0x1C03, s8;
	[bflag:$0x0] =	sbarrier.arrive $0xFFFF  }
0xd3: {  	[hbm:s5@s12], [sflag:s8] =	dma.strided [spmem:s21@s31], $0x500, s30, $0x2   }
0xd4: {  	_ =	swait.ge [sflag:s25], $0x500  }
0xd5: {  	s0 =	sadd.s32 $0x1, s0;
	s21 =	rddreg [dreg:$0x13]  }
0xd6: {  	p1 =	sne.s32 s0, s21  }
.Ltmp1:
0xd7: {  	_ = 	snop;
	(pc) =	sbr.rel @!p1 .LBB2_11-.Ltmp1, $3  }
0xd8: {  	_ =	sdelay $0x1  }
0xd9: {  	[sflag:s25] =	ssyncset.done $0x0  }
0xda: {  	[sflag:s25] =	ssyncadd.s32 $0xFFFFFB00  }
.LBB2_1:
0xdb: {  	s5 =	simm.s32 $0x40;
	s21 =	simm.s32 $0x0  }
.LBB2_2:
0xdc: {  	p1 =	sne.s32 s5, $0x9FC0;
	[tilespmem:s21+$0x9C40] =	vst v0;
	s21 =	smov.u32 s5;
	s5 =	sadd.s32 $0x40, s5  }
.Ltmp2:
0xdd: {  	(pc) =	sbr.rel @p1 .LBB2_2-.Ltmp2, $2  }
0xde: {  	_ =	sdelay $0x2  }
0xdf: {  	s21 =	sshra.s32 s21, $0x2  }
0xe0: {  	[tilespmem:s21+$0x9C40] =	vst v0;
	s5 =	rddreg [dreg:$0x6]  }
0xe1: {  	[spmem:s5] =	stream.linear.scatter [tilespmem:s22], [sflag:$0x3], $0x2800, $0x38;
	[tilespmem:$0x19050] =	vst v63  }
0xe2: {  	_ =	swait.ge [sflag:s25], $0x2800  }
0xe3: {  	[sflag:s25] =	ssyncset.done $0x0  }
0xe4: {  	[sflag:s25] =	ssyncadd.s32 $0xFFFFD800  }
0xe5: {  	[spmem:s7] =	stream.linear.scatter [tilespmem:s22], [sflag:$0x3], $0x2800, $0x38;
	[tilespmem:$0x19050] =	vst v63  }
.Ltmp3:
0xe6: {  	_ =	swait.ge [sflag:s25], $0x2800;
	(pc) =	sbr.rel @!p0 .LBB2_4-.Ltmp3, $4  }
0xe7: {  	[sflag:s25] =	ssyncset.done $0x0  }
0xe8: {  	[sflag:s25] =	ssyncadd.s32 $0xFFFFD800  }
0xe9: {  	[bflag:$0x0] =	sbarrier.arrive $0xFFFF  }
0xea: {  	s5 =	simm.s32 $0x0  }
0xeb: {  	s8 =	rddreg [dreg:$0xe]  }
0xec: {  	[tilespmem:s5], [sflag:$0x3] =	stream.linear.gather [hbm4b:s8+s5], $0x4E20, $0x38;
	[tilespmem:$0x19050] =	vst v63  }
0xed: {  	_ =	swait.ge [sflag:s25], $0x4E20  }
0xee: {  	[sflag:s25] =	ssyncset.done $0x0  }
0xef: {  	s21 =	rddreg [dreg:$0x14];
	[sflag:s25] =	ssyncadd.s32 $0xFFFFB1E0  }
0xf0: {  	[tilespmem:s26], [sflag:$0x3] =	stream.linear.gather [hbm4b:s21+s5], $0x4E20, $0x38;
	[tilespmem:$0x19050] =	vst v63  }
0xf1: {  	_ =	swait.ge [sflag:s25], $0x4E20  }
0xf2: {  	[sflag:s25] =	ssyncset.done $0x0  }
0xf3: {  	s21 =	rddreg [dreg:$0xf];
	[sflag:s25] =	ssyncadd.s32 $0xFFFFB1E0  }
0xf4: {  	[tilespmem:s28], [sflag:$0x3] =	stream.linear.gather [hbm4b:s21+s5], $0x2710, $0x38;
	[tilespmem:$0x19050] =	vst v63  }
0xf5: {  	_ =	swait.ge [sflag:s25], $0x2710  }
0xf6: {  	[sflag:s25] =	ssyncset.done $0x0  }
0xf7: {  	[sflag:s25] =	ssyncadd.s32 $0xFFFFD8F0  }
0xf8: {  	[spmem:s10] =	stream.linear.scatter [tilespmem:s28], [sflag:$0x3], $0x2710, $0x38;
	[tilespmem:$0x19050] =	vst v63  }
0xf9: {  	_ =	swait.ge [sflag:s25], $0x2710  }
0xfa: {  	[sflag:s25] =	ssyncset.done $0x0  }
0xfb: {  	[sflag:s25] =	ssyncadd.s32 $0xFFFFD8F0  }
0xfc: {  	[bflag:$0x0] =	sbarrier.arrive $0xFFFF  }
0xfd: {  	[tilespmem:s22], [sflag:$0x1] =	stream.indirect.gather [spmem:s4], $0x10, s5, s29, $0xb8;
	[tilespmem:$0x19050] =	vst v63  }
0xfe: {  	_ = 	snop  }
0xff: {  	[tilespmem:s28], [sflag:$0x1] =	stream.indirect.gather [spmem:s4], $0x10, s29, s29, $0xb8;
	[tilespmem:$0x19050] =	vst v63  }
0x100: {  	_ =	swait.ge [sflag:s30], $0x3E80  }
0x101: {  	[sflag:s30] =	ssyncset.done $0x0  }
0x102: {  	[sflag:s30] =	ssyncadd.s32 $0xFFFFC180  }
0x103: {  	[spmem:s1] =	stream.indirect.scatter.add.f32 [tilespmem:s22], [sflag:$0x2], $0x10, s26, s29, $0xb8;
	[tilespmem:$0x19050] =	vst v63  }
0x104: {  	_ =	swait.ge [sflag:s31], $0x3E80  }
0x105: {  	[sflag:s31] =	ssyncset.done $0x0  }
0x106: {  	s21 =	simm.s32 $0x7D0;
	[sflag:s31] =	ssyncadd.s32 $0xFFFFC180  }
0x107: {  	[tilespmem:s22], [sflag:$0x1] =	stream.indirect.gather [spmem:s4], $0x10, s21, s29, $0xb8;
	[tilespmem:$0x19050] =	vst v63  }
0x108: {  	_ =	swait.ge [sflag:s30], $0x3E80  }
0x109: {  	[sflag:s30] =	ssyncset.done $0x0  }
0x10a: {  	s21 =	simm.s32 $0x5208;
	[sflag:s30] =	ssyncadd.s32 $0xFFFFC180  }
0x10b: {  	[spmem:s1] =	stream.indirect.scatter.add.f32 [tilespmem:s28], [sflag:$0x2], $0x10, s21, s29, $0xb8;
	[tilespmem:$0x19050] =	vst v63  }
0x10c: {  	_ =	swait.ge [sflag:s31], $0x3E80  }
0x10d: {  	[sflag:s31] =	ssyncset.done $0x0  }
0x10e: {  	s21 =	simm.s32 $0xBB8;
	[sflag:s31] =	ssyncadd.s32 $0xFFFFC180  }
0x10f: {  	[tilespmem:s28], [sflag:$0x1] =	stream.indirect.gather [spmem:s4], $0x10, s21, s29, $0xb8;
	[tilespmem:$0x19050] =	vst v63  }
0x110: {  	_ =	swait.ge [sflag:s30], $0x3E80  }
0x111: {  	[sflag:s30] =	ssyncset.done $0x0  }
0x112: {  	s21 =	simm.s32 $0x55F0;
	[sflag:s30] =	ssyncadd.s32 $0xFFFFC180  }
0x113: {  	[spmem:s1] =	stream.indirect.scatter.add.f32 [tilespmem:s22], [sflag:$0x2], $0x10, s21, s29, $0xb8;
	[tilespmem:$0x19050] =	vst v63  }
0x114: {  	_ =	swait.ge [sflag:s31], $0x3E80  }
0x115: {  	[sflag:s31] =	ssyncset.done $0x0  }
0x116: {  	s21 =	simm.s32 $0xFA0;
	[sflag:s31] =	ssyncadd.s32 $0xFFFFC180  }
0x117: {  	[tilespmem:s22], [sflag:$0x1] =	stream.indirect.gather [spmem:s4], $0x10, s21, s29, $0xb8;
	[tilespmem:$0x19050] =	vst v63  }
0x118: {  	_ =	swait.ge [sflag:s30], $0x3E80  }
0x119: {  	[sflag:s30] =	ssyncset.done $0x0  }
0x11a: {  	s21 =	simm.s32 $0x59D8;
	[sflag:s30] =	ssyncadd.s32 $0xFFFFC180  }
0x11b: {  	[spmem:s1] =	stream.indirect.scatter.add.f32 [tilespmem:s28], [sflag:$0x2], $0x10, s21, s29, $0xb8;
	[tilespmem:$0x19050] =	vst v63  }
0x11c: {  	_ =	swait.ge [sflag:s31], $0x3E80  }
0x11d: {  	[sflag:s31] =	ssyncset.done $0x0  }
0x11e: {  	[sflag:s31] =	ssyncadd.s32 $0xFFFFC180  }
0x11f: {  	_ =	swait.ge [sflag:s30], $0x3E80  }
0x120: {  	[sflag:s30] =	ssyncset.done $0x0  }
0x121: {  	s21 =	simm.s32 $0x5DC0;
	[sflag:s30] =	ssyncadd.s32 $0xFFFFC180  }
0x122: {  	[spmem:s1] =	stream.indirect.scatter.add.f32 [tilespmem:s22], [sflag:$0x2], $0x10, s21, s29, $0xb8;
	[tilespmem:$0x19050] =	vst v63  }
0x123: {  	_ =	swait.ge [sflag:s31], $0x3E80  }
0x124: {  	[sflag:s31] =	ssyncset.done $0x0  }
0x125: {  	s21 =	simm.s32 $0x1388;
	[sflag:s31] =	ssyncadd.s32 $0xFFFFC180  }
0x126: {  	[tilespmem:s22], [sflag:$0x1] =	stream.indirect.gather [spmem:s4], $0x10, s21, s29, $0xb8;
	[tilespmem:$0x19050] =	vst v63  }
0x127: {  	s21 =	simm.s32 $0x1770  }
0x128: {  	[tilespmem:s28], [sflag:$0x1] =	stream.indirect.gather [spmem:s4], $0x10, s21, s29, $0xb8;
	[tilespmem:$0x19050] =	vst v63  }
0x129: {  	_ =	swait.ge [sflag:s30], $0x3E80  }
0x12a: {  	[sflag:s30] =	ssyncset.done $0x0  }
0x12b: {  	s21 =	simm.s32 $0x61A8;
	[sflag:s30] =	ssyncadd.s32 $0xFFFFC180  }
0x12c: {  	[spmem:s1] =	stream.indirect.scatter.add.f32 [tilespmem:s22], [sflag:$0x2], $0x10, s21, s29, $0xb8;
	[tilespmem:$0x19050] =	vst v63  }
0x12d: {  	_ =	swait.ge [sflag:s31], $0x3E80  }
0x12e: {  	[sflag:s31] =	ssyncset.done $0x0  }
0x12f: {  	s21 =	simm.s32 $0x1B58;
	[sflag:s31] =	ssyncadd.s32 $0xFFFFC180  }
0x130: {  	[tilespmem:s22], [sflag:$0x1] =	stream.indirect.gather [spmem:s4], $0x10, s21, s29, $0xb8;
	[tilespmem:$0x19050] =	vst v63  }
0x131: {  	_ =	swait.ge [sflag:s30], $0x3E80  }
0x132: {  	[sflag:s30] =	ssyncset.done $0x0  }
0x133: {  	s21 =	simm.s32 $0x6590;
	[sflag:s30] =	ssyncadd.s32 $0xFFFFC180  }
0x134: {  	[spmem:s1] =	stream.indirect.scatter.add.f32 [tilespmem:s28], [sflag:$0x2], $0x10, s21, s29, $0xb8;
	[tilespmem:$0x19050] =	vst v63  }
0x135: {  	_ =	swait.ge [sflag:s31], $0x3E80  }
0x136: {  	[sflag:s31] =	ssyncset.done $0x0  }
0x137: {  	s21 =	simm.s32 $0x1F40;
	[sflag:s31] =	ssyncadd.s32 $0xFFFFC180  }
0x138: {  	[tilespmem:s28], [sflag:$0x1] =	stream.indirect.gather [spmem:s4], $0x10, s21, s29, $0xb8;
	[tilespmem:$0x19050] =	vst v63  }
0x139: {  	_ =	swait.ge [sflag:s30], $0x3E80  }
0x13a: {  	[sflag:s30] =	ssyncset.done $0x0  }
0x13b: {  	s21 =	simm.s32 $0x6978;
	[sflag:s30] =	ssyncadd.s32 $0xFFFFC180  }
0x13c: {  	[spmem:s1] =	stream.indirect.scatter.add.f32 [tilespmem:s22], [sflag:$0x2], $0x10, s21, s29, $0xb8;
	[tilespmem:$0x19050] =	vst v63  }
0x13d: {  	_ =	swait.ge [sflag:s31], $0x3E80  }
0x13e: {  	[sflag:s31] =	ssyncset.done $0x0  }
0x13f: {  	s21 =	simm.s32 $0x2328;
	[sflag:s31] =	ssyncadd.s32 $0xFFFFC180  }
0x140: {  	[tilespmem:s22], [sflag:$0x1] =	stream.indirect.gather [spmem:s4], $0x10, s21, s29, $0xb8;
	[tilespmem:$0x19050] =	vst v63  }
0x141: {  	_ =	swait.ge [sflag:s30], $0x3E80  }
0x142: {  	[sflag:s30] =	ssyncset.done $0x0  }
0x143: {  	s21 =	simm.s32 $0x6D60;
	[sflag:s30] =	ssyncadd.s32 $0xFFFFC180  }
0x144: {  	[spmem:s1] =	stream.indirect.scatter.add.f32 [tilespmem:s28], [sflag:$0x2], $0x10, s21, s29, $0xb8;
	[tilespmem:$0x19050] =	vst v63  }
0x145: {  	_ =	swait.ge [sflag:s31], $0x3E80  }
0x146: {  	[sflag:s31] =	ssyncset.done $0x0  }
0x147: {  	[sflag:s31] =	ssyncadd.s32 $0xFFFFC180  }
0x148: {  	_ =	swait.ge [sflag:s30], $0x3E80  }
0x149: {  	[sflag:s30] =	ssyncset.done $0x0  }
0x14a: {  	s21 =	simm.s32 $0x7148;
	[sflag:s30] =	ssyncadd.s32 $0xFFFFC180  }
0x14b: {  	[spmem:s1] =	stream.indirect.scatter.add.f32 [tilespmem:s22], [sflag:$0x2], $0x10, s21, s29, $0xb8;
	[tilespmem:$0x19050] =	vst v63  }
0x14c: {  	_ =	swait.ge [sflag:s31], $0x3E80  }
0x14d: {  	[sflag:s31] =	ssyncset.done $0x0  }
0x14e: {  	s21 =	simm.s32 $0x2710;
	[sflag:s31] =	ssyncadd.s32 $0xFFFFC180  }
0x14f: {  	[tilespmem:s22], [sflag:$0x1] =	stream.indirect.gather [spmem:s4], $0x10, s21, s29, $0xb8;
	[tilespmem:$0x19050] =	vst v63  }
0x150: {  	s21 =	simm.s32 $0x2AF8  }
0x151: {  	[tilespmem:s28], [sflag:$0x1] =	stream.indirect.gather [spmem:s4], $0x10, s21, s29, $0xb8;
	[tilespmem:$0x19050] =	vst v63  }
0x152: {  	_ =	swait.ge [sflag:s30], $0x3E80  }
0x153: {  	[sflag:s30] =	ssyncset.done $0x0  }
0x154: {  	s21 =	simm.s32 $0x7530;
	[sflag:s30] =	ssyncadd.s32 $0xFFFFC180  }
0x155: {  	[spmem:s1] =	stream.indirect.scatter.add.f32 [tilespmem:s22], [sflag:$0x2], $0x10, s21, s29, $0xb8;
	[tilespmem:$0x19050] =	vst v63  }
0x156: {  	_ =	swait.ge [sflag:s31], $0x3E80  }
0x157: {  	[sflag:s31] =	ssyncset.done $0x0  }
0x158: {  	s21 =	simm.s32 $0x2EE0;
	[sflag:s31] =	ssyncadd.s32 $0xFFFFC180  }
0x159: {  	[tilespmem:s22], [sflag:$0x1] =	stream.indirect.gather [spmem:s4], $0x10, s21, s29, $0xb8;
	[tilespmem:$0x19050] =	vst v63  }
0x15a: {  	_ =	swait.ge [sflag:s30], $0x3E80  }
0x15b: {  	[sflag:s30] =	ssyncset.done $0x0  }
0x15c: {  	s21 =	simm.s32 $0x7918;
	[sflag:s30] =	ssyncadd.s32 $0xFFFFC180  }
0x15d: {  	[spmem:s1] =	stream.indirect.scatter.add.f32 [tilespmem:s28], [sflag:$0x2], $0x10, s21, s29, $0xb8;
	[tilespmem:$0x19050] =	vst v63  }
0x15e: {  	_ =	swait.ge [sflag:s31], $0x3E80  }
0x15f: {  	[sflag:s31] =	ssyncset.done $0x0  }
0x160: {  	[sflag:s31] =	ssyncadd.s32 $0xFFFFC180  }
0x161: {  	[tilespmem:s28], [sflag:$0x1] =	stream.indirect.gather [spmem:s4], $0x10, s9, s29, $0xb8;
	[tilespmem:$0x19050] =	vst v63  }
0x162: {  	_ =	swait.ge [sflag:s30], $0x3E80  }
0x163: {  	[sflag:s30] =	ssyncset.done $0x0  }
0x164: {  	s21 =	simm.s32 $0x7D00;
	[sflag:s30] =	ssyncadd.s32 $0xFFFFC180  }
0x165: {  	[spmem:s1] =	stream.indirect.scatter.add.f32 [tilespmem:s22], [sflag:$0x2], $0x10, s21, s29, $0xb8;
	[tilespmem:$0x19050] =	vst v63  }
0x166: {  	_ =	swait.ge [sflag:s31], $0x3E80  }
0x167: {  	[sflag:s31] =	ssyncset.done $0x0  }
0x168: {  	[sflag:s31] =	ssyncadd.s32 $0xFFFFC180  }
0x169: {  	[tilespmem:s22], [sflag:$0x1] =	stream.indirect.gather [spmem:s4], $0x10, s16, s29, $0xb8;
	[tilespmem:$0x19050] =	vst v63  }
0x16a: {  	_ =	swait.ge [sflag:s30], $0x3E80  }
0x16b: {  	[sflag:s30] =	ssyncset.done $0x0  }
0x16c: {  	[sflag:s30] =	ssyncadd.s32 $0xFFFFC180  }
0x16d: {  	[spmem:s1] =	stream.indirect.scatter.add.f32 [tilespmem:s28], [sflag:$0x2], $0x10, s17, s29, $0xb8;
	[tilespmem:$0x19050] =	vst v63  }
0x16e: {  	_ =	swait.ge [sflag:s31], $0x3E80  }
0x16f: {  	[sflag:s31] =	ssyncset.done $0x0  }
0x170: {  	[sflag:s31] =	ssyncadd.s32 $0xFFFFC180  }
0x171: {  	_ =	swait.ge [sflag:s30], $0x3E80  }
0x172: {  	[sflag:s30] =	ssyncset.done $0x0  }
0x173: {  	[sflag:s30] =	ssyncadd.s32 $0xFFFFC180  }
0x174: {  	[spmem:s1] =	stream.indirect.scatter.add.f32 [tilespmem:s22], [sflag:$0x2], $0x10, s18, s29, $0xb8;
	[tilespmem:$0x19050] =	vst v63  }
0x175: {  	_ =	swait.ge [sflag:s31], $0x3E80  }
0x176: {  	[sflag:s31] =	ssyncset.done $0x0  }
0x177: {  	[sflag:s31] =	ssyncadd.s32 $0xFFFFC180  }
0x178: {  	[tilespmem:s22], [sflag:$0x1] =	stream.indirect.gather [spmem:s4], $0x10, s14, s29, $0xb8;
	[tilespmem:$0x19050] =	vst v63  }
0x179: {  	_ = 	snop  }
0x17a: {  	[tilespmem:s28], [sflag:$0x1] =	stream.indirect.gather [spmem:s4], $0x10, s15, s29, $0xb8;
	[tilespmem:$0x19050] =	vst v63  }
0x17b: {  	_ =	swait.ge [sflag:s30], $0x3E80  }
0x17c: {  	[sflag:s30] =	ssyncset.done $0x0  }
0x17d: {  	[sflag:s30] =	ssyncadd.s32 $0xFFFFC180  }
0x17e: {  	[spmem:s1] =	stream.indirect.scatter.add.f32 [tilespmem:s22], [sflag:$0x2], $0x10, s23, s29, $0xb8;
	[tilespmem:$0x19050] =	vst v63  }
0x17f: {  	_ =	swait.ge [sflag:s31], $0x3E80  }
0x180: {  	[sflag:s31] =	ssyncset.done $0x0  }
0x181: {  	[sflag:s31] =	ssyncadd.s32 $0xFFFFC180  }
0x182: {  	[tilespmem:s22], [sflag:$0x1] =	stream.indirect.gather [spmem:s4], $0x10, s24, s29, $0xb8;
	[tilespmem:$0x19050] =	vst v63  }
0x183: {  	_ =	swait.ge [sflag:s30], $0x3E80  }
0x184: {  	[sflag:s30] =	ssyncset.done $0x0  }
0x185: {  	[sflag:s30] =	ssyncadd.s32 $0xFFFFC180  }
0x186: {  	[spmem:s1] =	stream.indirect.scatter.add.f32 [tilespmem:s28], [sflag:$0x2], $0x10, s19, s29, $0xb8;
	[tilespmem:$0x19050] =	vst v63  }
0x187: {  	_ =	swait.ge [sflag:s31], $0x3E80  }
0x188: {  	[sflag:s31] =	ssyncset.done $0x0  }
0x189: {  	[sflag:s31] =	ssyncadd.s32 $0xFFFFC180  }
0x18a: {  	[tilespmem:s28], [sflag:$0x1] =	stream.indirect.gather [spmem:s4], $0x10, s20, s29, $0xb8;
	[tilespmem:$0x19050] =	vst v63  }
0x18b: {  	_ =	swait.ge [sflag:s30], $0x3E80  }
0x18c: {  	[sflag:s30] =	ssyncset.done $0x0  }
0x18d: {  	[sflag:s30] =	ssyncadd.s32 $0xFFFFC180  }
0x18e: {  	[spmem:s1] =	stream.indirect.scatter.add.f32 [tilespmem:s22], [sflag:$0x2], $0x10, s3, s29, $0xb8;
	[tilespmem:$0x19050] =	vst v63  }
0x18f: {  	_ =	swait.ge [sflag:s31], $0x3E80  }
0x190: {  	[sflag:s31] =	ssyncset.done $0x0  }
0x191: {  	[sflag:s31] =	ssyncadd.s32 $0xFFFFC180  }
0x192: {  	[tilespmem:s22], [sflag:$0x1] =	stream.indirect.gather [spmem:s4], $0x10, s6, s29, $0xb8;
	[tilespmem:$0x19050] =	vst v63  }
0x193: {  	_ =	swait.ge [sflag:s30], $0x3E80  }
0x194: {  	[sflag:s30] =	ssyncset.done $0x0  }
0x195: {  	[sflag:s30] =	ssyncadd.s32 $0xFFFFC180  }
0x196: {  	[spmem:s1] =	stream.indirect.scatter.add.f32 [tilespmem:s28], [sflag:$0x2], $0x10, s11, s29, $0xb8;
	[tilespmem:$0x19050] =	vst v63  }
0x197: {  	_ =	swait.ge [sflag:s31], $0x3E80  }
0x198: {  	[sflag:s31] =	ssyncset.done $0x0  }
0x199: {  	[sflag:s31] =	ssyncadd.s32 $0xFFFFC180  }
0x19a: {  	_ =	swait.ge [sflag:s30], $0x3E80  }
0x19b: {  	[sflag:s30] =	ssyncset.done $0x0  }
0x19c: {  	[sflag:s30] =	ssyncadd.s32 $0xFFFFC180  }
0x19d: {  	[spmem:s1] =	stream.indirect.scatter.add.f32 [tilespmem:s22], [sflag:$0x2], $0x10, s13, s29, $0xb8;
	[tilespmem:$0x19050] =	vst v63  }
0x19e: {  	_ =	swait.ge [sflag:s31], $0x3E80  }
0x19f: {  	[sflag:s31] =	ssyncset.done $0x0  }
0x1a0: {  	[sflag:s31] =	ssyncadd.s32 $0xFFFFC180  }
0x1a1: {  	[bflag:$0x0] =	sbarrier.arrive $0xFFFF  }
0x1a2: {  	s9 =	rddreg [dreg:$0x9]  }
0x1a3: {  	[tilespmem:s22], [sflag:$0x3] =	stream.linear.gather [spmem:s9], $0x2710, $0x38;
	[tilespmem:$0x19050] =	vst v63  }
0x1a4: {  	_ =	swait.ge [sflag:s25], $0x2710  }
0x1a5: {  	[sflag:s25] =	ssyncset.done $0x0  }
0x1a6: {  	s21 =	rddreg [dreg:$0x10];
	[sflag:s25] =	ssyncadd.s32 $0xFFFFD8F0  }
0x1a7: {  	[tilespmem:s28], [sflag:$0x3] =	stream.linear.gather [hbm4b:s21+s5], $0x2710, $0x38;
	[tilespmem:$0x19050] =	vst v63  }
0x1a8: {  	_ =	swait.ge [sflag:s25], $0x2710  }
0x1a9: {  	[sflag:s25] =	ssyncset.done $0x0  }
0x1aa: {  	s5 =	simm.s32 $0x0;
	[sflag:s25] =	ssyncadd.s32 $0xFFFFD8F0  }
0x1ab: {  	s21 =	simm.s32 $0x40;
	v1 =	vld [tilespmem:s5+$0xDAC0]  }
.LBB2_8:
0x1ac: {  	p1 =	sne.s32 s21, $0x9C00;
	v2 =	vld [tilespmem:s5+$0x9C40];
	_ =	sdelay $0x3  }
.Ltmp4:
0x1ad: {  	(pc) =	sbr.rel @p1 .LBB2_8-.Ltmp4, $3  }
0x1ae: {  	v1 =	vadd.f32 v1, v2;
	_ =	sdelay $0x1  }
0x1af: {  	s8 =	sshra.s32 s21, $0x2;
	v2 =	vmax.f32 v1, $0.0e+00  }
0x1b0: {  	s21 =	sadd.s32 $0x40, s21;
	v1 =	vld [tilespmem:s8+$0xDAC0];
	[tilespmem:s5+$0x9C40] =	vst v2;
	s5 =	smov.u32 s8  }
0x1b1: {  	v2 =	vld [tilespmem:s5+$0x9C40];
	_ =	sdelay $0x3  }
.Ltmp5:
0x1b2: {  	_ = 	snop;
	(pc) =	sbr.rel .LBB2_10-.Ltmp5, $3  }
0x1b3: {  	v1 =	vadd.f32 v1, v2;
	_ =	sdelay $0x1  }
0x1b4: {  	s21 =	rddreg [dreg:$0x11];
	v1 =	vmax.f32 v1, $0.0e+00  }
0x1b5: {  	[tilespmem:s5+$0x9C40] =	vst v1;
	s5 =	rddreg [dreg:$0x12]  }
.LBB2_4:
0x1b6: {  	s8 =	rddreg [dreg:$0x7]  }
0x1b7: {  	[tilespmem:s5], [sflag:$0x3] =	stream.linear.gather [hbm4b:s8+s5], $0x4E20, $0x38;
	[tilespmem:$0x19050] =	vst v63  }
0x1b8: {  	_ =	swait.ge [sflag:s25], $0x4E20  }
0x1b9: {  	[sflag:s25] =	ssyncset.done $0x0  }
0x1ba: {  	s21 =	rddreg [dreg:$0x15];
	[sflag:s25] =	ssyncadd.s32 $0xFFFFB1E0  }
0x1bb: {  	[tilespmem:s26], [sflag:$0x3] =	stream.linear.gather [hbm4b:s21+s5], $0x4E20, $0x38;
	[tilespmem:$0x19050] =	vst v63  }
0x1bc: {  	_ =	swait.ge [sflag:s25], $0x4E20  }
0x1bd: {  	[sflag:s25] =	ssyncset.done $0x0  }
0x1be: {  	s21 =	rddreg [dreg:$0x8];
	[sflag:s25] =	ssyncadd.s32 $0xFFFFB1E0  }
0x1bf: {  	[tilespmem:s28], [sflag:$0x3] =	stream.linear.gather [hbm4b:s21+s5], $0x2710, $0x38;
	[tilespmem:$0x19050] =	vst v63  }
0x1c0: {  	_ =	swait.ge [sflag:s25], $0x2710  }
0x1c1: {  	[sflag:s25] =	ssyncset.done $0x0  }
0x1c2: {  	[sflag:s25] =	ssyncadd.s32 $0xFFFFD8F0  }
0x1c3: {  	[spmem:s10] =	stream.linear.scatter [tilespmem:s28], [sflag:$0x3], $0x2710, $0x38;
	[tilespmem:$0x19050] =	vst v63  }
0x1c4: {  	_ =	swait.ge [sflag:s25], $0x2710  }
0x1c5: {  	[sflag:s25] =	ssyncset.done $0x0  }
0x1c6: {  	[sflag:s25] =	ssyncadd.s32 $0xFFFFD8F0  }
0x1c7: {  	[bflag:$0x0] =	sbarrier.arrive $0xFFFF  }
0x1c8: {  	[tilespmem:s22], [sflag:$0x1] =	stream.indirect.gather [spmem:s4], $0x10, s5, s29, $0xb8;
	[tilespmem:$0x19050] =	vst v63  }
0x1c9: {  	_ = 	snop  }
0x1ca: {  	[tilespmem:s28], [sflag:$0x1] =	stream.indirect.gather [spmem:s4], $0x10, s29, s29, $0xb8;
	[tilespmem:$0x19050] =	vst v63  }
0x1cb: {  	_ =	swait.ge [sflag:s30], $0x3E80  }
0x1cc: {  	[sflag:s30] =	ssyncset.done $0x0  }
0x1cd: {  	[sflag:s30] =	ssyncadd.s32 $0xFFFFC180  }
0x1ce: {  	[spmem:s1] =	stream.indirect.scatter.add.f32 [tilespmem:s22], [sflag:$0x2], $0x10, s26, s29, $0xb8;
	[tilespmem:$0x19050] =	vst v63  }
0x1cf: {  	_ =	swait.ge [sflag:s31], $0x3E80  }
0x1d0: {  	[sflag:s31] =	ssyncset.done $0x0  }
0x1d1: {  	s21 =	simm.s32 $0x7D0;
	[sflag:s31] =	ssyncadd.s32 $0xFFFFC180  }
0x1d2: {  	[tilespmem:s22], [sflag:$0x1] =	stream.indirect.gather [spmem:s4], $0x10, s21, s29, $0xb8;
	[tilespmem:$0x19050] =	vst v63  }
0x1d3: {  	_ =	swait.ge [sflag:s30], $0x3E80  }
0x1d4: {  	[sflag:s30] =	ssyncset.done $0x0  }
0x1d5: {  	s21 =	simm.s32 $0x5208;
	[sflag:s30] =	ssyncadd.s32 $0xFFFFC180  }
0x1d6: {  	[spmem:s1] =	stream.indirect.scatter.add.f32 [tilespmem:s28], [sflag:$0x2], $0x10, s21, s29, $0xb8;
	[tilespmem:$0x19050] =	vst v63  }
0x1d7: {  	_ =	swait.ge [sflag:s31], $0x3E80  }
0x1d8: {  	[sflag:s31] =	ssyncset.done $0x0  }
0x1d9: {  	s21 =	simm.s32 $0xBB8;
	[sflag:s31] =	ssyncadd.s32 $0xFFFFC180  }
0x1da: {  	[tilespmem:s28], [sflag:$0x1] =	stream.indirect.gather [spmem:s4], $0x10, s21, s29, $0xb8;
	[tilespmem:$0x19050] =	vst v63  }
0x1db: {  	_ =	swait.ge [sflag:s30], $0x3E80  }
0x1dc: {  	[sflag:s30] =	ssyncset.done $0x0  }
0x1dd: {  	s21 =	simm.s32 $0x55F0;
	[sflag:s30] =	ssyncadd.s32 $0xFFFFC180  }
0x1de: {  	[spmem:s1] =	stream.indirect.scatter.add.f32 [tilespmem:s22], [sflag:$0x2], $0x10, s21, s29, $0xb8;
	[tilespmem:$0x19050] =	vst v63  }
0x1df: {  	_ =	swait.ge [sflag:s31], $0x3E80  }
0x1e0: {  	[sflag:s31] =	ssyncset.done $0x0  }
0x1e1: {  	s21 =	simm.s32 $0xFA0;
	[sflag:s31] =	ssyncadd.s32 $0xFFFFC180  }
0x1e2: {  	[tilespmem:s22], [sflag:$0x1] =	stream.indirect.gather [spmem:s4], $0x10, s21, s29, $0xb8;
	[tilespmem:$0x19050] =	vst v63  }
0x1e3: {  	_ =	swait.ge [sflag:s30], $0x3E80  }
0x1e4: {  	[sflag:s30] =	ssyncset.done $0x0  }
0x1e5: {  	s21 =	simm.s32 $0x59D8;
	[sflag:s30] =	ssyncadd.s32 $0xFFFFC180  }
0x1e6: {  	[spmem:s1] =	stream.indirect.scatter.add.f32 [tilespmem:s28], [sflag:$0x2], $0x10, s21, s29, $0xb8;
	[tilespmem:$0x19050] =	vst v63  }
0x1e7: {  	_ =	swait.ge [sflag:s31], $0x3E80  }
0x1e8: {  	[sflag:s31] =	ssyncset.done $0x0  }
0x1e9: {  	[sflag:s31] =	ssyncadd.s32 $0xFFFFC180  }
0x1ea: {  	_ =	swait.ge [sflag:s30], $0x3E80  }
0x1eb: {  	[sflag:s30] =	ssyncset.done $0x0  }
0x1ec: {  	s21 =	simm.s32 $0x5DC0;
	[sflag:s30] =	ssyncadd.s32 $0xFFFFC180  }
0x1ed: {  	[spmem:s1] =	stream.indirect.scatter.add.f32 [tilespmem:s22], [sflag:$0x2], $0x10, s21, s29, $0xb8;
	[tilespmem:$0x19050] =	vst v63  }
0x1ee: {  	_ =	swait.ge [sflag:s31], $0x3E80  }
0x1ef: {  	[sflag:s31] =	ssyncset.done $0x0  }
0x1f0: {  	s21 =	simm.s32 $0x1388;
	[sflag:s31] =	ssyncadd.s32 $0xFFFFC180  }
0x1f1: {  	[tilespmem:s22], [sflag:$0x1] =	stream.indirect.gather [spmem:s4], $0x10, s21, s29, $0xb8;
	[tilespmem:$0x19050] =	vst v63  }
0x1f2: {  	s21 =	simm.s32 $0x1770  }
0x1f3: {  	[tilespmem:s28], [sflag:$0x1] =	stream.indirect.gather [spmem:s4], $0x10, s21, s29, $0xb8;
	[tilespmem:$0x19050] =	vst v63  }
0x1f4: {  	_ =	swait.ge [sflag:s30], $0x3E80  }
0x1f5: {  	[sflag:s30] =	ssyncset.done $0x0  }
0x1f6: {  	s21 =	simm.s32 $0x61A8;
	[sflag:s30] =	ssyncadd.s32 $0xFFFFC180  }
0x1f7: {  	[spmem:s1] =	stream.indirect.scatter.add.f32 [tilespmem:s22], [sflag:$0x2], $0x10, s21, s29, $0xb8;
	[tilespmem:$0x19050] =	vst v63  }
0x1f8: {  	_ =	swait.ge [sflag:s31], $0x3E80  }
0x1f9: {  	[sflag:s31] =	ssyncset.done $0x0  }
0x1fa: {  	s21 =	simm.s32 $0x1B58;
	[sflag:s31] =	ssyncadd.s32 $0xFFFFC180  }
0x1fb: {  	[tilespmem:s22], [sflag:$0x1] =	stream.indirect.gather [spmem:s4], $0x10, s21, s29, $0xb8;
	[tilespmem:$0x19050] =	vst v63  }
0x1fc: {  	_ =	swait.ge [sflag:s30], $0x3E80  }
0x1fd: {  	[sflag:s30] =	ssyncset.done $0x0  }
0x1fe: {  	s21 =	simm.s32 $0x6590;
	[sflag:s30] =	ssyncadd.s32 $0xFFFFC180  }
0x1ff: {  	[spmem:s1] =	stream.indirect.scatter.add.f32 [tilespmem:s28], [sflag:$0x2], $0x10, s21, s29, $0xb8;
	[tilespmem:$0x19050] =	vst v63  }
0x200: {  	_ =	swait.ge [sflag:s31], $0x3E80  }
0x201: {  	[sflag:s31] =	ssyncset.done $0x0  }
0x202: {  	s21 =	simm.s32 $0x1F40;
	[sflag:s31] =	ssyncadd.s32 $0xFFFFC180  }
0x203: {  	[tilespmem:s28], [sflag:$0x1] =	stream.indirect.gather [spmem:s4], $0x10, s21, s29, $0xb8;
	[tilespmem:$0x19050] =	vst v63  }
0x204: {  	_ =	swait.ge [sflag:s30], $0x3E80  }
0x205: {  	[sflag:s30] =	ssyncset.done $0x0  }
0x206: {  	s21 =	simm.s32 $0x6978;
	[sflag:s30] =	ssyncadd.s32 $0xFFFFC180  }
0x207: {  	[spmem:s1] =	stream.indirect.scatter.add.f32 [tilespmem:s22], [sflag:$0x2], $0x10, s21, s29, $0xb8;
	[tilespmem:$0x19050] =	vst v63  }
0x208: {  	_ =	swait.ge [sflag:s31], $0x3E80  }
0x209: {  	[sflag:s31] =	ssyncset.done $0x0  }
0x20a: {  	s21 =	simm.s32 $0x2328;
	[sflag:s31] =	ssyncadd.s32 $0xFFFFC180  }
0x20b: {  	[tilespmem:s22], [sflag:$0x1] =	stream.indirect.gather [spmem:s4], $0x10, s21, s29, $0xb8;
	[tilespmem:$0x19050] =	vst v63  }
0x20c: {  	_ =	swait.ge [sflag:s30], $0x3E80  }
0x20d: {  	[sflag:s30] =	ssyncset.done $0x0  }
0x20e: {  	s21 =	simm.s32 $0x6D60;
	[sflag:s30] =	ssyncadd.s32 $0xFFFFC180  }
0x20f: {  	[spmem:s1] =	stream.indirect.scatter.add.f32 [tilespmem:s28], [sflag:$0x2], $0x10, s21, s29, $0xb8;
	[tilespmem:$0x19050] =	vst v63  }
0x210: {  	_ =	swait.ge [sflag:s31], $0x3E80  }
0x211: {  	[sflag:s31] =	ssyncset.done $0x0  }
0x212: {  	[sflag:s31] =	ssyncadd.s32 $0xFFFFC180  }
0x213: {  	_ =	swait.ge [sflag:s30], $0x3E80  }
0x214: {  	[sflag:s30] =	ssyncset.done $0x0  }
0x215: {  	s21 =	simm.s32 $0x7148;
	[sflag:s30] =	ssyncadd.s32 $0xFFFFC180  }
0x216: {  	[spmem:s1] =	stream.indirect.scatter.add.f32 [tilespmem:s22], [sflag:$0x2], $0x10, s21, s29, $0xb8;
	[tilespmem:$0x19050] =	vst v63  }
0x217: {  	_ =	swait.ge [sflag:s31], $0x3E80  }
0x218: {  	[sflag:s31] =	ssyncset.done $0x0  }
0x219: {  	s21 =	simm.s32 $0x2710;
	[sflag:s31] =	ssyncadd.s32 $0xFFFFC180  }
0x21a: {  	[tilespmem:s22], [sflag:$0x1] =	stream.indirect.gather [spmem:s4], $0x10, s21, s29, $0xb8;
	[tilespmem:$0x19050] =	vst v63  }
0x21b: {  	s21 =	simm.s32 $0x2AF8  }
0x21c: {  	[tilespmem:s28], [sflag:$0x1] =	stream.indirect.gather [spmem:s4], $0x10, s21, s29, $0xb8;
	[tilespmem:$0x19050] =	vst v63  }
0x21d: {  	_ =	swait.ge [sflag:s30], $0x3E80  }
0x21e: {  	[sflag:s30] =	ssyncset.done $0x0  }
0x21f: {  	s21 =	simm.s32 $0x7530;
	[sflag:s30] =	ssyncadd.s32 $0xFFFFC180  }
0x220: {  	[spmem:s1] =	stream.indirect.scatter.add.f32 [tilespmem:s22], [sflag:$0x2], $0x10, s21, s29, $0xb8;
	[tilespmem:$0x19050] =	vst v63  }
0x221: {  	_ =	swait.ge [sflag:s31], $0x3E80  }
0x222: {  	[sflag:s31] =	ssyncset.done $0x0  }
0x223: {  	s21 =	simm.s32 $0x2EE0;
	[sflag:s31] =	ssyncadd.s32 $0xFFFFC180  }
0x224: {  	[tilespmem:s22], [sflag:$0x1] =	stream.indirect.gather [spmem:s4], $0x10, s21, s29, $0xb8;
	[tilespmem:$0x19050] =	vst v63  }
0x225: {  	_ =	swait.ge [sflag:s30], $0x3E80  }
0x226: {  	[sflag:s30] =	ssyncset.done $0x0  }
0x227: {  	s21 =	simm.s32 $0x7918;
	[sflag:s30] =	ssyncadd.s32 $0xFFFFC180  }
0x228: {  	[spmem:s1] =	stream.indirect.scatter.add.f32 [tilespmem:s28], [sflag:$0x2], $0x10, s21, s29, $0xb8;
	[tilespmem:$0x19050] =	vst v63  }
0x229: {  	_ =	swait.ge [sflag:s31], $0x3E80  }
0x22a: {  	[sflag:s31] =	ssyncset.done $0x0  }
0x22b: {  	[sflag:s31] =	ssyncadd.s32 $0xFFFFC180  }
0x22c: {  	[tilespmem:s28], [sflag:$0x1] =	stream.indirect.gather [spmem:s4], $0x10, s9, s29, $0xb8;
	[tilespmem:$0x19050] =	vst v63  }
0x22d: {  	_ =	swait.ge [sflag:s30], $0x3E80  }
0x22e: {  	[sflag:s30] =	ssyncset.done $0x0  }
0x22f: {  	s21 =	simm.s32 $0x7D00;
	[sflag:s30] =	ssyncadd.s32 $0xFFFFC180  }
0x230: {  	[spmem:s1] =	stream.indirect.scatter.add.f32 [tilespmem:s22], [sflag:$0x2], $0x10, s21, s29, $0xb8;
	[tilespmem:$0x19050] =	vst v63  }
0x231: {  	_ =	swait.ge [sflag:s31], $0x3E80  }
0x232: {  	[sflag:s31] =	ssyncset.done $0x0  }
0x233: {  	[sflag:s31] =	ssyncadd.s32 $0xFFFFC180  }
0x234: {  	[tilespmem:s22], [sflag:$0x1] =	stream.indirect.gather [spmem:s4], $0x10, s16, s29, $0xb8;
	[tilespmem:$0x19050] =	vst v63  }
0x235: {  	_ =	swait.ge [sflag:s30], $0x3E80  }
0x236: {  	[sflag:s30] =	ssyncset.done $0x0  }
0x237: {  	[sflag:s30] =	ssyncadd.s32 $0xFFFFC180  }
0x238: {  	[spmem:s1] =	stream.indirect.scatter.add.f32 [tilespmem:s28], [sflag:$0x2], $0x10, s17, s29, $0xb8;
	[tilespmem:$0x19050] =	vst v63  }
0x239: {  	_ =	swait.ge [sflag:s31], $0x3E80  }
0x23a: {  	[sflag:s31] =	ssyncset.done $0x0  }
0x23b: {  	[sflag:s31] =	ssyncadd.s32 $0xFFFFC180  }
0x23c: {  	_ =	swait.ge [sflag:s30], $0x3E80  }
0x23d: {  	[sflag:s30] =	ssyncset.done $0x0  }
0x23e: {  	[sflag:s30] =	ssyncadd.s32 $0xFFFFC180  }
0x23f: {  	[spmem:s1] =	stream.indirect.scatter.add.f32 [tilespmem:s22], [sflag:$0x2], $0x10, s18, s29, $0xb8;
	[tilespmem:$0x19050] =	vst v63  }
0x240: {  	_ =	swait.ge [sflag:s31], $0x3E80  }
0x241: {  	[sflag:s31] =	ssyncset.done $0x0  }
0x242: {  	[sflag:s31] =	ssyncadd.s32 $0xFFFFC180  }
0x243: {  	[tilespmem:s22], [sflag:$0x1] =	stream.indirect.gather [spmem:s4], $0x10, s14, s29, $0xb8;
	[tilespmem:$0x19050] =	vst v63  }
0x244: {  	_ = 	snop  }
0x245: {  	[tilespmem:s28], [sflag:$0x1] =	stream.indirect.gather [spmem:s4], $0x10, s15, s29, $0xb8;
	[tilespmem:$0x19050] =	vst v63  }
0x246: {  	_ =	swait.ge [sflag:s30], $0x3E80  }
0x247: {  	[sflag:s30] =	ssyncset.done $0x0  }
0x248: {  	[sflag:s30] =	ssyncadd.s32 $0xFFFFC180  }
0x249: {  	[spmem:s1] =	stream.indirect.scatter.add.f32 [tilespmem:s22], [sflag:$0x2], $0x10, s23, s29, $0xb8;
	[tilespmem:$0x19050] =	vst v63  }
0x24a: {  	_ =	swait.ge [sflag:s31], $0x3E80  }
0x24b: {  	[sflag:s31] =	ssyncset.done $0x0  }
0x24c: {  	[sflag:s31] =	ssyncadd.s32 $0xFFFFC180  }
0x24d: {  	[tilespmem:s22], [sflag:$0x1] =	stream.indirect.gather [spmem:s4], $0x10, s24, s29, $0xb8;
	[tilespmem:$0x19050] =	vst v63  }
0x24e: {  	_ =	swait.ge [sflag:s30], $0x3E80  }
0x24f: {  	[sflag:s30] =	ssyncset.done $0x0  }
0x250: {  	[sflag:s30] =	ssyncadd.s32 $0xFFFFC180  }
0x251: {  	[spmem:s1] =	stream.indirect.scatter.add.f32 [tilespmem:s28], [sflag:$0x2], $0x10, s19, s29, $0xb8;
	[tilespmem:$0x19050] =	vst v63  }
0x252: {  	_ =	swait.ge [sflag:s31], $0x3E80  }
0x253: {  	[sflag:s31] =	ssyncset.done $0x0  }
0x254: {  	[sflag:s31] =	ssyncadd.s32 $0xFFFFC180  }
0x255: {  	[tilespmem:s28], [sflag:$0x1] =	stream.indirect.gather [spmem:s4], $0x10, s20, s29, $0xb8;
	[tilespmem:$0x19050] =	vst v63  }
0x256: {  	_ =	swait.ge [sflag:s30], $0x3E80  }
0x257: {  	[sflag:s30] =	ssyncset.done $0x0  }
0x258: {  	[sflag:s30] =	ssyncadd.s32 $0xFFFFC180  }
0x259: {  	[spmem:s1] =	stream.indirect.scatter.add.f32 [tilespmem:s22], [sflag:$0x2], $0x10, s3, s29, $0xb8;
	[tilespmem:$0x19050] =	vst v63  }
0x25a: {  	_ =	swait.ge [sflag:s31], $0x3E80  }
0x25b: {  	[sflag:s31] =	ssyncset.done $0x0  }
0x25c: {  	[sflag:s31] =	ssyncadd.s32 $0xFFFFC180  }
0x25d: {  	[tilespmem:s22], [sflag:$0x1] =	stream.indirect.gather [spmem:s4], $0x10, s6, s29, $0xb8;
	[tilespmem:$0x19050] =	vst v63  }
0x25e: {  	_ =	swait.ge [sflag:s30], $0x3E80  }
0x25f: {  	[sflag:s30] =	ssyncset.done $0x0  }
0x260: {  	[sflag:s30] =	ssyncadd.s32 $0xFFFFC180  }
0x261: {  	[spmem:s1] =	stream.indirect.scatter.add.f32 [tilespmem:s28], [sflag:$0x2], $0x10, s11, s29, $0xb8;
	[tilespmem:$0x19050] =	vst v63  }
0x262: {  	_ =	swait.ge [sflag:s31], $0x3E80  }
0x263: {  	[sflag:s31] =	ssyncset.done $0x0  }
0x264: {  	[sflag:s31] =	ssyncadd.s32 $0xFFFFC180  }
0x265: {  	_ =	swait.ge [sflag:s30], $0x3E80  }
0x266: {  	[sflag:s30] =	ssyncset.done $0x0  }
0x267: {  	[sflag:s30] =	ssyncadd.s32 $0xFFFFC180  }
0x268: {  	[spmem:s1] =	stream.indirect.scatter.add.f32 [tilespmem:s22], [sflag:$0x2], $0x10, s13, s29, $0xb8;
	[tilespmem:$0x19050] =	vst v63  }
0x269: {  	_ =	swait.ge [sflag:s31], $0x3E80  }
0x26a: {  	[sflag:s31] =	ssyncset.done $0x0  }
0x26b: {  	[sflag:s31] =	ssyncadd.s32 $0xFFFFC180  }
0x26c: {  	[bflag:$0x0] =	sbarrier.arrive $0xFFFF  }
0x26d: {  	s9 =	rddreg [dreg:$0x9]  }
0x26e: {  	[tilespmem:s22], [sflag:$0x3] =	stream.linear.gather [spmem:s9], $0x2710, $0x38;
	[tilespmem:$0x19050] =	vst v63  }
0x26f: {  	_ =	swait.ge [sflag:s25], $0x2710  }
0x270: {  	[sflag:s25] =	ssyncset.done $0x0  }
0x271: {  	s21 =	rddreg [dreg:$0xa];
	[sflag:s25] =	ssyncadd.s32 $0xFFFFD8F0  }
0x272: {  	[tilespmem:s28], [sflag:$0x3] =	stream.linear.gather [hbm4b:s21+s5], $0x2710, $0x38;
	[tilespmem:$0x19050] =	vst v63  }
0x273: {  	_ =	swait.ge [sflag:s25], $0x2710  }
0x274: {  	[sflag:s25] =	ssyncset.done $0x0  }
0x275: {  	s5 =	simm.s32 $0x0;
	[sflag:s25] =	ssyncadd.s32 $0xFFFFD8F0  }
0x276: {  	s21 =	simm.s32 $0x40;
	v1 =	vld [tilespmem:s5+$0xDAC0]  }
.LBB2_5:
0x277: {  	p1 =	seq.s32 s21, $0x9C00;
	v2 =	vld [tilespmem:s5+$0x9C40];
	_ =	sdelay $0x3  }
.Ltmp6:
0x278: {  	(pc) =	sbr.rel @!p1 .LBB2_5-.Ltmp6, $3  }
0x279: {  	v1 =	vadd.f32 v1, v2;
	_ =	sdelay $0x1  }
0x27a: {  	s8 =	sshra.s32 s21, $0x2;
	v2 =	vmax.f32 v1, $0.0e+00  }
0x27b: {  	s21 =	sadd.s32 $0x40, s21;
	v1 =	vld [tilespmem:s8+$0xDAC0];
	[tilespmem:s5+$0x9C40] =	vst v2;
	s5 =	smov.u32 s8  }
.Ltmp7:
0x27c: {  	_ = 	snop;
	(pc) =	sbr.rel .LBB2_6-.Ltmp7, $1  }
0x27d: {  	_ =	sdelay $0x3  }
.LBB2_11:
0x27e: {  	_ =	sfence.sel $0x180000  }
0x27f: {  	[bflag:$0x0] =	sbarrier.arrive $0xFFFF  }
0x280: {  	_ =	strace $0x90000047  }
0x281: {  	s0 =	stileid.u32;
	[bflag:$0x2] =	sbarrier.arrive $0xFFFF  }
0x282: {  	p0 =	sne.s32 s0, $0x0;
	s0 =	rddreg [dreg:$0x5]  }
0x283: {  	s0 =	sadd.s32 @!p0 $0x100000, s0  }
0x284: {  	[sflag:s0] =	ssyncadd.tile.s32 @!p0 $0x1;
	_ =	shalt  }
.Lfunc_end2:
_tile_overlayer_lowered:
.L_overlay_start_2:
0x285: {  	(tag) =	ssettag $0x2  }
0x286: {  	s0 =	rddreg [dreg:$0x0];
	s2 =	stileid.u32  }
0x287: {  	s1 =	rddreg [dreg:$0x1];
	p0 =	sne.s32 s2, $0x0  }
0x288: {  	s3 =	rddreg [dreg:$0x2];
	[bflag:$0x3] =	sbarrier.arrive $0xFFFF;
	s2 =	simm.s32 @!p0 $0x1C03  }
0x289: {  	[timem:s3], [sflag:s2] =	dma.local @!p0 [hbm:s0], s1  }
0x28a: {  	s0 =	simm.s32 @!p0 $0x3  }
0x28b: {  	_ =	swait.ge @!p0 [sflag:s0], s1  }
0x28c: {  	s1 =	ssub.s32 @!p0 $0x0, s1;
	[sflag:s0] =	ssyncset.done @!p0 $0x0  }
0x28d: {  	[sflag:s0] =	ssyncadd.s32 @!p0 s1  }
0x28e: {  	[bflag:$0x3] =	sbarrier.arrive $0xFFFF  }
0x28f: {  	_ =	shalt  }

</sc_bundles>
